<compile_context>
chip_gen: v7x
topology: tpu7x:2x2x1
jax: 0.10.2.dev20260603
libtpu: 0.0.44.dev20260713+nightly
codegen_flags: <defaults>
</compile_context>

<pallas_src>
import jax
import jax.numpy as jnp
from jax import lax
from jax.experimental import pallas as pl
from jax.experimental.pallas import tpu as pltpu
from jax.experimental.pallas import tpu_sc as plsc

N_ANCHORS = 5000
N_PAD = 5120
ROWS, COLS = 40, 128
K_MAX = 100
IMG_H = IMG_W = 1024.0
SCORE_THRESH = 0.5
IOU_THRESH = 0.1
NEG = -1.0e30

NTILES = 16
PER_TILE = N_PAD // NTILES
VPER = PER_TILE // 16
SLOT = 128


def _decode_body(ax1, ay1, ax2, ay2, r0, r1, r2, r3, sc, out_ref):
    ax1 = ax1[...]
    ay1 = ay1[...]
    ax2 = ax2[...]
    ay2 = ay2[...]
    widths = ax2 - ax1
    heights = ay2 - ay1
    ctr_x = ax1 + 0.5 * widths
    ctr_y = ay1 + 0.5 * heights
    dx = r0[...] * 0.1
    dy = r1[...] * 0.1
    dw = r2[...] * 0.2
    dh = r3[...] * 0.2
    pred_ctr_x = ctr_x + dx * widths
    pred_ctr_y = ctr_y + dy * heights
    pred_w = jnp.exp(dw) * widths
    pred_h = jnp.exp(dh) * heights
    x1 = jnp.clip(pred_ctr_x - 0.5 * pred_w, 0.0, IMG_W)
    y1 = jnp.clip(pred_ctr_y - 0.5 * pred_h, 0.0, IMG_H)
    x2 = jnp.clip(pred_ctr_x + 0.5 * pred_w, 0.0, IMG_W)
    y2 = jnp.clip(pred_ctr_y + 0.5 * pred_h, 0.0, IMG_H)
    areas = jnp.maximum(x2 - x1, 0.0) * jnp.maximum(y2 - y1, 0.0)
    scores = sc[...]
    masked = jnp.where(scores > SCORE_THRESH, scores, NEG)
    out_ref[0:ROWS, :] = x1
    out_ref[ROWS:2 * ROWS, :] = y1
    out_ref[2 * ROWS:3 * ROWS, :] = x2
    out_ref[3 * ROWS:4 * ROWS, :] = y2
    out_ref[4 * ROWS:5 * ROWS, :] = areas
    out_ref[5 * ROWS:6 * ROWS, :] = masked


def _sc_nms(data_hbm, out_hbm, bufv, stage, shared, rb, outv):
    cid = lax.axis_index("c")
    tid = lax.axis_index("s")
    lane = lax.iota(jnp.int32, 16)

    @pl.when(cid == 0)
    def _():
        base = tid * PER_TILE
        for f in range(6):
            pltpu.sync_copy(data_hbm.at[pl.ds(f * N_PAD + base, PER_TILE)],
                            bufv.at[pl.ds(f * PER_TILE, PER_TILE)])

        zero16 = jnp.zeros((16,), jnp.float32)
        for q in range(SLOT // 16):
            stage[pl.ds(q * 16, 16)] = zero16

        @pl.when(tid == 0)
        def _():
            for r in range(K_MAX):
                outv[pl.ds(r * 16, 16)] = zero16

        def local_rec(bestv, besti):
            m_loc = jnp.max(bestv)
            i_loc = jnp.min(jnp.where(bestv == m_loc, besti, jnp.int32(1 << 30)))
            g = plsc.load_gather(
                bufv, [jnp.minimum(lane, 4) * PER_TILE + i_loc])
            gidx_f = (base + i_loc).astype(jnp.float32)
            return jnp.where(lane == 5, jnp.full((16,), m_loc),
                   jnp.where(lane == 6, jnp.full((16,), gidx_f), g))

        bestv = jnp.full((16,), NEG, jnp.float32)
        besti = jnp.zeros((16,), jnp.int32)
        sc_regs = []
        for j in range(VPER):
            v = bufv[pl.ds(5 * PER_TILE + j * 16, 16)]
            upd = v > bestv
            besti = jnp.where(upd, lane + (j * 16), besti)
            bestv = jnp.where(upd, v, bestv)
            sc_regs.append(v)
        rec0 = local_rec(bestv, besti)

        def body(k, carry):
            nk, rec = carry[0], carry[1]
            scs = carry[2:]
            buf = lax.rem(k, 2)
            stage[pl.ds(0, 16)] = rec
            pltpu.sync_copy(stage, shared.at[buf, tid])
            plsc.subcore_barrier()
            pltpu.sync_copy(shared.at[buf], rb)
            five = jnp.full((16,), 5, jnp.int32)
            sc16 = plsc.load_gather(rb, [lane, five])
            ix16 = plsc.load_gather(rb, [lane, five + 1])
            m = jnp.max(sc16)
            has = m > NEG * 0.5
            wix = jnp.min(jnp.where(sc16 == m, ix16, jnp.float32(1e9)))
            onehot = (sc16 == m) & (ix16 == wix)
            tsel = jnp.min(jnp.where(onehot, lane, jnp.int32(99)))
            tsplat = jnp.full((16,), tsel, jnp.int32)
            wrec = plsc.load_gather(rb, [tsplat, jnp.minimum(lane, 4)])
            bx1 = plsc.load_gather(rb, [tsplat, jnp.zeros((16,), jnp.int32)])
            by1 = plsc.load_gather(rb, [tsplat, jnp.full((16,), 1, jnp.int32)])
            bx2 = plsc.load_gather(rb, [tsplat, jnp.full((16,), 2, jnp.int32)])
            by2 = plsc.load_gather(rb, [tsplat, jnp.full((16,), 3, jnp.int32)])
            bar = plsc.load_gather(rb, [tsplat, jnp.full((16,), 4, jnp.int32)])
            hasv = jnp.full((16,), jnp.where(has, 1.0, 0.0)) > 0.5
            bestv = jnp.full((16,), NEG, jnp.float32)
            besti = jnp.zeros((16,), jnp.int32)
            new_scs = []
            for j in range(VPER):
                xx1 = jnp.maximum(bx1, bufv[pl.ds(j * 16, 16)])
                yy1 = jnp.maximum(by1, bufv[pl.ds(PER_TILE + j * 16, 16)])
                xx2 = jnp.minimum(bx2, bufv[pl.ds(2 * PER_TILE + j * 16, 16)])
                yy2 = jnp.minimum(by2, bufv[pl.ds(3 * PER_TILE + j * 16, 16)])
                av = bufv[pl.ds(4 * PER_TILE + j * 16, 16)]
                inter = jnp.maximum(xx2 - xx1, 0.0) * jnp.maximum(yy2 - yy1, 0.0)
                iou = inter / jnp.maximum(bar + av - inter, 1e-9)
                supp = (iou > IOU_THRESH) & hasv
                v = jnp.where(supp, NEG, scs[j])
                upd = v > bestv
                besti = jnp.where(upd, lane + (j * 16), besti)
                bestv = jnp.where(upd, v, bestv)
                new_scs.append(v)
            rec_next = local_rec(bestv, besti)

            @pl.when((tid == 0) & has)
            def _():
                row = jnp.where(lane < 4, wrec,
                      jnp.where(lane == 4, jnp.full((16,), m),
                                jnp.zeros((16,), jnp.float32)))
                outv[pl.ds(nk * 16, 16)] = row

            nk = nk + jnp.where(has, 1, 0).astype(jnp.int32)
            return (nk, rec_next) + tuple(new_scs)

        lax.fori_loop(0, K_MAX, body, (jnp.int32(0), rec0) + tuple(sc_regs))

        @pl.when(tid == 0)
        def _():
            pltpu.sync_copy(outv, out_hbm)


_sc_mesh = plsc.VectorSubcoreMesh(
    core_axis_name="c", subcore_axis_name="s", num_cores=2, num_subcores=16)

_sc_call = pl.kernel(
    _sc_nms,
    out_type=jax.ShapeDtypeStruct((K_MAX * 16,), jnp.float32),
    mesh=_sc_mesh,
    compiler_params=pltpu.CompilerParams(needs_layout_passes=False),
    scratch_types=[
        pltpu.VMEM((6 * PER_TILE,), jnp.float32),
        pltpu.VMEM((SLOT,), jnp.float32),
        pltpu.VMEM_SHARED((2, NTILES, SLOT), jnp.float32),
        pltpu.VMEM((NTILES, SLOT), jnp.float32),
        pltpu.VMEM((K_MAX * 16,), jnp.float32),
    ],
)


def _pad2d(v):
    return jnp.pad(v, (0, N_PAD - N_ANCHORS)).reshape(ROWS, COLS)


@jax.jit
def kernel(classification, regression, anchors):
    a = anchors[0]
    r = regression[0]
    parts = [_pad2d(a[:, k]) for k in range(4)]
    parts += [_pad2d(r[:, k]) for k in range(4)]
    parts.append(_pad2d(classification[0, :, 1]))
    planes = pl.pallas_call(
        _decode_body,
        out_shape=jax.ShapeDtypeStruct((6 * ROWS, COLS), jnp.float32),
        in_specs=[pl.BlockSpec((ROWS, COLS), lambda: (0, 0))] * 9,
        out_specs=pl.BlockSpec((6 * ROWS, COLS), lambda: (0, 0)),
    )(*parts)
    out = _sc_call(planes.reshape(6 * N_PAD))
    return out.reshape(K_MAX, 16)[:, :5]

# --- scband reference (transcript-rebuilt; emitter-appended) ---
"""Pipeline reference for scband-model-wrapper-25443386262295 (READ-ONLY COPY).

The authoritative reference and input builder live on the scoring server;
editing this copy changes nothing except your own understanding.
"""

import jax, jax.numpy as jnp
import numpy as np

N_ANCHORS = 5000
K_MAX = 100
IMG_H, IMG_W = 1024.0, 1024.0
IN_H, IN_W = 1024.0, 1024.0
SCORE_THRESH = 0.5
IOU_THRESH = 0.1


def setup_inputs(seed: int = 0):
    key = jax.random.key(seed)
    k1, k2, k3, k4, k5 = jax.random.split(key, 5)
    classification = jax.random.uniform(k1, (1, N_ANCHORS, 2), dtype=jnp.float32)
    regression = jax.random.normal(k2, (1, N_ANCHORS, 4), dtype=jnp.float32)
    cx = jax.random.uniform(k3, (N_ANCHORS,), dtype=jnp.float32) * IMG_W
    cy = jax.random.uniform(k4, (N_ANCHORS,), dtype=jnp.float32) * IMG_H
    wh = 16.0 + jax.random.uniform(k5, (N_ANCHORS, 2), dtype=jnp.float32) * 112.0
    anchors = jnp.stack([cx - 0.5 * wh[:, 0], cy - 0.5 * wh[:, 1], cx + 0.5 * wh[:, 0], cy + 0.5 * wh[:, 1]], axis=1)[None]
    return {"classification": classification, "regression": regression, "anchors": anchors}


def _decode_boxes(anchors, regression):
    # BBoxTransform (RetinaNet-style, mean=0, std=[0.1,0.1,0.2,0.2]) + ClipBoxes
    widths = anchors[:, :, 2] - anchors[:, :, 0]
    heights = anchors[:, :, 3] - anchors[:, :, 1]
    ctr_x = anchors[:, :, 0] + 0.5 * widths
    ctr_y = anchors[:, :, 1] + 0.5 * heights
    dx = regression[:, :, 0] * 0.1
    dy = regression[:, :, 1] * 0.1
    dw = regression[:, :, 2] * 0.2
    dh = regression[:, :, 3] * 0.2
    pred_ctr_x = ctr_x + dx * widths
    pred_ctr_y = ctr_y + dy * heights
    pred_w = jnp.exp(dw) * widths
    pred_h = jnp.exp(dh) * heights
    x1 = jnp.clip(pred_ctr_x - 0.5 * pred_w, 0.0, IMG_W)
    y1 = jnp.clip(pred_ctr_y - 0.5 * pred_h, 0.0, IMG_H)
    x2 = jnp.clip(pred_ctr_x + 0.5 * pred_w, 0.0, IMG_W)
    y2 = jnp.clip(pred_ctr_y + 0.5 * pred_h, 0.0, IMG_H)
    return jnp.stack([x1, y1, x2, y2], axis=2)


def _greedy_nms(boxes, scores, valid):
    # faithful greedy hard-NMS (torchvision.ops.nms semantics), iou_threshold=0.1
    areas = jnp.maximum(boxes[:, 2] - boxes[:, 0], 0.0) * jnp.maximum(boxes[:, 3] - boxes[:, 1], 0.0)
    slot = jnp.arange(K_MAX, dtype=jnp.int32)

    def body(_, state):
        suppressed, keep_idx, n_keep = state
        masked_scores = jnp.where(suppressed, -jnp.inf, scores)
        i = jnp.argmax(masked_scores).astype(jnp.int32)
        has_pick = jnp.logical_not(suppressed[i])
        xx1 = jnp.maximum(boxes[i, 0], boxes[:, 0])
        yy1 = jnp.maximum(boxes[i, 1], boxes[:, 1])
        xx2 = jnp.minimum(boxes[i, 2], boxes[:, 2])
        yy2 = jnp.minimum(boxes[i, 3], boxes[:, 3])
        inter = jnp.maximum(xx2 - xx1, 0.0) * jnp.maximum(yy2 - yy1, 0.0)
        iou = inter / jnp.maximum(areas[i] + areas - inter, 1e-9)
        suppressed = jnp.where(has_pick, suppressed | (iou > IOU_THRESH), suppressed)
        keep_idx = jnp.where(has_pick & (slot == n_keep), i, keep_idx)
        n_keep = n_keep + has_pick.astype(jnp.int32)
        return suppressed, keep_idx, n_keep

    suppressed0 = jnp.logical_not(valid)
    keep_idx0 = jnp.zeros(K_MAX, dtype=jnp.int32)
    suppressed, keep_idx, n_keep = jax.lax.fori_loop(
        0, K_MAX, body, (suppressed0, keep_idx0, jnp.int32(0))
    )
    valid_mask = (slot < n_keep).astype(jnp.float32)
    return keep_idx, valid_mask


def reference(classification, regression, anchors):
    boxes = _decode_boxes(anchors, regression)[0]
    scores = classification[0, :, 1]
    valid = scores > SCORE_THRESH
    keep_idx, vm = _greedy_nms(boxes, scores, valid)
    sx = IN_W / IMG_W
    sy = IN_H / IMG_H
    scale = jnp.array([sx, sy, sx, sy], dtype=jnp.float32)
    boxes_k = boxes[keep_idx] * scale[None, :] * vm[:, None]
    scores_k = scores[keep_idx] * vm
    # fixed-size padded detections: [K_MAX, 5] = (x1, y1, x2, y2, score), zero-padded
    return jnp.concatenate([boxes_k, scores_k[:, None]], axis=1)

if __name__ == "__main__":
    import jax
    _d = setup_inputs()
    print(jax.jit(kernel)(*tuple(_d.values())))

</pallas_src>

<mosaic_0001>
#map = affine_map<(d0, d1) -> (0)>
module attributes {stable_mosaic.version = 14 : i64} {
  func.func @_sc_nms(%arg0: i32, %arg1: i32, %arg2: memref<30720xf32, #tpu.memory_space<hbm>>, %arg3: memref<1600xf32, #tpu.memory_space<hbm>>, %arg4: memref<1920xf32, #tpu.memory_space<vmem>>, %arg5: memref<128xf32, #tpu.memory_space<vmem>>, %arg6: memref<2x16x128xf32, #tpu.memory_space<vmem_shared>>, %arg7: memref<16x128xf32, #tpu.memory_space<vmem>>, %arg8: memref<1600xf32, #tpu.memory_space<vmem>>) attributes {dimension_semantics = [#tpu.dimension_semantics<core_parallel>, #tpu.dimension_semantics<subcore_parallel>], iteration_bounds = array<i64: 2, 16>, scalar_prefetch = 0 : i64, scratch_operands = 5 : i64, tpu.core_type = #tpu.core_type<sc_vector_subcore>, window_params = [{transform_indices = #map}, {transform_indices = #map}]} {
    %iota3A = tpu.iota {dimensions = array<i32: 0>} : vector<16xi32>
    %eq3A = arith.constant 0 : i32
    %eq3A_0 = arith.cmpi eq, %arg0, %eq3A : i32
    %convert_element_type3A = arith.extui %eq3A_0 : i1 to i32
    %cond3A = arith.constant 0 : i32
    %cond3A_1 = arith.cmpi ne, %convert_element_type3A, %cond3A : i32
    scf.if %cond3A_1 {
      %mul3A = arith.constant 320 : i32
      %mul3A_2 = arith.muli %arg1, %mul3A : i32
      %add3A = arith.constant 0 : i32
      %add3A_3 = arith.addi %add3A, %mul3A_2 : i32
      "tpu.region"() ({
        %run_scoped3A = tpu.sem_alloc : memref<!tpu.dma_semaphore, #tpu.memory_space<semaphore_mem>>
        %dma_start3A = arith.constant 0 : i32
        %dma_start3A_240 = tpu.memref_slice %arg4[%dma_start3A] : memref<1920xf32, #tpu.memory_space<vmem>> -> memref<320xf32, #tpu.memory_space<vmem>>
        %dma_start3A_241 = tpu.memref_slice %arg2[%add3A_3] : memref<30720xf32, #tpu.memory_space<hbm>> -> memref<320xf32, #tpu.memory_space<hbm>>
        %dma_start3A_242 = arith.constant 0 : i32
        %dma_start3A_243 = tpu.memref_slice %arg4[%dma_start3A_242] : memref<1920xf32, #tpu.memory_space<vmem>> -> memref<320xf32, #tpu.memory_space<vmem>>
        %dma_start3A_244 = tpu.memref_slice %arg2[%add3A_3] : memref<30720xf32, #tpu.memory_space<hbm>> -> memref<320xf32, #tpu.memory_space<hbm>>
        tpu.enqueue_dma source(%dma_start3A_244 : memref<320xf32, #tpu.memory_space<hbm>>) target(%dma_start3A_243 : memref<320xf32, #tpu.memory_space<vmem>>) target_semaphore(%run_scoped3A : memref<!tpu.dma_semaphore, #tpu.memory_space<semaphore_mem>>)
        %dma_wait3A = arith.constant 0 : i32
        %dma_wait3A_245 = tpu.memref_slice %arg4[%dma_wait3A] : memref<1920xf32, #tpu.memory_space<vmem>> -> memref<320xf32, #tpu.memory_space<vmem>>
        %dma_wait3A_246 = tpu.memref_slice %arg2[%add3A_3] : memref<30720xf32, #tpu.memory_space<hbm>> -> memref<320xf32, #tpu.memory_space<hbm>>
        %dma_wait3A_247 = arith.constant 0 : i32
        %dma_wait3A_248 = tpu.memref_slice %arg4[%dma_wait3A_247] : memref<1920xf32, #tpu.memory_space<vmem>> -> memref<320xf32, #tpu.memory_space<vmem>>
        %dma_wait3A_249 = tpu.memref_slice %arg2[%add3A_3] : memref<30720xf32, #tpu.memory_space<hbm>> -> memref<320xf32, #tpu.memory_space<hbm>>
        tpu.wait_dma2 semaphore(%run_scoped3A : memref<!tpu.dma_semaphore, #tpu.memory_space<semaphore_mem>>) src(%dma_wait3A_249 : memref<320xf32, #tpu.memory_space<hbm>>) dst(%dma_wait3A_248 : memref<320xf32, #tpu.memory_space<vmem>>)
        tpu.yield
      }) : () -> ()
      %add3A_4 = arith.constant 5120 : i32
      %add3A_5 = arith.addi %add3A_4, %mul3A_2 : i32
      "tpu.region"() ({
        %run_scoped3A = tpu.sem_alloc : memref<!tpu.dma_semaphore, #tpu.memory_space<semaphore_mem>>
        %dma_start3A = arith.constant 320 : i32
        %dma_start3A_240 = tpu.memref_slice %arg4[%dma_start3A] : memref<1920xf32, #tpu.memory_space<vmem>> -> memref<320xf32, #tpu.memory_space<vmem>>
        %dma_start3A_241 = tpu.memref_slice %arg2[%add3A_5] : memref<30720xf32, #tpu.memory_space<hbm>> -> memref<320xf32, #tpu.memory_space<hbm>>
        %dma_start3A_242 = arith.constant 320 : i32
        %dma_start3A_243 = tpu.memref_slice %arg4[%dma_start3A_242] : memref<1920xf32, #tpu.memory_space<vmem>> -> memref<320xf32, #tpu.memory_space<vmem>>
        %dma_start3A_244 = tpu.memref_slice %arg2[%add3A_5] : memref<30720xf32, #tpu.memory_space<hbm>> -> memref<320xf32, #tpu.memory_space<hbm>>
        tpu.enqueue_dma source(%dma_start3A_244 : memref<320xf32, #tpu.memory_space<hbm>>) target(%dma_start3A_243 : memref<320xf32, #tpu.memory_space<vmem>>) target_semaphore(%run_scoped3A : memref<!tpu.dma_semaphore, #tpu.memory_space<semaphore_mem>>)
        %dma_wait3A = arith.constant 320 : i32
        %dma_wait3A_245 = tpu.memref_slice %arg4[%dma_wait3A] : memref<1920xf32, #tpu.memory_space<vmem>> -> memref<320xf32, #tpu.memory_space<vmem>>
        %dma_wait3A_246 = tpu.memref_slice %arg2[%add3A_5] : memref<30720xf32, #tpu.memory_space<hbm>> -> memref<320xf32, #tpu.memory_space<hbm>>
        %dma_wait3A_247 = arith.constant 320 : i32
        %dma_wait3A_248 = tpu.memref_slice %arg4[%dma_wait3A_247] : memref<1920xf32, #tpu.memory_space<vmem>> -> memref<320xf32, #tpu.memory_space<vmem>>
        %dma_wait3A_249 = tpu.memref_slice %arg2[%add3A_5] : memref<30720xf32, #tpu.memory_space<hbm>> -> memref<320xf32, #tpu.memory_space<hbm>>
        tpu.wait_dma2 semaphore(%run_scoped3A : memref<!tpu.dma_semaphore, #tpu.memory_space<semaphore_mem>>) src(%dma_wait3A_249 : memref<320xf32, #tpu.memory_space<hbm>>) dst(%dma_wait3A_248 : memref<320xf32, #tpu.memory_space<vmem>>)
        tpu.yield
      }) : () -> ()
      %add3A_6 = arith.constant 10240 : i32
      %add3A_7 = arith.addi %add3A_6, %mul3A_2 : i32
      "tpu.region"() ({
        %run_scoped3A = tpu.sem_alloc : memref<!tpu.dma_semaphore, #tpu.memory_space<semaphore_mem>>
        %dma_start3A = arith.constant 640 : i32
        %dma_start3A_240 = tpu.memref_slice %arg4[%dma_start3A] : memref<1920xf32, #tpu.memory_space<vmem>> -> memref<320xf32, #tpu.memory_space<vmem>>
        %dma_start3A_241 = tpu.memref_slice %arg2[%add3A_7] : memref<30720xf32, #tpu.memory_space<hbm>> -> memref<320xf32, #tpu.memory_space<hbm>>
        %dma_start3A_242 = arith.constant 640 : i32
        %dma_start3A_243 = tpu.memref_slice %arg4[%dma_start3A_242] : memref<1920xf32, #tpu.memory_space<vmem>> -> memref<320xf32, #tpu.memory_space<vmem>>
        %dma_start3A_244 = tpu.memref_slice %arg2[%add3A_7] : memref<30720xf32, #tpu.memory_space<hbm>> -> memref<320xf32, #tpu.memory_space<hbm>>
        tpu.enqueue_dma source(%dma_start3A_244 : memref<320xf32, #tpu.memory_space<hbm>>) target(%dma_start3A_243 : memref<320xf32, #tpu.memory_space<vmem>>) target_semaphore(%run_scoped3A : memref<!tpu.dma_semaphore, #tpu.memory_space<semaphore_mem>>)
        %dma_wait3A = arith.constant 640 : i32
        %dma_wait3A_245 = tpu.memref_slice %arg4[%dma_wait3A] : memref<1920xf32, #tpu.memory_space<vmem>> -> memref<320xf32, #tpu.memory_space<vmem>>
        %dma_wait3A_246 = tpu.memref_slice %arg2[%add3A_7] : memref<30720xf32, #tpu.memory_space<hbm>> -> memref<320xf32, #tpu.memory_space<hbm>>
        %dma_wait3A_247 = arith.constant 640 : i32
        %dma_wait3A_248 = tpu.memref_slice %arg4[%dma_wait3A_247] : memref<1920xf32, #tpu.memory_space<vmem>> -> memref<320xf32, #tpu.memory_space<vmem>>
        %dma_wait3A_249 = tpu.memref_slice %arg2[%add3A_7] : memref<30720xf32, #tpu.memory_space<hbm>> -> memref<320xf32, #tpu.memory_space<hbm>>
        tpu.wait_dma2 semaphore(%run_scoped3A : memref<!tpu.dma_semaphore, #tpu.memory_space<semaphore_mem>>) src(%dma_wait3A_249 : memref<320xf32, #tpu.memory_space<hbm>>) dst(%dma_wait3A_248 : memref<320xf32, #tpu.memory_space<vmem>>)
        tpu.yield
      }) : () -> ()
      %add3A_8 = arith.constant 15360 : i32
      %add3A_9 = arith.addi %add3A_8, %mul3A_2 : i32
      "tpu.region"() ({
        %run_scoped3A = tpu.sem_alloc : memref<!tpu.dma_semaphore, #tpu.memory_space<semaphore_mem>>
        %dma_start3A = arith.constant 960 : i32
        %dma_start3A_240 = tpu.memref_slice %arg4[%dma_start3A] : memref<1920xf32, #tpu.memory_space<vmem>> -> memref<320xf32, #tpu.memory_space<vmem>>
        %dma_start3A_241 = tpu.memref_slice %arg2[%add3A_9] : memref<30720xf32, #tpu.memory_space<hbm>> -> memref<320xf32, #tpu.memory_space<hbm>>
        %dma_start3A_242 = arith.constant 960 : i32
        %dma_start3A_243 = tpu.memref_slice %arg4[%dma_start3A_242] : memref<1920xf32, #tpu.memory_space<vmem>> -> memref<320xf32, #tpu.memory_space<vmem>>
        %dma_start3A_244 = tpu.memref_slice %arg2[%add3A_9] : memref<30720xf32, #tpu.memory_space<hbm>> -> memref<320xf32, #tpu.memory_space<hbm>>
        tpu.enqueue_dma source(%dma_start3A_244 : memref<320xf32, #tpu.memory_space<hbm>>) target(%dma_start3A_243 : memref<320xf32, #tpu.memory_space<vmem>>) target_semaphore(%run_scoped3A : memref<!tpu.dma_semaphore, #tpu.memory_space<semaphore_mem>>)
        %dma_wait3A = arith.constant 960 : i32
        %dma_wait3A_245 = tpu.memref_slice %arg4[%dma_wait3A] : memref<1920xf32, #tpu.memory_space<vmem>> -> memref<320xf32, #tpu.memory_space<vmem>>
        %dma_wait3A_246 = tpu.memref_slice %arg2[%add3A_9] : memref<30720xf32, #tpu.memory_space<hbm>> -> memref<320xf32, #tpu.memory_space<hbm>>
        %dma_wait3A_247 = arith.constant 960 : i32
        %dma_wait3A_248 = tpu.memref_slice %arg4[%dma_wait3A_247] : memref<1920xf32, #tpu.memory_space<vmem>> -> memref<320xf32, #tpu.memory_space<vmem>>
        %dma_wait3A_249 = tpu.memref_slice %arg2[%add3A_9] : memref<30720xf32, #tpu.memory_space<hbm>> -> memref<320xf32, #tpu.memory_space<hbm>>
        tpu.wait_dma2 semaphore(%run_scoped3A : memref<!tpu.dma_semaphore, #tpu.memory_space<semaphore_mem>>) src(%dma_wait3A_249 : memref<320xf32, #tpu.memory_space<hbm>>) dst(%dma_wait3A_248 : memref<320xf32, #tpu.memory_space<vmem>>)
        tpu.yield
      }) : () -> ()
      %add3A_10 = arith.constant 20480 : i32
      %add3A_11 = arith.addi %add3A_10, %mul3A_2 : i32
      "tpu.region"() ({
        %run_scoped3A = tpu.sem_alloc : memref<!tpu.dma_semaphore, #tpu.memory_space<semaphore_mem>>
        %dma_start3A = arith.constant 1280 : i32
        %dma_start3A_240 = tpu.memref_slice %arg4[%dma_start3A] : memref<1920xf32, #tpu.memory_space<vmem>> -> memref<320xf32, #tpu.memory_space<vmem>>
        %dma_start3A_241 = tpu.memref_slice %arg2[%add3A_11] : memref<30720xf32, #tpu.memory_space<hbm>> -> memref<320xf32, #tpu.memory_space<hbm>>
        %dma_start3A_242 = arith.constant 1280 : i32
        %dma_start3A_243 = tpu.memref_slice %arg4[%dma_start3A_242] : memref<1920xf32, #tpu.memory_space<vmem>> -> memref<320xf32, #tpu.memory_space<vmem>>
        %dma_start3A_244 = tpu.memref_slice %arg2[%add3A_11] : memref<30720xf32, #tpu.memory_space<hbm>> -> memref<320xf32, #tpu.memory_space<hbm>>
        tpu.enqueue_dma source(%dma_start3A_244 : memref<320xf32, #tpu.memory_space<hbm>>) target(%dma_start3A_243 : memref<320xf32, #tpu.memory_space<vmem>>) target_semaphore(%run_scoped3A : memref<!tpu.dma_semaphore, #tpu.memory_space<semaphore_mem>>)
        %dma_wait3A = arith.constant 1280 : i32
        %dma_wait3A_245 = tpu.memref_slice %arg4[%dma_wait3A] : memref<1920xf32, #tpu.memory_space<vmem>> -> memref<320xf32, #tpu.memory_space<vmem>>
        %dma_wait3A_246 = tpu.memref_slice %arg2[%add3A_11] : memref<30720xf32, #tpu.memory_space<hbm>> -> memref<320xf32, #tpu.memory_space<hbm>>
        %dma_wait3A_247 = arith.constant 1280 : i32
        %dma_wait3A_248 = tpu.memref_slice %arg4[%dma_wait3A_247] : memref<1920xf32, #tpu.memory_space<vmem>> -> memref<320xf32, #tpu.memory_space<vmem>>
        %dma_wait3A_249 = tpu.memref_slice %arg2[%add3A_11] : memref<30720xf32, #tpu.memory_space<hbm>> -> memref<320xf32, #tpu.memory_space<hbm>>
        tpu.wait_dma2 semaphore(%run_scoped3A : memref<!tpu.dma_semaphore, #tpu.memory_space<semaphore_mem>>) src(%dma_wait3A_249 : memref<320xf32, #tpu.memory_space<hbm>>) dst(%dma_wait3A_248 : memref<320xf32, #tpu.memory_space<vmem>>)
        tpu.yield
      }) : () -> ()
      %add3A_12 = arith.constant 25600 : i32
      %add3A_13 = arith.addi %add3A_12, %mul3A_2 : i32
      "tpu.region"() ({
        %run_scoped3A = tpu.sem_alloc : memref<!tpu.dma_semaphore, #tpu.memory_space<semaphore_mem>>
        %dma_start3A = arith.constant 1600 : i32
        %dma_start3A_240 = tpu.memref_slice %arg4[%dma_start3A] : memref<1920xf32, #tpu.memory_space<vmem>> -> memref<320xf32, #tpu.memory_space<vmem>>
        %dma_start3A_241 = tpu.memref_slice %arg2[%add3A_13] : memref<30720xf32, #tpu.memory_space<hbm>> -> memref<320xf32, #tpu.memory_space<hbm>>
        %dma_start3A_242 = arith.constant 1600 : i32
        %dma_start3A_243 = tpu.memref_slice %arg4[%dma_start3A_242] : memref<1920xf32, #tpu.memory_space<vmem>> -> memref<320xf32, #tpu.memory_space<vmem>>
        %dma_start3A_244 = tpu.memref_slice %arg2[%add3A_13] : memref<30720xf32, #tpu.memory_space<hbm>> -> memref<320xf32, #tpu.memory_space<hbm>>
        tpu.enqueue_dma source(%dma_start3A_244 : memref<320xf32, #tpu.memory_space<hbm>>) target(%dma_start3A_243 : memref<320xf32, #tpu.memory_space<vmem>>) target_semaphore(%run_scoped3A : memref<!tpu.dma_semaphore, #tpu.memory_space<semaphore_mem>>)
        %dma_wait3A = arith.constant 1600 : i32
        %dma_wait3A_245 = tpu.memref_slice %arg4[%dma_wait3A] : memref<1920xf32, #tpu.memory_space<vmem>> -> memref<320xf32, #tpu.memory_space<vmem>>
        %dma_wait3A_246 = tpu.memref_slice %arg2[%add3A_13] : memref<30720xf32, #tpu.memory_space<hbm>> -> memref<320xf32, #tpu.memory_space<hbm>>
        %dma_wait3A_247 = arith.constant 1600 : i32
        %dma_wait3A_248 = tpu.memref_slice %arg4[%dma_wait3A_247] : memref<1920xf32, #tpu.memory_space<vmem>> -> memref<320xf32, #tpu.memory_space<vmem>>
        %dma_wait3A_249 = tpu.memref_slice %arg2[%add3A_13] : memref<30720xf32, #tpu.memory_space<hbm>> -> memref<320xf32, #tpu.memory_space<hbm>>
        tpu.wait_dma2 semaphore(%run_scoped3A : memref<!tpu.dma_semaphore, #tpu.memory_space<semaphore_mem>>) src(%dma_wait3A_249 : memref<320xf32, #tpu.memory_space<hbm>>) dst(%dma_wait3A_248 : memref<320xf32, #tpu.memory_space<vmem>>)
        tpu.yield
      }) : () -> ()
      %broadcast_in_dim3A = arith.constant 0.000000e+00 : f32
      %broadcast_in_dim3A_14 = vector.broadcast %broadcast_in_dim3A : f32 to vector<16xf32>
      %swap3A = arith.constant 0 : index
      %swap3A_15 = tpu.vector_load %arg5[%swap3A] {strides = array<i32>} : memref<128xf32, #tpu.memory_space<vmem>>, vector<16xf32>,
      tpu.vector_store %arg5[%swap3A], %broadcast_in_dim3A_14 {strides = array<i32>} : memref<128xf32, #tpu.memory_space<vmem>>, vector<16xf32>,
      %swap3A_16 = arith.constant 16 : index
      %swap3A_17 = tpu.vector_load %arg5[%swap3A_16] {strides = array<i32>} : memref<128xf32, #tpu.memory_space<vmem>>, vector<16xf32>,
      tpu.vector_store %arg5[%swap3A_16], %broadcast_in_dim3A_14 {strides = array<i32>} : memref<128xf32, #tpu.memory_space<vmem>>, vector<16xf32>,
      %swap3A_18 = arith.constant 32 : index
      %swap3A_19 = tpu.vector_load %arg5[%swap3A_18] {strides = array<i32>} : memref<128xf32, #tpu.memory_space<vmem>>, vector<16xf32>,
      tpu.vector_store %arg5[%swap3A_18], %broadcast_in_dim3A_14 {strides = array<i32>} : memref<128xf32, #tpu.memory_space<vmem>>, vector<16xf32>,
      %swap3A_20 = arith.constant 48 : index
      %swap3A_21 = tpu.vector_load %arg5[%swap3A_20] {strides = array<i32>} : memref<128xf32, #tpu.memory_space<vmem>>, vector<16xf32>,
      tpu.vector_store %arg5[%swap3A_20], %broadcast_in_dim3A_14 {strides = array<i32>} : memref<128xf32, #tpu.memory_space<vmem>>, vector<16xf32>,
      %swap3A_22 = arith.constant 64 : index
      %swap3A_23 = tpu.vector_load %arg5[%swap3A_22] {strides = array<i32>} : memref<128xf32, #tpu.memory_space<vmem>>, vector<16xf32>,
      tpu.vector_store %arg5[%swap3A_22], %broadcast_in_dim3A_14 {strides = array<i32>} : memref<128xf32, #tpu.memory_space<vmem>>, vector<16xf32>,
      %swap3A_24 = arith.constant 80 : index
      %swap3A_25 = tpu.vector_load %arg5[%swap3A_24] {strides = array<i32>} : memref<128xf32, #tpu.memory_space<vmem>>, vector<16xf32>,
      tpu.vector_store %arg5[%swap3A_24], %broadcast_in_dim3A_14 {strides = array<i32>} : memref<128xf32, #tpu.memory_space<vmem>>, vector<16xf32>,
      %swap3A_26 = arith.constant 96 : index
      %swap3A_27 = tpu.vector_load %arg5[%swap3A_26] {strides = array<i32>} : memref<128xf32, #tpu.memory_space<vmem>>, vector<16xf32>,
      tpu.vector_store %arg5[%swap3A_26], %broadcast_in_dim3A_14 {strides = array<i32>} : memref<128xf32, #tpu.memory_space<vmem>>, vector<16xf32>,
      %swap3A_28 = arith.constant 112 : index
      %swap3A_29 = tpu.vector_load %arg5[%swap3A_28] {strides = array<i32>} : memref<128xf32, #tpu.memory_space<vmem>>, vector<16xf32>,
      tpu.vector_store %arg5[%swap3A_28], %broadcast_in_dim3A_14 {strides = array<i32>} : memref<128xf32, #tpu.memory_space<vmem>>, vector<16xf32>,
      %eq3A_30 = arith.constant 0 : i32
      %eq3A_31 = arith.cmpi eq, %arg1, %eq3A_30 : i32
      %convert_element_type3A_32 = arith.extui %eq3A_31 : i1 to i32
      %cond3A_33 = arith.constant 0 : i32
      %cond3A_34 = arith.cmpi ne, %convert_element_type3A_32, %cond3A_33 : i32
      scf.if %cond3A_34 {
        %swap3A_240 = arith.constant 0 : index
        %swap3A_241 = tpu.vector_load %arg8[%swap3A_240] {strides = array<i32>} : memref<1600xf32, #tpu.memory_space<vmem>>, vector<16xf32>,
        tpu.vector_store %arg8[%swap3A_240], %broadcast_in_dim3A_14 {strides = array<i32>} : memref<1600xf32, #tpu.memory_space<vmem>>, vector<16xf32>,
        %swap3A_242 = arith.constant 16 : index
        %swap3A_243 = tpu.vector_load %arg8[%swap3A_242] {strides = array<i32>} : memref<1600xf32, #tpu.memory_space<vmem>>, vector<16xf32>,
        tpu.vector_store %arg8[%swap3A_242], %broadcast_in_dim3A_14 {strides = array<i32>} : memref<1600xf32, #tpu.memory_space<vmem>>, vector<16xf32>,
        %swap3A_244 = arith.constant 32 : index
        %swap3A_245 = tpu.vector_load %arg8[%swap3A_244] {strides = array<i32>} : memref<1600xf32, #tpu.memory_space<vmem>>, vector<16xf32>,
        tpu.vector_store %arg8[%swap3A_244], %broadcast_in_dim3A_14 {strides = array<i32>} : memref<1600xf32, #tpu.memory_space<vmem>>, vector<16xf32>,
        %swap3A_246 = arith.constant 48 : index
        %swap3A_247 = tpu.vector_load %arg8[%swap3A_246] {strides = array<i32>} : memref<1600xf32, #tpu.memory_space<vmem>>, vector<16xf32>,
        tpu.vector_store %arg8[%swap3A_246], %broadcast_in_dim3A_14 {strides = array<i32>} : memref<1600xf32, #tpu.memory_space<vmem>>, vector<16xf32>,
        %swap3A_248 = arith.constant 64 : index
        %swap3A_249 = tpu.vector_load %arg8[%swap3A_248] {strides = array<i32>} : memref<1600xf32, #tpu.memory_space<vmem>>, vector<16xf32>,
        tpu.vector_store %arg8[%swap3A_248], %broadcast_in_dim3A_14 {strides = array<i32>} : memref<1600xf32, #tpu.memory_space<vmem>>, vector<16xf32>,
        %swap3A_250 = arith.constant 80 : index
        %swap3A_251 = tpu.vector_load %arg8[%swap3A_250] {strides = array<i32>} : memref<1600xf32, #tpu.memory_space<vmem>>, vector<16xf32>,
        tpu.vector_store %arg8[%swap3A_250], %broadcast_in_dim3A_14 {strides = array<i32>} : memref<1600xf32, #tpu.memory_space<vmem>>, vector<16xf32>,
        %swap3A_252 = arith.constant 96 : index
        %swap3A_253 = tpu.vector_load %arg8[%swap3A_252] {strides = array<i32>} : memref<1600xf32, #tpu.memory_space<vmem>>, vector<16xf32>,
        tpu.vector_store %arg8[%swap3A_252], %broadcast_in_dim3A_14 {strides = array<i32>} : memref<1600xf32, #tpu.memory_space<vmem>>, vector<16xf32>,
        %swap3A_254 = arith.constant 112 : index
        %swap3A_255 = tpu.vector_load %arg8[%swap3A_254] {strides = array<i32>} : memref<1600xf32, #tpu.memory_space<vmem>>, vector<16xf32>,
        tpu.vector_store %arg8[%swap3A_254], %broadcast_in_dim3A_14 {strides = array<i32>} : memref<1600xf32, #tpu.memory_space<vmem>>, vector<16xf32>,
        %swap3A_256 = arith.constant 128 : index
        %swap3A_257 = tpu.vector_load %arg8[%swap3A_256] {strides = array<i32>} : memref<1600xf32, #tpu.memory_space<vmem>>, vector<16xf32>,
        tpu.vector_store %arg8[%swap3A_256], %broadcast_in_dim3A_14 {strides = array<i32>} : memref<1600xf32, #tpu.memory_space<vmem>>, vector<16xf32>,
        %swap3A_258 = arith.constant 144 : index
        %swap3A_259 = tpu.vector_load %arg8[%swap3A_258] {strides = array<i32>} : memref<1600xf32, #tpu.memory_space<vmem>>, vector<16xf32>,
        tpu.vector_store %arg8[%swap3A_258], %broadcast_in_dim3A_14 {strides = array<i32>} : memref<1600xf32, #tpu.memory_space<vmem>>, vector<16xf32>,
        %swap3A_260 = arith.constant 160 : index
        %swap3A_261 = tpu.vector_load %arg8[%swap3A_260] {strides = array<i32>} : memref<1600xf32, #tpu.memory_space<vmem>>, vector<16xf32>,
        tpu.vector_store %arg8[%swap3A_260], %broadcast_in_dim3A_14 {strides = array<i32>} : memref<1600xf32, #tpu.memory_space<vmem>>, vector<16xf32>,
        %swap3A_262 = arith.constant 176 : index
        %swap3A_263 = tpu.vector_load %arg8[%swap3A_262] {strides = array<i32>} : memref<1600xf32, #tpu.memory_space<vmem>>, vector<16xf32>,
        tpu.vector_store %arg8[%swap3A_262], %broadcast_in_dim3A_14 {strides = array<i32>} : memref<1600xf32, #tpu.memory_space<vmem>>, vector<16xf32>,
        %swap3A_264 = arith.constant 192 : index
        %swap3A_265 = tpu.vector_load %arg8[%swap3A_264] {strides = array<i32>} : memref<1600xf32, #tpu.memory_space<vmem>>, vector<16xf32>,
        tpu.vector_store %arg8[%swap3A_264], %broadcast_in_dim3A_14 {strides = array<i32>} : memref<1600xf32, #tpu.memory_space<vmem>>, vector<16xf32>,
        %swap3A_266 = arith.constant 208 : index
        %swap3A_267 = tpu.vector_load %arg8[%swap3A_266] {strides = array<i32>} : memref<1600xf32, #tpu.memory_space<vmem>>, vector<16xf32>,
        tpu.vector_store %arg8[%swap3A_266], %broadcast_in_dim3A_14 {strides = array<i32>} : memref<1600xf32, #tpu.memory_space<vmem>>, vector<16xf32>,
        %swap3A_268 = arith.constant 224 : index
        %swap3A_269 = tpu.vector_load %arg8[%swap3A_268] {strides = array<i32>} : memref<1600xf32, #tpu.memory_space<vmem>>, vector<16xf32>,
        tpu.vector_store %arg8[%swap3A_268], %broadcast_in_dim3A_14 {strides = array<i32>} : memref<1600xf32, #tpu.memory_space<vmem>>, vector<16xf32>,
        %swap3A_270 = arith.constant 240 : index
        %swap3A_271 = tpu.vector_load %arg8[%swap3A_270] {strides = array<i32>} : memref<1600xf32, #tpu.memory_space<vmem>>, vector<16xf32>,
        tpu.vector_store %arg8[%swap3A_270], %broadcast_in_dim3A_14 {strides = array<i32>} : memref<1600xf32, #tpu.memory_space<vmem>>, vector<16xf32>,
        %swap3A_272 = arith.constant 256 : index
        %swap3A_273 = tpu.vector_load %arg8[%swap3A_272] {strides = array<i32>} : memref<1600xf32, #tpu.memory_space<vmem>>, vector<16xf32>,
        tpu.vector_store %arg8[%swap3A_272], %broadcast_in_dim3A_14 {strides = array<i32>} : memref<1600xf32, #tpu.memory_space<vmem>>, vector<16xf32>,
        %swap3A_274 = arith.constant 272 : index
        %swap3A_275 = tpu.vector_load %arg8[%swap3A_274] {strides = array<i32>} : memref<1600xf32, #tpu.memory_space<vmem>>, vector<16xf32>,
        tpu.vector_store %arg8[%swap3A_274], %broadcast_in_dim3A_14 {strides = array<i32>} : memref<1600xf32, #tpu.memory_space<vmem>>, vector<16xf32>,
        %swap3A_276 = arith.constant 288 : index
        %swap3A_277 = tpu.vector_load %arg8[%swap3A_276] {strides = array<i32>} : memref<1600xf32, #tpu.memory_space<vmem>>, vector<16xf32>,
        tpu.vector_store %arg8[%swap3A_276], %broadcast_in_dim3A_14 {strides = array<i32>} : memref<1600xf32, #tpu.memory_space<vmem>>, vector<16xf32>,
        %swap3A_278 = arith.constant 304 : index
        %swap3A_279 = tpu.vector_load %arg8[%swap3A_278] {strides = array<i32>} : memref<1600xf32, #tpu.memory_space<vmem>>, vector<16xf32>,
        tpu.vector_store %arg8[%swap3A_278], %broadcast_in_dim3A_14 {strides = array<i32>} : memref<1600xf32, #tpu.memory_space<vmem>>, vector<16xf32>,
        %swap3A_280 = arith.constant 320 : index
        %swap3A_281 = tpu.vector_load %arg8[%swap3A_280] {strides = array<i32>} : memref<1600xf32, #tpu.memory_space<vmem>>, vector<16xf32>,
        tpu.vector_store %arg8[%swap3A_280], %broadcast_in_dim3A_14 {strides = array<i32>} : memref<1600xf32, #tpu.memory_space<vmem>>, vector<16xf32>,
        %swap3A_282 = arith.constant 336 : index
        %swap3A_283 = tpu.vector_load %arg8[%swap3A_282] {strides = array<i32>} : memref<1600xf32, #tpu.memory_space<vmem>>, vector<16xf32>,
        tpu.vector_store %arg8[%swap3A_282], %broadcast_in_dim3A_14 {strides = array<i32>} : memref<1600xf32, #tpu.memory_space<vmem>>, vector<16xf32>,
        %swap3A_284 = arith.constant 352 : index
        %swap3A_285 = tpu.vector_load %arg8[%swap3A_284] {strides = array<i32>} : memref<1600xf32, #tpu.memory_space<vmem>>, vector<16xf32>,
        tpu.vector_store %arg8[%swap3A_284], %broadcast_in_dim3A_14 {strides = array<i32>} : memref<1600xf32, #tpu.memory_space<vmem>>, vector<16xf32>,
        %swap3A_286 = arith.constant 368 : index
        %swap3A_287 = tpu.vector_load %arg8[%swap3A_286] {strides = array<i32>} : memref<1600xf32, #tpu.memory_space<vmem>>, vector<16xf32>,
        tpu.vector_store %arg8[%swap3A_286], %broadcast_in_dim3A_14 {strides = array<i32>} : memref<1600xf32, #tpu.memory_space<vmem>>, vector<16xf32>,
        %swap3A_288 = arith.constant 384 : index
        %swap3A_289 = tpu.vector_load %arg8[%swap3A_288] {strides = array<i32>} : memref<1600xf32, #tpu.memory_space<vmem>>, vector<16xf32>,
        tpu.vector_store %arg8[%swap3A_288], %broadcast_in_dim3A_14 {strides = array<i32>} : memref<1600xf32, #tpu.memory_space<vmem>>, vector<16xf32>,
        %swap3A_290 = arith.constant 400 : index
        %swap3A_291 = tpu.vector_load %arg8[%swap3A_290] {strides = array<i32>} : memref<1600xf32, #tpu.memory_space<vmem>>, vector<16xf32>,
        tpu.vector_store %arg8[%swap3A_290], %broadcast_in_dim3A_14 {strides = array<i32>} : memref<1600xf32, #tpu.memory_space<vmem>>, vector<16xf32>,
        %swap3A_292 = arith.constant 416 : index
        %swap3A_293 = tpu.vector_load %arg8[%swap3A_292] {strides = array<i32>} : memref<1600xf32, #tpu.memory_space<vmem>>, vector<16xf32>,
        tpu.vector_store %arg8[%swap3A_292], %broadcast_in_dim3A_14 {strides = array<i32>} : memref<1600xf32, #tpu.memory_space<vmem>>, vector<16xf32>,
        %swap3A_294 = arith.constant 432 : index
        %swap3A_295 = tpu.vector_load %arg8[%swap3A_294] {strides = array<i32>} : memref<1600xf32, #tpu.memory_space<vmem>>, vector<16xf32>,
        tpu.vector_store %arg8[%swap3A_294], %broadcast_in_dim3A_14 {strides = array<i32>} : memref<1600xf32, #tpu.memory_space<vmem>>, vector<16xf32>,
        %swap3A_296 = arith.constant 448 : index
        %swap3A_297 = tpu.vector_load %arg8[%swap3A_296] {strides = array<i32>} : memref<1600xf32, #tpu.memory_space<vmem>>, vector<16xf32>,
        tpu.vector_store %arg8[%swap3A_296], %broadcast_in_dim3A_14 {strides = array<i32>} : memref<1600xf32, #tpu.memory_space<vmem>>, vector<16xf32>,
        %swap3A_298 = arith.constant 464 : index
        %swap3A_299 = tpu.vector_load %arg8[%swap3A_298] {strides = array<i32>} : memref<1600xf32, #tpu.memory_space<vmem>>, vector<16xf32>,
        tpu.vector_store %arg8[%swap3A_298], %broadcast_in_dim3A_14 {strides = array<i32>} : memref<1600xf32, #tpu.memory_space<vmem>>, vector<16xf32>,
        %swap3A_300 = arith.constant 480 : index
        %swap3A_301 = tpu.vector_load %arg8[%swap3A_300] {strides = array<i32>} : memref<1600xf32, #tpu.memory_space<vmem>>, vector<16xf32>,
        tpu.vector_store %arg8[%swap3A_300], %broadcast_in_dim3A_14 {strides = array<i32>} : memref<1600xf32, #tpu.memory_space<vmem>>, vector<16xf32>,
        %swap3A_302 = arith.constant 496 : index
        %swap3A_303 = tpu.vector_load %arg8[%swap3A_302] {strides = array<i32>} : memref<1600xf32, #tpu.memory_space<vmem>>, vector<16xf32>,
        tpu.vector_store %arg8[%swap3A_302], %broadcast_in_dim3A_14 {strides = array<i32>} : memref<1600xf32, #tpu.memory_space<vmem>>, vector<16xf32>,
        %swap3A_304 = arith.constant 512 : index
        %swap3A_305 = tpu.vector_load %arg8[%swap3A_304] {strides = array<i32>} : memref<1600xf32, #tpu.memory_space<vmem>>, vector<16xf32>,
        tpu.vector_store %arg8[%swap3A_304], %broadcast_in_dim3A_14 {strides = array<i32>} : memref<1600xf32, #tpu.memory_space<vmem>>, vector<16xf32>,
        %swap3A_306 = arith.constant 528 : index
        %swap3A_307 = tpu.vector_load %arg8[%swap3A_306] {strides = array<i32>} : memref<1600xf32, #tpu.memory_space<vmem>>, vector<16xf32>,
        tpu.vector_store %arg8[%swap3A_306], %broadcast_in_dim3A_14 {strides = array<i32>} : memref<1600xf32, #tpu.memory_space<vmem>>, vector<16xf32>,
        %swap3A_308 = arith.constant 544 : index
        %swap3A_309 = tpu.vector_load %arg8[%swap3A_308] {strides = array<i32>} : memref<1600xf32, #tpu.memory_space<vmem>>, vector<16xf32>,
        tpu.vector_store %arg8[%swap3A_308], %broadcast_in_dim3A_14 {strides = array<i32>} : memref<1600xf32, #tpu.memory_space<vmem>>, vector<16xf32>,
        %swap3A_310 = arith.constant 560 : index
        %swap3A_311 = tpu.vector_load %arg8[%swap3A_310] {strides = array<i32>} : memref<1600xf32, #tpu.memory_space<vmem>>, vector<16xf32>,
        tpu.vector_store %arg8[%swap3A_310], %broadcast_in_dim3A_14 {strides = array<i32>} : memref<1600xf32, #tpu.memory_space<vmem>>, vector<16xf32>,
        %swap3A_312 = arith.constant 576 : index
        %swap3A_313 = tpu.vector_load %arg8[%swap3A_312] {strides = array<i32>} : memref<1600xf32, #tpu.memory_space<vmem>>, vector<16xf32>,
        tpu.vector_store %arg8[%swap3A_312], %broadcast_in_dim3A_14 {strides = array<i32>} : memref<1600xf32, #tpu.memory_space<vmem>>, vector<16xf32>,
        %swap3A_314 = arith.constant 592 : index
        %swap3A_315 = tpu.vector_load %arg8[%swap3A_314] {strides = array<i32>} : memref<1600xf32, #tpu.memory_space<vmem>>, vector<16xf32>,
        tpu.vector_store %arg8[%swap3A_314], %broadcast_in_dim3A_14 {strides = array<i32>} : memref<1600xf32, #tpu.memory_space<vmem>>, vector<16xf32>,
        %swap3A_316 = arith.constant 608 : index
        %swap3A_317 = tpu.vector_load %arg8[%swap3A_316] {strides = array<i32>} : memref<1600xf32, #tpu.memory_space<vmem>>, vector<16xf32>,
        tpu.vector_store %arg8[%swap3A_316], %broadcast_in_dim3A_14 {strides = array<i32>} : memref<1600xf32, #tpu.memory_space<vmem>>, vector<16xf32>,
        %swap3A_318 = arith.constant 624 : index
        %swap3A_319 = tpu.vector_load %arg8[%swap3A_318] {strides = array<i32>} : memref<1600xf32, #tpu.memory_space<vmem>>, vector<16xf32>,
        tpu.vector_store %arg8[%swap3A_318], %broadcast_in_dim3A_14 {strides = array<i32>} : memref<1600xf32, #tpu.memory_space<vmem>>, vector<16xf32>,
        %swap3A_320 = arith.constant 640 : index
        %swap3A_321 = tpu.vector_load %arg8[%swap3A_320] {strides = array<i32>} : memref<1600xf32, #tpu.memory_space<vmem>>, vector<16xf32>,
        tpu.vector_store %arg8[%swap3A_320], %broadcast_in_dim3A_14 {strides = array<i32>} : memref<1600xf32, #tpu.memory_space<vmem>>, vector<16xf32>,
        %swap3A_322 = arith.constant 656 : index
        %swap3A_323 = tpu.vector_load %arg8[%swap3A_322] {strides = array<i32>} : memref<1600xf32, #tpu.memory_space<vmem>>, vector<16xf32>,
        tpu.vector_store %arg8[%swap3A_322], %broadcast_in_dim3A_14 {strides = array<i32>} : memref<1600xf32, #tpu.memory_space<vmem>>, vector<16xf32>,
        %swap3A_324 = arith.constant 672 : index
        %swap3A_325 = tpu.vector_load %arg8[%swap3A_324] {strides = array<i32>} : memref<1600xf32, #tpu.memory_space<vmem>>, vector<16xf32>,
        tpu.vector_store %arg8[%swap3A_324], %broadcast_in_dim3A_14 {strides = array<i32>} : memref<1600xf32, #tpu.memory_space<vmem>>, vector<16xf32>,
        %swap3A_326 = arith.constant 688 : index
        %swap3A_327 = tpu.vector_load %arg8[%swap3A_326] {strides = array<i32>} : memref<1600xf32, #tpu.memory_space<vmem>>, vector<16xf32>,
        tpu.vector_store %arg8[%swap3A_326], %broadcast_in_dim3A_14 {strides = array<i32>} : memref<1600xf32, #tpu.memory_space<vmem>>, vector<16xf32>,
        %swap3A_328 = arith.constant 704 : index
        %swap3A_329 = tpu.vector_load %arg8[%swap3A_328] {strides = array<i32>} : memref<1600xf32, #tpu.memory_space<vmem>>, vector<16xf32>,
        tpu.vector_store %arg8[%swap3A_328], %broadcast_in_dim3A_14 {strides = array<i32>} : memref<1600xf32, #tpu.memory_space<vmem>>, vector<16xf32>,
        %swap3A_330 = arith.constant 720 : index
        %swap3A_331 = tpu.vector_load %arg8[%swap3A_330] {strides = array<i32>} : memref<1600xf32, #tpu.memory_space<vmem>>, vector<16xf32>,
        tpu.vector_store %arg8[%swap3A_330], %broadcast_in_dim3A_14 {strides = array<i32>} : memref<1600xf32, #tpu.memory_space<vmem>>, vector<16xf32>,
        %swap3A_332 = arith.constant 736 : index
        %swap3A_333 = tpu.vector_load %arg8[%swap3A_332] {strides = array<i32>} : memref<1600xf32, #tpu.memory_space<vmem>>, vector<16xf32>,
        tpu.vector_store %arg8[%swap3A_332], %broadcast_in_dim3A_14 {strides = array<i32>} : memref<1600xf32, #tpu.memory_space<vmem>>, vector<16xf32>,
        %swap3A_334 = arith.constant 752 : index
        %swap3A_335 = tpu.vector_load %arg8[%swap3A_334] {strides = array<i32>} : memref<1600xf32, #tpu.memory_space<vmem>>, vector<16xf32>,
        tpu.vector_store %arg8[%swap3A_334], %broadcast_in_dim3A_14 {strides = array<i32>} : memref<1600xf32, #tpu.memory_space<vmem>>, vector<16xf32>,
        %swap3A_336 = arith.constant 768 : index
        %swap3A_337 = tpu.vector_load %arg8[%swap3A_336] {strides = array<i32>} : memref<1600xf32, #tpu.memory_space<vmem>>, vector<16xf32>,
        tpu.vector_store %arg8[%swap3A_336], %broadcast_in_dim3A_14 {strides = array<i32>} : memref<1600xf32, #tpu.memory_space<vmem>>, vector<16xf32>,
        %swap3A_338 = arith.constant 784 : index
        %swap3A_339 = tpu.vector_load %arg8[%swap3A_338] {strides = array<i32>} : memref<1600xf32, #tpu.memory_space<vmem>>, vector<16xf32>,
        tpu.vector_store %arg8[%swap3A_338], %broadcast_in_dim3A_14 {strides = array<i32>} : memref<1600xf32, #tpu.memory_space<vmem>>, vector<16xf32>,
        %swap3A_340 = arith.constant 800 : index
        %swap3A_341 = tpu.vector_load %arg8[%swap3A_340] {strides = array<i32>} : memref<1600xf32, #tpu.memory_space<vmem>>, vector<16xf32>,
        tpu.vector_store %arg8[%swap3A_340], %broadcast_in_dim3A_14 {strides = array<i32>} : memref<1600xf32, #tpu.memory_space<vmem>>, vector<16xf32>,
        %swap3A_342 = arith.constant 816 : index
        %swap3A_343 = tpu.vector_load %arg8[%swap3A_342] {strides = array<i32>} : memref<1600xf32, #tpu.memory_space<vmem>>, vector<16xf32>,
        tpu.vector_store %arg8[%swap3A_342], %broadcast_in_dim3A_14 {strides = array<i32>} : memref<1600xf32, #tpu.memory_space<vmem>>, vector<16xf32>,
        %swap3A_344 = arith.constant 832 : index
        %swap3A_345 = tpu.vector_load %arg8[%swap3A_344] {strides = array<i32>} : memref<1600xf32, #tpu.memory_space<vmem>>, vector<16xf32>,
        tpu.vector_store %arg8[%swap3A_344], %broadcast_in_dim3A_14 {strides = array<i32>} : memref<1600xf32, #tpu.memory_space<vmem>>, vector<16xf32>,
        %swap3A_346 = arith.constant 848 : index
        %swap3A_347 = tpu.vector_load %arg8[%swap3A_346] {strides = array<i32>} : memref<1600xf32, #tpu.memory_space<vmem>>, vector<16xf32>,
        tpu.vector_store %arg8[%swap3A_346], %broadcast_in_dim3A_14 {strides = array<i32>} : memref<1600xf32, #tpu.memory_space<vmem>>, vector<16xf32>,
        %swap3A_348 = arith.constant 864 : index
        %swap3A_349 = tpu.vector_load %arg8[%swap3A_348] {strides = array<i32>} : memref<1600xf32, #tpu.memory_space<vmem>>, vector<16xf32>,
        tpu.vector_store %arg8[%swap3A_348], %broadcast_in_dim3A_14 {strides = array<i32>} : memref<1600xf32, #tpu.memory_space<vmem>>, vector<16xf32>,
        %swap3A_350 = arith.constant 880 : index
        %swap3A_351 = tpu.vector_load %arg8[%swap3A_350] {strides = array<i32>} : memref<1600xf32, #tpu.memory_space<vmem>>, vector<16xf32>,
        tpu.vector_store %arg8[%swap3A_350], %broadcast_in_dim3A_14 {strides = array<i32>} : memref<1600xf32, #tpu.memory_space<vmem>>, vector<16xf32>,
        %swap3A_352 = arith.constant 896 : index
        %swap3A_353 = tpu.vector_load %arg8[%swap3A_352] {strides = array<i32>} : memref<1600xf32, #tpu.memory_space<vmem>>, vector<16xf32>,
        tpu.vector_store %arg8[%swap3A_352], %broadcast_in_dim3A_14 {strides = array<i32>} : memref<1600xf32, #tpu.memory_space<vmem>>, vector<16xf32>,
        %swap3A_354 = arith.constant 912 : index
        %swap3A_355 = tpu.vector_load %arg8[%swap3A_354] {strides = array<i32>} : memref<1600xf32, #tpu.memory_space<vmem>>, vector<16xf32>,
        tpu.vector_store %arg8[%swap3A_354], %broadcast_in_dim3A_14 {strides = array<i32>} : memref<1600xf32, #tpu.memory_space<vmem>>, vector<16xf32>,
        %swap3A_356 = arith.constant 928 : index
        %swap3A_357 = tpu.vector_load %arg8[%swap3A_356] {strides = array<i32>} : memref<1600xf32, #tpu.memory_space<vmem>>, vector<16xf32>,
        tpu.vector_store %arg8[%swap3A_356], %broadcast_in_dim3A_14 {strides = array<i32>} : memref<1600xf32, #tpu.memory_space<vmem>>, vector<16xf32>,
        %swap3A_358 = arith.constant 944 : index
        %swap3A_359 = tpu.vector_load %arg8[%swap3A_358] {strides = array<i32>} : memref<1600xf32, #tpu.memory_space<vmem>>, vector<16xf32>,
        tpu.vector_store %arg8[%swap3A_358], %broadcast_in_dim3A_14 {strides = array<i32>} : memref<1600xf32, #tpu.memory_space<vmem>>, vector<16xf32>,
        %swap3A_360 = arith.constant 960 : index
        %swap3A_361 = tpu.vector_load %arg8[%swap3A_360] {strides = array<i32>} : memref<1600xf32, #tpu.memory_space<vmem>>, vector<16xf32>,
        tpu.vector_store %arg8[%swap3A_360], %broadcast_in_dim3A_14 {strides = array<i32>} : memref<1600xf32, #tpu.memory_space<vmem>>, vector<16xf32>,
        %swap3A_362 = arith.constant 976 : index
        %swap3A_363 = tpu.vector_load %arg8[%swap3A_362] {strides = array<i32>} : memref<1600xf32, #tpu.memory_space<vmem>>, vector<16xf32>,
        tpu.vector_store %arg8[%swap3A_362], %broadcast_in_dim3A_14 {strides = array<i32>} : memref<1600xf32, #tpu.memory_space<vmem>>, vector<16xf32>,
        %swap3A_364 = arith.constant 992 : index
        %swap3A_365 = tpu.vector_load %arg8[%swap3A_364] {strides = array<i32>} : memref<1600xf32, #tpu.memory_space<vmem>>, vector<16xf32>,
        tpu.vector_store %arg8[%swap3A_364], %broadcast_in_dim3A_14 {strides = array<i32>} : memref<1600xf32, #tpu.memory_space<vmem>>, vector<16xf32>,
        %swap3A_366 = arith.constant 1008 : index
        %swap3A_367 = tpu.vector_load %arg8[%swap3A_366] {strides = array<i32>} : memref<1600xf32, #tpu.memory_space<vmem>>, vector<16xf32>,
        tpu.vector_store %arg8[%swap3A_366], %broadcast_in_dim3A_14 {strides = array<i32>} : memref<1600xf32, #tpu.memory_space<vmem>>, vector<16xf32>,
        %swap3A_368 = arith.constant 1024 : index
        %swap3A_369 = tpu.vector_load %arg8[%swap3A_368] {strides = array<i32>} : memref<1600xf32, #tpu.memory_space<vmem>>, vector<16xf32>,
        tpu.vector_store %arg8[%swap3A_368], %broadcast_in_dim3A_14 {strides = array<i32>} : memref<1600xf32, #tpu.memory_space<vmem>>, vector<16xf32>,
        %swap3A_370 = arith.constant 1040 : index
        %swap3A_371 = tpu.vector_load %arg8[%swap3A_370] {strides = array<i32>} : memref<1600xf32, #tpu.memory_space<vmem>>, vector<16xf32>,
        tpu.vector_store %arg8[%swap3A_370], %broadcast_in_dim3A_14 {strides = array<i32>} : memref<1600xf32, #tpu.memory_space<vmem>>, vector<16xf32>,
        %swap3A_372 = arith.constant 1056 : index
        %swap3A_373 = tpu.vector_load %arg8[%swap3A_372] {strides = array<i32>} : memref<1600xf32, #tpu.memory_space<vmem>>, vector<16xf32>,
        tpu.vector_store %arg8[%swap3A_372], %broadcast_in_dim3A_14 {strides = array<i32>} : memref<1600xf32, #tpu.memory_space<vmem>>, vector<16xf32>,
        %swap3A_374 = arith.constant 1072 : index
        %swap3A_375 = tpu.vector_load %arg8[%swap3A_374] {strides = array<i32>} : memref<1600xf32, #tpu.memory_space<vmem>>, vector<16xf32>,
        tpu.vector_store %arg8[%swap3A_374], %broadcast_in_dim3A_14 {strides = array<i32>} : memref<1600xf32, #tpu.memory_space<vmem>>, vector<16xf32>,
        %swap3A_376 = arith.constant 1088 : index
        %swap3A_377 = tpu.vector_load %arg8[%swap3A_376] {strides = array<i32>} : memref<1600xf32, #tpu.memory_space<vmem>>, vector<16xf32>,
        tpu.vector_store %arg8[%swap3A_376], %broadcast_in_dim3A_14 {strides = array<i32>} : memref<1600xf32, #tpu.memory_space<vmem>>, vector<16xf32>,
        %swap3A_378 = arith.constant 1104 : index
        %swap3A_379 = tpu.vector_load %arg8[%swap3A_378] {strides = array<i32>} : memref<1600xf32, #tpu.memory_space<vmem>>, vector<16xf32>,
        tpu.vector_store %arg8[%swap3A_378], %broadcast_in_dim3A_14 {strides = array<i32>} : memref<1600xf32, #tpu.memory_space<vmem>>, vector<16xf32>,
        %swap3A_380 = arith.constant 1120 : index
        %swap3A_381 = tpu.vector_load %arg8[%swap3A_380] {strides = array<i32>} : memref<1600xf32, #tpu.memory_space<vmem>>, vector<16xf32>,
        tpu.vector_store %arg8[%swap3A_380], %broadcast_in_dim3A_14 {strides = array<i32>} : memref<1600xf32, #tpu.memory_space<vmem>>, vector<16xf32>,
        %swap3A_382 = arith.constant 1136 : index
        %swap3A_383 = tpu.vector_load %arg8[%swap3A_382] {strides = array<i32>} : memref<1600xf32, #tpu.memory_space<vmem>>, vector<16xf32>,
        tpu.vector_store %arg8[%swap3A_382], %broadcast_in_dim3A_14 {strides = array<i32>} : memref<1600xf32, #tpu.memory_space<vmem>>, vector<16xf32>,
        %swap3A_384 = arith.constant 1152 : index
        %swap3A_385 = tpu.vector_load %arg8[%swap3A_384] {strides = array<i32>} : memref<1600xf32, #tpu.memory_space<vmem>>, vector<16xf32>,
        tpu.vector_store %arg8[%swap3A_384], %broadcast_in_dim3A_14 {strides = array<i32>} : memref<1600xf32, #tpu.memory_space<vmem>>, vector<16xf32>,
        %swap3A_386 = arith.constant 1168 : index
        %swap3A_387 = tpu.vector_load %arg8[%swap3A_386] {strides = array<i32>} : memref<1600xf32, #tpu.memory_space<vmem>>, vector<16xf32>,
        tpu.vector_store %arg8[%swap3A_386], %broadcast_in_dim3A_14 {strides = array<i32>} : memref<1600xf32, #tpu.memory_space<vmem>>, vector<16xf32>,
        %swap3A_388 = arith.constant 1184 : index
        %swap3A_389 = tpu.vector_load %arg8[%swap3A_388] {strides = array<i32>} : memref<1600xf32, #tpu.memory_space<vmem>>, vector<16xf32>,
        tpu.vector_store %arg8[%swap3A_388], %broadcast_in_dim3A_14 {strides = array<i32>} : memref<1600xf32, #tpu.memory_space<vmem>>, vector<16xf32>,
        %swap3A_390 = arith.constant 1200 : index
        %swap3A_391 = tpu.vector_load %arg8[%swap3A_390] {strides = array<i32>} : memref<1600xf32, #tpu.memory_space<vmem>>, vector<16xf32>,
        tpu.vector_store %arg8[%swap3A_390], %broadcast_in_dim3A_14 {strides = array<i32>} : memref<1600xf32, #tpu.memory_space<vmem>>, vector<16xf32>,
        %swap3A_392 = arith.constant 1216 : index
        %swap3A_393 = tpu.vector_load %arg8[%swap3A_392] {strides = array<i32>} : memref<1600xf32, #tpu.memory_space<vmem>>, vector<16xf32>,
        tpu.vector_store %arg8[%swap3A_392], %broadcast_in_dim3A_14 {strides = array<i32>} : memref<1600xf32, #tpu.memory_space<vmem>>, vector<16xf32>,
        %swap3A_394 = arith.constant 1232 : index
        %swap3A_395 = tpu.vector_load %arg8[%swap3A_394] {strides = array<i32>} : memref<1600xf32, #tpu.memory_space<vmem>>, vector<16xf32>,
        tpu.vector_store %arg8[%swap3A_394], %broadcast_in_dim3A_14 {strides = array<i32>} : memref<1600xf32, #tpu.memory_space<vmem>>, vector<16xf32>,
        %swap3A_396 = arith.constant 1248 : index
        %swap3A_397 = tpu.vector_load %arg8[%swap3A_396] {strides = array<i32>} : memref<1600xf32, #tpu.memory_space<vmem>>, vector<16xf32>,
        tpu.vector_store %arg8[%swap3A_396], %broadcast_in_dim3A_14 {strides = array<i32>} : memref<1600xf32, #tpu.memory_space<vmem>>, vector<16xf32>,
        %swap3A_398 = arith.constant 1264 : index
        %swap3A_399 = tpu.vector_load %arg8[%swap3A_398] {strides = array<i32>} : memref<1600xf32, #tpu.memory_space<vmem>>, vector<16xf32>,
        tpu.vector_store %arg8[%swap3A_398], %broadcast_in_dim3A_14 {strides = array<i32>} : memref<1600xf32, #tpu.memory_space<vmem>>, vector<16xf32>,
        %swap3A_400 = arith.constant 1280 : index
        %swap3A_401 = tpu.vector_load %arg8[%swap3A_400] {strides = array<i32>} : memref<1600xf32, #tpu.memory_space<vmem>>, vector<16xf32>,
        tpu.vector_store %arg8[%swap3A_400], %broadcast_in_dim3A_14 {strides = array<i32>} : memref<1600xf32, #tpu.memory_space<vmem>>, vector<16xf32>,
        %swap3A_402 = arith.constant 1296 : index
        %swap3A_403 = tpu.vector_load %arg8[%swap3A_402] {strides = array<i32>} : memref<1600xf32, #tpu.memory_space<vmem>>, vector<16xf32>,
        tpu.vector_store %arg8[%swap3A_402], %broadcast_in_dim3A_14 {strides = array<i32>} : memref<1600xf32, #tpu.memory_space<vmem>>, vector<16xf32>,
        %swap3A_404 = arith.constant 1312 : index
        %swap3A_405 = tpu.vector_load %arg8[%swap3A_404] {strides = array<i32>} : memref<1600xf32, #tpu.memory_space<vmem>>, vector<16xf32>,
        tpu.vector_store %arg8[%swap3A_404], %broadcast_in_dim3A_14 {strides = array<i32>} : memref<1600xf32, #tpu.memory_space<vmem>>, vector<16xf32>,
        %swap3A_406 = arith.constant 1328 : index
        %swap3A_407 = tpu.vector_load %arg8[%swap3A_406] {strides = array<i32>} : memref<1600xf32, #tpu.memory_space<vmem>>, vector<16xf32>,
        tpu.vector_store %arg8[%swap3A_406], %broadcast_in_dim3A_14 {strides = array<i32>} : memref<1600xf32, #tpu.memory_space<vmem>>, vector<16xf32>,
        %swap3A_408 = arith.constant 1344 : index
        %swap3A_409 = tpu.vector_load %arg8[%swap3A_408] {strides = array<i32>} : memref<1600xf32, #tpu.memory_space<vmem>>, vector<16xf32>,
        tpu.vector_store %arg8[%swap3A_408], %broadcast_in_dim3A_14 {strides = array<i32>} : memref<1600xf32, #tpu.memory_space<vmem>>, vector<16xf32>,
        %swap3A_410 = arith.constant 1360 : index
        %swap3A_411 = tpu.vector_load %arg8[%swap3A_410] {strides = array<i32>} : memref<1600xf32, #tpu.memory_space<vmem>>, vector<16xf32>,
        tpu.vector_store %arg8[%swap3A_410], %broadcast_in_dim3A_14 {strides = array<i32>} : memref<1600xf32, #tpu.memory_space<vmem>>, vector<16xf32>,
        %swap3A_412 = arith.constant 1376 : index
        %swap3A_413 = tpu.vector_load %arg8[%swap3A_412] {strides = array<i32>} : memref<1600xf32, #tpu.memory_space<vmem>>, vector<16xf32>,
        tpu.vector_store %arg8[%swap3A_412], %broadcast_in_dim3A_14 {strides = array<i32>} : memref<1600xf32, #tpu.memory_space<vmem>>, vector<16xf32>,
        %swap3A_414 = arith.constant 1392 : index
        %swap3A_415 = tpu.vector_load %arg8[%swap3A_414] {strides = array<i32>} : memref<1600xf32, #tpu.memory_space<vmem>>, vector<16xf32>,
        tpu.vector_store %arg8[%swap3A_414], %broadcast_in_dim3A_14 {strides = array<i32>} : memref<1600xf32, #tpu.memory_space<vmem>>, vector<16xf32>,
        %swap3A_416 = arith.constant 1408 : index
        %swap3A_417 = tpu.vector_load %arg8[%swap3A_416] {strides = array<i32>} : memref<1600xf32, #tpu.memory_space<vmem>>, vector<16xf32>,
        tpu.vector_store %arg8[%swap3A_416], %broadcast_in_dim3A_14 {strides = array<i32>} : memref<1600xf32, #tpu.memory_space<vmem>>, vector<16xf32>,
        %swap3A_418 = arith.constant 1424 : index
        %swap3A_419 = tpu.vector_load %arg8[%swap3A_418] {strides = array<i32>} : memref<1600xf32, #tpu.memory_space<vmem>>, vector<16xf32>,
        tpu.vector_store %arg8[%swap3A_418], %broadcast_in_dim3A_14 {strides = array<i32>} : memref<1600xf32, #tpu.memory_space<vmem>>, vector<16xf32>,
        %swap3A_420 = arith.constant 1440 : index
        %swap3A_421 = tpu.vector_load %arg8[%swap3A_420] {strides = array<i32>} : memref<1600xf32, #tpu.memory_space<vmem>>, vector<16xf32>,
        tpu.vector_store %arg8[%swap3A_420], %broadcast_in_dim3A_14 {strides = array<i32>} : memref<1600xf32, #tpu.memory_space<vmem>>, vector<16xf32>,
        %swap3A_422 = arith.constant 1456 : index
        %swap3A_423 = tpu.vector_load %arg8[%swap3A_422] {strides = array<i32>} : memref<1600xf32, #tpu.memory_space<vmem>>, vector<16xf32>,
        tpu.vector_store %arg8[%swap3A_422], %broadcast_in_dim3A_14 {strides = array<i32>} : memref<1600xf32, #tpu.memory_space<vmem>>, vector<16xf32>,
        %swap3A_424 = arith.constant 1472 : index
        %swap3A_425 = tpu.vector_load %arg8[%swap3A_424] {strides = array<i32>} : memref<1600xf32, #tpu.memory_space<vmem>>, vector<16xf32>,
        tpu.vector_store %arg8[%swap3A_424], %broadcast_in_dim3A_14 {strides = array<i32>} : memref<1600xf32, #tpu.memory_space<vmem>>, vector<16xf32>,
        %swap3A_426 = arith.constant 1488 : index
        %swap3A_427 = tpu.vector_load %arg8[%swap3A_426] {strides = array<i32>} : memref<1600xf32, #tpu.memory_space<vmem>>, vector<16xf32>,
        tpu.vector_store %arg8[%swap3A_426], %broadcast_in_dim3A_14 {strides = array<i32>} : memref<1600xf32, #tpu.memory_space<vmem>>, vector<16xf32>,
        %swap3A_428 = arith.constant 1504 : index
        %swap3A_429 = tpu.vector_load %arg8[%swap3A_428] {strides = array<i32>} : memref<1600xf32, #tpu.memory_space<vmem>>, vector<16xf32>,
        tpu.vector_store %arg8[%swap3A_428], %broadcast_in_dim3A_14 {strides = array<i32>} : memref<1600xf32, #tpu.memory_space<vmem>>, vector<16xf32>,
        %swap3A_430 = arith.constant 1520 : index
        %swap3A_431 = tpu.vector_load %arg8[%swap3A_430] {strides = array<i32>} : memref<1600xf32, #tpu.memory_space<vmem>>, vector<16xf32>,
        tpu.vector_store %arg8[%swap3A_430], %broadcast_in_dim3A_14 {strides = array<i32>} : memref<1600xf32, #tpu.memory_space<vmem>>, vector<16xf32>,
        %swap3A_432 = arith.constant 1536 : index
        %swap3A_433 = tpu.vector_load %arg8[%swap3A_432] {strides = array<i32>} : memref<1600xf32, #tpu.memory_space<vmem>>, vector<16xf32>,
        tpu.vector_store %arg8[%swap3A_432], %broadcast_in_dim3A_14 {strides = array<i32>} : memref<1600xf32, #tpu.memory_space<vmem>>, vector<16xf32>,
        %swap3A_434 = arith.constant 1552 : index
        %swap3A_435 = tpu.vector_load %arg8[%swap3A_434] {strides = array<i32>} : memref<1600xf32, #tpu.memory_space<vmem>>, vector<16xf32>,
        tpu.vector_store %arg8[%swap3A_434], %broadcast_in_dim3A_14 {strides = array<i32>} : memref<1600xf32, #tpu.memory_space<vmem>>, vector<16xf32>,
        %swap3A_436 = arith.constant 1568 : index
        %swap3A_437 = tpu.vector_load %arg8[%swap3A_436] {strides = array<i32>} : memref<1600xf32, #tpu.memory_space<vmem>>, vector<16xf32>,
        tpu.vector_store %arg8[%swap3A_436], %broadcast_in_dim3A_14 {strides = array<i32>} : memref<1600xf32, #tpu.memory_space<vmem>>, vector<16xf32>,
        %swap3A_438 = arith.constant 1584 : index
        %swap3A_439 = tpu.vector_load %arg8[%swap3A_438] {strides = array<i32>} : memref<1600xf32, #tpu.memory_space<vmem>>, vector<16xf32>,
        tpu.vector_store %arg8[%swap3A_438], %broadcast_in_dim3A_14 {strides = array<i32>} : memref<1600xf32, #tpu.memory_space<vmem>>, vector<16xf32>,
      } else {
      }
      %broadcast_in_dim3A_35 = arith.constant -1.000000e+30 : f32
      %broadcast_in_dim3A_36 = vector.broadcast %broadcast_in_dim3A_35 : f32 to vector<16xf32>
      %broadcast_in_dim3A_37 = arith.constant 0 : i32
      %broadcast_in_dim3A_38 = vector.broadcast %broadcast_in_dim3A_37 : i32 to vector<16xi32>
      %get3A = arith.constant 1600 : index
      %get3A_39 = tpu.vector_load %arg4[%get3A] {strides = array<i32>} : memref<1920xf32, #tpu.memory_space<vmem>>, vector<16xf32>,
      %gt3A = arith.cmpf ogt, %get3A_39, %broadcast_in_dim3A_36 : vector<16xf32>
      %add3A_40 = arith.constant 0 : i32
      %add3A_41 = vector.broadcast %add3A_40 : i32 to vector<16xi32>
      %add3A_42 = arith.addi %iota3A, %add3A_41 : vector<16xi32>
      %select_n3A = arith.select %gt3A, %add3A_42, %broadcast_in_dim3A_38 : vector<16xi1>, vector<16xi32>
      %select_n3A_43 = arith.select %gt3A, %get3A_39, %broadcast_in_dim3A_36 : vector<16xi1>, vector<16xf32>
      %get3A_44 = arith.constant 1616 : index
      %get3A_45 = tpu.vector_load %arg4[%get3A_44] {strides = array<i32>} : memref<1920xf32, #tpu.memory_space<vmem>>, vector<16xf32>,
      %gt3A_46 = arith.cmpf ogt, %get3A_45, %select_n3A_43 : vector<16xf32>
      %add3A_47 = arith.constant 16 : i32
      %add3A_48 = vector.broadcast %add3A_47 : i32 to vector<16xi32>
      %add3A_49 = arith.addi %iota3A, %add3A_48 : vector<16xi32>
      %select_n3A_50 = arith.select %gt3A_46, %add3A_49, %select_n3A : vector<16xi1>, vector<16xi32>
      %select_n3A_51 = arith.select %gt3A_46, %get3A_45, %select_n3A_43 : vector<16xi1>, vector<16xf32>
      %get3A_52 = arith.constant 1632 : index
      %get3A_53 = tpu.vector_load %arg4[%get3A_52] {strides = array<i32>} : memref<1920xf32, #tpu.memory_space<vmem>>, vector<16xf32>,
      %gt3A_54 = arith.cmpf ogt, %get3A_53, %select_n3A_51 : vector<16xf32>
      %add3A_55 = arith.constant 32 : i32
      %add3A_56 = vector.broadcast %add3A_55 : i32 to vector<16xi32>
      %add3A_57 = arith.addi %iota3A, %add3A_56 : vector<16xi32>
      %select_n3A_58 = arith.select %gt3A_54, %add3A_57, %select_n3A_50 : vector<16xi1>, vector<16xi32>
      %select_n3A_59 = arith.select %gt3A_54, %get3A_53, %select_n3A_51 : vector<16xi1>, vector<16xf32>
      %get3A_60 = arith.constant 1648 : index
      %get3A_61 = tpu.vector_load %arg4[%get3A_60] {strides = array<i32>} : memref<1920xf32, #tpu.memory_space<vmem>>, vector<16xf32>,
      %gt3A_62 = arith.cmpf ogt, %get3A_61, %select_n3A_59 : vector<16xf32>
      %add3A_63 = arith.constant 48 : i32
      %add3A_64 = vector.broadcast %add3A_63 : i32 to vector<16xi32>
      %add3A_65 = arith.addi %iota3A, %add3A_64 : vector<16xi32>
      %select_n3A_66 = arith.select %gt3A_62, %add3A_65, %select_n3A_58 : vector<16xi1>, vector<16xi32>
      %select_n3A_67 = arith.select %gt3A_62, %get3A_61, %select_n3A_59 : vector<16xi1>, vector<16xf32>
      %get3A_68 = arith.constant 1664 : index
      %get3A_69 = tpu.vector_load %arg4[%get3A_68] {strides = array<i32>} : memref<1920xf32, #tpu.memory_space<vmem>>, vector<16xf32>,
      %gt3A_70 = arith.cmpf ogt, %get3A_69, %select_n3A_67 : vector<16xf32>
      %add3A_71 = arith.constant 64 : i32
      %add3A_72 = vector.broadcast %add3A_71 : i32 to vector<16xi32>
      %add3A_73 = arith.addi %iota3A, %add3A_72 : vector<16xi32>
      %select_n3A_74 = arith.select %gt3A_70, %add3A_73, %select_n3A_66 : vector<16xi1>, vector<16xi32>
      %select_n3A_75 = arith.select %gt3A_70, %get3A_69, %select_n3A_67 : vector<16xi1>, vector<16xf32>
      %get3A_76 = arith.constant 1680 : index
      %get3A_77 = tpu.vector_load %arg4[%get3A_76] {strides = array<i32>} : memref<1920xf32, #tpu.memory_space<vmem>>, vector<16xf32>,
      %gt3A_78 = arith.cmpf ogt, %get3A_77, %select_n3A_75 : vector<16xf32>
      %add3A_79 = arith.constant 80 : i32
      %add3A_80 = vector.broadcast %add3A_79 : i32 to vector<16xi32>
      %add3A_81 = arith.addi %iota3A, %add3A_80 : vector<16xi32>
      %select_n3A_82 = arith.select %gt3A_78, %add3A_81, %select_n3A_74 : vector<16xi1>, vector<16xi32>
      %select_n3A_83 = arith.select %gt3A_78, %get3A_77, %select_n3A_75 : vector<16xi1>, vector<16xf32>
      %get3A_84 = arith.constant 1696 : index
      %get3A_85 = tpu.vector_load %arg4[%get3A_84] {strides = array<i32>} : memref<1920xf32, #tpu.memory_space<vmem>>, vector<16xf32>,
      %gt3A_86 = arith.cmpf ogt, %get3A_85, %select_n3A_83 : vector<16xf32>
      %add3A_87 = arith.constant 96 : i32
      %add3A_88 = vector.broadcast %add3A_87 : i32 to vector<16xi32>
      %add3A_89 = arith.addi %iota3A, %add3A_88 : vector<16xi32>
      %select_n3A_90 = arith.select %gt3A_86, %add3A_89, %select_n3A_82 : vector<16xi1>, vector<16xi32>
      %select_n3A_91 = arith.select %gt3A_86, %get3A_85, %select_n3A_83 : vector<16xi1>, vector<16xf32>
      %get3A_92 = arith.constant 1712 : index
      %get3A_93 = tpu.vector_load %arg4[%get3A_92] {strides = array<i32>} : memref<1920xf32, #tpu.memory_space<vmem>>, vector<16xf32>,
      %gt3A_94 = arith.cmpf ogt, %get3A_93, %select_n3A_91 : vector<16xf32>
      %add3A_95 = arith.constant 112 : i32
      %add3A_96 = vector.broadcast %add3A_95 : i32 to vector<16xi32>
      %add3A_97 = arith.addi %iota3A, %add3A_96 : vector<16xi32>
      %select_n3A_98 = arith.select %gt3A_94, %add3A_97, %select_n3A_90 : vector<16xi1>, vector<16xi32>
      %select_n3A_99 = arith.select %gt3A_94, %get3A_93, %select_n3A_91 : vector<16xi1>, vector<16xf32>
      %get3A_100 = arith.constant 1728 : index
      %get3A_101 = tpu.vector_load %arg4[%get3A_100] {strides = array<i32>} : memref<1920xf32, #tpu.memory_space<vmem>>, vector<16xf32>,
      %gt3A_102 = arith.cmpf ogt, %get3A_101, %select_n3A_99 : vector<16xf32>
      %add3A_103 = arith.constant 128 : i32
      %add3A_104 = vector.broadcast %add3A_103 : i32 to vector<16xi32>
      %add3A_105 = arith.addi %iota3A, %add3A_104 : vector<16xi32>
      %select_n3A_106 = arith.select %gt3A_102, %add3A_105, %select_n3A_98 : vector<16xi1>, vector<16xi32>
      %select_n3A_107 = arith.select %gt3A_102, %get3A_101, %select_n3A_99 : vector<16xi1>, vector<16xf32>
      %get3A_108 = arith.constant 1744 : index
      %get3A_109 = tpu.vector_load %arg4[%get3A_108] {strides = array<i32>} : memref<1920xf32, #tpu.memory_space<vmem>>, vector<16xf32>,
      %gt3A_110 = arith.cmpf ogt, %get3A_109, %select_n3A_107 : vector<16xf32>
      %add3A_111 = arith.constant 144 : i32
      %add3A_112 = vector.broadcast %add3A_111 : i32 to vector<16xi32>
      %add3A_113 = arith.addi %iota3A, %add3A_112 : vector<16xi32>
      %select_n3A_114 = arith.select %gt3A_110, %add3A_113, %select_n3A_106 : vector<16xi1>, vector<16xi32>
      %select_n3A_115 = arith.select %gt3A_110, %get3A_109, %select_n3A_107 : vector<16xi1>, vector<16xf32>
      %get3A_116 = arith.constant 1760 : index
      %get3A_117 = tpu.vector_load %arg4[%get3A_116] {strides = array<i32>} : memref<1920xf32, #tpu.memory_space<vmem>>, vector<16xf32>,
      %gt3A_118 = arith.cmpf ogt, %get3A_117, %select_n3A_115 : vector<16xf32>
      %add3A_119 = arith.constant 160 : i32
      %add3A_120 = vector.broadcast %add3A_119 : i32 to vector<16xi32>
      %add3A_121 = arith.addi %iota3A, %add3A_120 : vector<16xi32>
      %select_n3A_122 = arith.select %gt3A_118, %add3A_121, %select_n3A_114 : vector<16xi1>, vector<16xi32>
      %select_n3A_123 = arith.select %gt3A_118, %get3A_117, %select_n3A_115 : vector<16xi1>, vector<16xf32>
      %get3A_124 = arith.constant 1776 : index
      %get3A_125 = tpu.vector_load %arg4[%get3A_124] {strides = array<i32>} : memref<1920xf32, #tpu.memory_space<vmem>>, vector<16xf32>,
      %gt3A_126 = arith.cmpf ogt, %get3A_125, %select_n3A_123 : vector<16xf32>
      %add3A_127 = arith.constant 176 : i32
      %add3A_128 = vector.broadcast %add3A_127 : i32 to vector<16xi32>
      %add3A_129 = arith.addi %iota3A, %add3A_128 : vector<16xi32>
      %select_n3A_130 = arith.select %gt3A_126, %add3A_129, %select_n3A_122 : vector<16xi1>, vector<16xi32>
      %select_n3A_131 = arith.select %gt3A_126, %get3A_125, %select_n3A_123 : vector<16xi1>, vector<16xf32>
      %get3A_132 = arith.constant 1792 : index
      %get3A_133 = tpu.vector_load %arg4[%get3A_132] {strides = array<i32>} : memref<1920xf32, #tpu.memory_space<vmem>>, vector<16xf32>,
      %gt3A_134 = arith.cmpf ogt, %get3A_133, %select_n3A_131 : vector<16xf32>
      %add3A_135 = arith.constant 192 : i32
      %add3A_136 = vector.broadcast %add3A_135 : i32 to vector<16xi32>
      %add3A_137 = arith.addi %iota3A, %add3A_136 : vector<16xi32>
      %select_n3A_138 = arith.select %gt3A_134, %add3A_137, %select_n3A_130 : vector<16xi1>, vector<16xi32>
      %select_n3A_139 = arith.select %gt3A_134, %get3A_133, %select_n3A_131 : vector<16xi1>, vector<16xf32>
      %get3A_140 = arith.constant 1808 : index
      %get3A_141 = tpu.vector_load %arg4[%get3A_140] {strides = array<i32>} : memref<1920xf32, #tpu.memory_space<vmem>>, vector<16xf32>,
      %gt3A_142 = arith.cmpf ogt, %get3A_141, %select_n3A_139 : vector<16xf32>
      %add3A_143 = arith.constant 208 : i32
      %add3A_144 = vector.broadcast %add3A_143 : i32 to vector<16xi32>
      %add3A_145 = arith.addi %iota3A, %add3A_144 : vector<16xi32>
      %select_n3A_146 = arith.select %gt3A_142, %add3A_145, %select_n3A_138 : vector<16xi1>, vector<16xi32>
      %select_n3A_147 = arith.select %gt3A_142, %get3A_141, %select_n3A_139 : vector<16xi1>, vector<16xf32>
      %get3A_148 = arith.constant 1824 : index
      %get3A_149 = tpu.vector_load %arg4[%get3A_148] {strides = array<i32>} : memref<1920xf32, #tpu.memory_space<vmem>>, vector<16xf32>,
      %gt3A_150 = arith.cmpf ogt, %get3A_149, %select_n3A_147 : vector<16xf32>
      %add3A_151 = arith.constant 224 : i32
      %add3A_152 = vector.broadcast %add3A_151 : i32 to vector<16xi32>
      %add3A_153 = arith.addi %iota3A, %add3A_152 : vector<16xi32>
      %select_n3A_154 = arith.select %gt3A_150, %add3A_153, %select_n3A_146 : vector<16xi1>, vector<16xi32>
      %select_n3A_155 = arith.select %gt3A_150, %get3A_149, %select_n3A_147 : vector<16xi1>, vector<16xf32>
      %get3A_156 = arith.constant 1840 : index
      %get3A_157 = tpu.vector_load %arg4[%get3A_156] {strides = array<i32>} : memref<1920xf32, #tpu.memory_space<vmem>>, vector<16xf32>,
      %gt3A_158 = arith.cmpf ogt, %get3A_157, %select_n3A_155 : vector<16xf32>
      %add3A_159 = arith.constant 240 : i32
      %add3A_160 = vector.broadcast %add3A_159 : i32 to vector<16xi32>
      %add3A_161 = arith.addi %iota3A, %add3A_160 : vector<16xi32>
      %select_n3A_162 = arith.select %gt3A_158, %add3A_161, %select_n3A_154 : vector<16xi1>, vector<16xi32>
      %select_n3A_163 = arith.select %gt3A_158, %get3A_157, %select_n3A_155 : vector<16xi1>, vector<16xf32>
      %get3A_164 = arith.constant 1856 : index
      %get3A_165 = tpu.vector_load %arg4[%get3A_164] {strides = array<i32>} : memref<1920xf32, #tpu.memory_space<vmem>>, vector<16xf32>,
      %gt3A_166 = arith.cmpf ogt, %get3A_165, %select_n3A_163 : vector<16xf32>
      %add3A_167 = arith.constant 256 : i32
      %add3A_168 = vector.broadcast %add3A_167 : i32 to vector<16xi32>
      %add3A_169 = arith.addi %iota3A, %add3A_168 : vector<16xi32>
      %select_n3A_170 = arith.select %gt3A_166, %add3A_169, %select_n3A_162 : vector<16xi1>, vector<16xi32>
      %select_n3A_171 = arith.select %gt3A_166, %get3A_165, %select_n3A_163 : vector<16xi1>, vector<16xf32>
      %get3A_172 = arith.constant 1872 : index
      %get3A_173 = tpu.vector_load %arg4[%get3A_172] {strides = array<i32>} : memref<1920xf32, #tpu.memory_space<vmem>>, vector<16xf32>,
      %gt3A_174 = arith.cmpf ogt, %get3A_173, %select_n3A_171 : vector<16xf32>
      %add3A_175 = arith.constant 272 : i32
      %add3A_176 = vector.broadcast %add3A_175 : i32 to vector<16xi32>
      %add3A_177 = arith.addi %iota3A, %add3A_176 : vector<16xi32>
      %select_n3A_178 = arith.select %gt3A_174, %add3A_177, %select_n3A_170 : vector<16xi1>, vector<16xi32>
      %select_n3A_179 = arith.select %gt3A_174, %get3A_173, %select_n3A_171 : vector<16xi1>, vector<16xf32>
      %get3A_180 = arith.constant 1888 : index
      %get3A_181 = tpu.vector_load %arg4[%get3A_180] {strides = array<i32>} : memref<1920xf32, #tpu.memory_space<vmem>>, vector<16xf32>,
      %gt3A_182 = arith.cmpf ogt, %get3A_181, %select_n3A_179 : vector<16xf32>
      %add3A_183 = arith.constant 288 : i32
      %add3A_184 = vector.broadcast %add3A_183 : i32 to vector<16xi32>
      %add3A_185 = arith.addi %iota3A, %add3A_184 : vector<16xi32>
      %select_n3A_186 = arith.select %gt3A_182, %add3A_185, %select_n3A_178 : vector<16xi1>, vector<16xi32>
      %select_n3A_187 = arith.select %gt3A_182, %get3A_181, %select_n3A_179 : vector<16xi1>, vector<16xf32>
      %get3A_188 = arith.constant 1904 : index
      %get3A_189 = tpu.vector_load %arg4[%get3A_188] {strides = array<i32>} : memref<1920xf32, #tpu.memory_space<vmem>>, vector<16xf32>,
      %gt3A_190 = arith.cmpf ogt, %get3A_189, %select_n3A_187 : vector<16xf32>
      %add3A_191 = arith.constant 304 : i32
      %add3A_192 = vector.broadcast %add3A_191 : i32 to vector<16xi32>
      %add3A_193 = arith.addi %iota3A, %add3A_192 : vector<16xi32>
      %select_n3A_194 = arith.select %gt3A_190, %add3A_193, %select_n3A_186 : vector<16xi1>, vector<16xi32>
      %select_n3A_195 = arith.select %gt3A_190, %get3A_189, %select_n3A_187 : vector<16xi1>, vector<16xf32>
      %reduce_max3A = arith.constant true
      %reduce_max3A_196 = vector.broadcast %reduce_max3A : i1 to vector<16xi1>
      %reduce_max3A_197 = tpu.scan <max>, %select_n3A_195 masked %reduce_max3A_196 : vector<16xf32>, vector<16xi1> -> vector<16xf32>
      %reduce_max3A_198 = vector.extract %reduce_max3A_197[15] : f32 from vector<16xf32>
      %eq3A_199 = vector.broadcast %reduce_max3A_198 : f32 to vector<16xf32>
      %eq3A_200 = arith.cmpf oeq, %select_n3A_195, %eq3A_199 : vector<16xf32>
      %jit3A = arith.constant 1073741824 : i32
      %broadcast_in_dim3A_201 = vector.broadcast %jit3A : i32 to vector<16xi32>
      %select_n3A_202 = arith.select %eq3A_200, %select_n3A_194, %broadcast_in_dim3A_201 : vector<16xi1>, vector<16xi32>
      %reduce_min3A = arith.constant true
      %reduce_min3A_203 = vector.broadcast %reduce_min3A : i1 to vector<16xi1>
      %reduce_min3A_204 = arith.constant -2147483648 : i32
      %reduce_min3A_205 = vector.broadcast %reduce_min3A_204 : i32 to vector<16xi32>
      %reduce_min3A_206 = arith.xori %select_n3A_202, %reduce_min3A_205 : vector<16xi32>
      %reduce_min3A_207 = tpu.scan <min>, %reduce_min3A_206 masked %reduce_min3A_203 : vector<16xi32>, vector<16xi1> -> vector<16xi32>
      %reduce_min3A_208 = arith.xori %reduce_min3A_207, %reduce_min3A_205 : vector<16xi32>
      %reduce_min3A_209 = vector.extract %reduce_min3A_208[15] : i32 from vector<16xi32>
      %min3A = arith.constant 4 : i32
      %min3A_210 = vector.broadcast %min3A : i32 to vector<16xi32>
      %min3A_211 = arith.minsi %iota3A, %min3A_210 : vector<16xi32>
      %mul3A_212 = arith.constant 320 : i32
      %mul3A_213 = vector.broadcast %mul3A_212 : i32 to vector<16xi32>
      %mul3A_214 = arith.muli %min3A_211, %mul3A_213 : vector<16xi32>
      %add3A_215 = vector.broadcast %reduce_min3A_209 : i32 to vector<16xi32>
      %add3A_216 = arith.addi %mul3A_214, %add3A_215 : vector<16xi32>
      %gather3A = tpu.vector_load_idx %arg4[%add3A_216] : memref<1920xf32, #tpu.memory_space<vmem>>[vector<16xi32>], vector<16xf32>,
      %add3A_217 = arith.addi %mul3A_2, %reduce_min3A_209 : i32
      %convert_element_type3A_218 = arith.sitofp %add3A_217 : i32 to f32
      %eq3A_219 = arith.constant 5 : i32
      %eq3A_220 = vector.broadcast %eq3A_219 : i32 to vector<16xi32>
      %eq3A_221 = arith.cmpi eq, %iota3A, %eq3A_220 : vector<16xi32>
      %broadcast_in_dim3A_222 = vector.broadcast %reduce_max3A_198 : f32 to vector<16xf32>
      %eq3A_223 = arith.constant 6 : i32
      %eq3A_224 = vector.broadcast %eq3A_223 : i32 to vector<16xi32>
      %eq3A_225 = arith.cmpi eq, %iota3A, %eq3A_224 : vector<16xi32>
      %broadcast_in_dim3A_226 = vector.broadcast %convert_element_type3A_218 : f32 to vector<16xf32>
      %select_n3A_227 = arith.select %eq3A_225, %broadcast_in_dim3A_226, %gather3A : vector<16xi1>, vector<16xf32>
      %select_n3A_228 = arith.select %eq3A_221, %broadcast_in_dim3A_222, %select_n3A_227 : vector<16xi1>, vector<16xf32>
      %scan3A = arith.constant 0 : i32
      %scan3A_229 = arith.constant 0 : i32
      %scan3A_230 = arith.constant 100 : i32
      %scan3A_231 = arith.addi %scan3A_229, %scan3A_230 : i32
      %scan3A_232 = arith.constant 1 : i32
      %scan3A_233:22 = scf.for %scan3A_240 = %scan3A_229 to %scan3A_231 step %scan3A_232 iter_args(%scan3A_241 = %scan3A, %scan3A_242 = %select_n3A_228, %scan3A_243 = %get3A_39, %scan3A_244 = %get3A_45, %scan3A_245 = %get3A_53, %scan3A_246 = %get3A_61, %scan3A_247 = %get3A_69, %scan3A_248 = %get3A_77, %scan3A_249 = %get3A_85, %scan3A_250 = %get3A_93, %scan3A_251 = %get3A_101, %scan3A_252 = %get3A_109, %scan3A_253 = %get3A_117, %scan3A_254 = %get3A_125, %scan3A_255 = %get3A_133, %scan3A_256 = %get3A_141, %scan3A_257 = %get3A_149, %scan3A_258 = %get3A_157, %scan3A_259 = %get3A_165, %scan3A_260 = %get3A_173, %scan3A_261 = %get3A_181, %scan3A_262 = %get3A_189) -> (i32, vector<16xf32>, vector<16xf32>, vector<16xf32>, vector<16xf32>, vector<16xf32>, vector<16xf32>, vector<16xf32>, vector<16xf32>, vector<16xf32>, vector<16xf32>, vector<16xf32>, vector<16xf32>, vector<16xf32>, vector<16xf32>, vector<16xf32>, vector<16xf32>, vector<16xf32>, vector<16xf32>, vector<16xf32>, vector<16xf32>, vector<16xf32>)  : i32 {
        %rem3A = arith.constant 2 : i32
        %rem3A_263 = arith.remsi %scan3A_240, %rem3A : i32
        %swap3A_264 = arith.constant 0 : index
        %swap3A_265 = tpu.vector_load %arg5[%swap3A_264] {strides = array<i32>} : memref<128xf32, #tpu.memory_space<vmem>>, vector<16xf32>,
        tpu.vector_store %arg5[%swap3A_264], %scan3A_242 {strides = array<i32>} : memref<128xf32, #tpu.memory_space<vmem>>, vector<16xf32>,
        "tpu.region"() ({
          %run_scoped3A = tpu.sem_alloc : memref<!tpu.dma_semaphore, #tpu.memory_space<semaphore_mem>>
          %dma_start3A = arith.constant 0 : i32
          %dma_start3A_1219 = tpu.memref_slice %arg6[%rem3A_263, %arg1, %dma_start3A] : memref<2x16x128xf32, #tpu.memory_space<vmem_shared>> -> memref<1x1x128xf32, #tpu.memory_space<vmem_shared>>
          %dma_start3A_1220 = tpu.memref_squeeze %dma_start3A_1219 : memref<1x1x128xf32, #tpu.memory_space<vmem_shared>> -> memref<128xf32, #tpu.memory_space<vmem_shared>>
          %dma_start3A_1221 = arith.constant 0 : i32
          %dma_start3A_1222 = tpu.memref_slice %arg6[%rem3A_263, %arg1, %dma_start3A_1221] : memref<2x16x128xf32, #tpu.memory_space<vmem_shared>> -> memref<1x1x128xf32, #tpu.memory_space<vmem_shared>>
          %dma_start3A_1223 = tpu.memref_squeeze %dma_start3A_1222 : memref<1x1x128xf32, #tpu.memory_space<vmem_shared>> -> memref<128xf32, #tpu.memory_space<vmem_shared>>
          tpu.enqueue_dma source(%arg5 : memref<128xf32, #tpu.memory_space<vmem>>) target(%dma_start3A_1223 : memref<128xf32, #tpu.memory_space<vmem_shared>>) target_semaphore(%run_scoped3A : memref<!tpu.dma_semaphore, #tpu.memory_space<semaphore_mem>>)
          %dma_wait3A = arith.constant 0 : i32
          %dma_wait3A_1224 = tpu.memref_slice %arg6[%rem3A_263, %arg1, %dma_wait3A] : memref<2x16x128xf32, #tpu.memory_space<vmem_shared>> -> memref<1x1x128xf32, #tpu.memory_space<vmem_shared>>
          %dma_wait3A_1225 = tpu.memref_squeeze %dma_wait3A_1224 : memref<1x1x128xf32, #tpu.memory_space<vmem_shared>> -> memref<128xf32, #tpu.memory_space<vmem_shared>>
          %dma_wait3A_1226 = arith.constant 0 : i32
          %dma_wait3A_1227 = tpu.memref_slice %arg6[%rem3A_263, %arg1, %dma_wait3A_1226] : memref<2x16x128xf32, #tpu.memory_space<vmem_shared>> -> memref<1x1x128xf32, #tpu.memory_space<vmem_shared>>
          %dma_wait3A_1228 = tpu.memref_squeeze %dma_wait3A_1227 : memref<1x1x128xf32, #tpu.memory_space<vmem_shared>> -> memref<128xf32, #tpu.memory_space<vmem_shared>>
          tpu.wait_dma2 semaphore(%run_scoped3A : memref<!tpu.dma_semaphore, #tpu.memory_space<semaphore_mem>>) src(%arg5 : memref<128xf32, #tpu.memory_space<vmem>>) dst(%dma_wait3A_1228 : memref<128xf32, #tpu.memory_space<vmem_shared>>)
          tpu.yield
        }) : () -> ()
        %barrier3A = arith.constant 0 : index
        tpu.barrier barrier_id(%barrier3A)
        "tpu.region"() ({
          %run_scoped3A = tpu.sem_alloc : memref<!tpu.dma_semaphore, #tpu.memory_space<semaphore_mem>>
          %dma_start3A = arith.constant 0 : i32
          %dma_start3A_1219 = arith.constant 0 : i32
          %dma_start3A_1220 = tpu.memref_slice %arg6[%rem3A_263, %dma_start3A, %dma_start3A_1219] : memref<2x16x128xf32, #tpu.memory_space<vmem_shared>> -> memref<1x16x128xf32, #tpu.memory_space<vmem_shared>>
          %dma_start3A_1221 = tpu.memref_squeeze %dma_start3A_1220 : memref<1x16x128xf32, #tpu.memory_space<vmem_shared>> -> memref<16x128xf32, #tpu.memory_space<vmem_shared>>
          %dma_start3A_1222 = arith.constant 0 : i32
          %dma_start3A_1223 = arith.constant 0 : i32
          %dma_start3A_1224 = tpu.memref_slice %arg6[%rem3A_263, %dma_start3A_1222, %dma_start3A_1223] : memref<2x16x128xf32, #tpu.memory_space<vmem_shared>> -> memref<1x16x128xf32, #tpu.memory_space<vmem_shared>>
          %dma_start3A_1225 = tpu.memref_squeeze %dma_start3A_1224 : memref<1x16x128xf32, #tpu.memory_space<vmem_shared>> -> memref<16x128xf32, #tpu.memory_space<vmem_shared>>
          tpu.enqueue_dma source(%dma_start3A_1225 : memref<16x128xf32, #tpu.memory_space<vmem_shared>>) target(%arg7 : memref<16x128xf32, #tpu.memory_space<vmem>>) target_semaphore(%run_scoped3A : memref<!tpu.dma_semaphore, #tpu.memory_space<semaphore_mem>>)
          %dma_wait3A = arith.constant 0 : i32
          %dma_wait3A_1226 = arith.constant 0 : i32
          %dma_wait3A_1227 = tpu.memref_slice %arg6[%rem3A_263, %dma_wait3A, %dma_wait3A_1226] : memref<2x16x128xf32, #tpu.memory_space<vmem_shared>> -> memref<1x16x128xf32, #tpu.memory_space<vmem_shared>>
          %dma_wait3A_1228 = tpu.memref_squeeze %dma_wait3A_1227 : memref<1x16x128xf32, #tpu.memory_space<vmem_shared>> -> memref<16x128xf32, #tpu.memory_space<vmem_shared>>
          %dma_wait3A_1229 = arith.constant 0 : i32
          %dma_wait3A_1230 = arith.constant 0 : i32
          %dma_wait3A_1231 = tpu.memref_slice %arg6[%rem3A_263, %dma_wait3A_1229, %dma_wait3A_1230] : memref<2x16x128xf32, #tpu.memory_space<vmem_shared>> -> memref<1x16x128xf32, #tpu.memory_space<vmem_shared>>
          %dma_wait3A_1232 = tpu.memref_squeeze %dma_wait3A_1231 : memref<1x16x128xf32, #tpu.memory_space<vmem_shared>> -> memref<16x128xf32, #tpu.memory_space<vmem_shared>>
          tpu.wait_dma2 semaphore(%run_scoped3A : memref<!tpu.dma_semaphore, #tpu.memory_space<semaphore_mem>>) src(%dma_wait3A_1232 : memref<16x128xf32, #tpu.memory_space<vmem_shared>>) dst(%arg7 : memref<16x128xf32, #tpu.memory_space<vmem>>)
          tpu.yield
        }) : () -> ()
        %broadcast_in_dim3A_266 = arith.constant 5 : i32
        %broadcast_in_dim3A_267 = vector.broadcast %broadcast_in_dim3A_266 : i32 to vector<16xi32>
        %gather3A_268 = tpu.vector_load_idx %arg7[%iota3A, %broadcast_in_dim3A_267] : memref<16x128xf32, #tpu.memory_space<vmem>>[vector<16xi32>, vector<16xi32>], vector<16xf32>,
        %add3A_269 = arith.constant 1 : i32
        %add3A_270 = vector.broadcast %add3A_269 : i32 to vector<16xi32>
        %add3A_271 = arith.addi %broadcast_in_dim3A_267, %add3A_270 : vector<16xi32>
        %gather3A_272 = tpu.vector_load_idx %arg7[%iota3A, %add3A_271] : memref<16x128xf32, #tpu.memory_space<vmem>>[vector<16xi32>, vector<16xi32>], vector<16xf32>,
        %reduce_max3A_273 = arith.constant true
        %reduce_max3A_274 = vector.broadcast %reduce_max3A_273 : i1 to vector<16xi1>
        %reduce_max3A_275 = tpu.scan <max>, %gather3A_268 masked %reduce_max3A_274 : vector<16xf32>, vector<16xi1> -> vector<16xf32>
        %reduce_max3A_276 = vector.extract %reduce_max3A_275[15] : f32 from vector<16xf32>
        %gt3A_277 = arith.constant -5.000000e+29 : f32
        %gt3A_278 = arith.cmpf ogt, %reduce_max3A_276, %gt3A_277 : f32
        %eq3A_279 = vector.broadcast %reduce_max3A_276 : f32 to vector<16xf32>
        %eq3A_280 = arith.cmpf oeq, %gather3A_268, %eq3A_279 : vector<16xf32>
        %jit3A_281 = arith.constant 1.000000e+09 : f32
        %broadcast_in_dim3A_282 = vector.broadcast %jit3A_281 : f32 to vector<16xf32>
        %select_n3A_283 = arith.select %eq3A_280, %gather3A_272, %broadcast_in_dim3A_282 : vector<16xi1>, vector<16xf32>
        %reduce_min3A_284 = arith.constant true
        %reduce_min3A_285 = vector.broadcast %reduce_min3A_284 : i1 to vector<16xi1>
        %reduce_min3A_286 = tpu.scan <min>, %select_n3A_283 masked %reduce_min3A_285 : vector<16xf32>, vector<16xi1> -> vector<16xf32>
        %reduce_min3A_287 = vector.extract %reduce_min3A_286[15] : f32 from vector<16xf32>
        %eq3A_288 = vector.broadcast %reduce_max3A_276 : f32 to vector<16xf32>
        %eq3A_289 = arith.cmpf oeq, %gather3A_268, %eq3A_288 : vector<16xf32>
        %eq3A_290 = vector.broadcast %reduce_min3A_287 : f32 to vector<16xf32>
        %eq3A_291 = arith.cmpf oeq, %gather3A_272, %eq3A_290 : vector<16xf32>
        %and3A = arith.andi %eq3A_289, %eq3A_291 : vector<16xi1>
        %jit3A_292 = arith.constant 99 : i32
        %broadcast_in_dim3A_293 = vector.broadcast %jit3A_292 : i32 to vector<16xi32>
        %select_n3A_294 = arith.select %and3A, %iota3A, %broadcast_in_dim3A_293 : vector<16xi1>, vector<16xi32>
        %reduce_min3A_295 = arith.constant true
        %reduce_min3A_296 = vector.broadcast %reduce_min3A_295 : i1 to vector<16xi1>
        %reduce_min3A_297 = arith.constant -2147483648 : i32
        %reduce_min3A_298 = vector.broadcast %reduce_min3A_297 : i32 to vector<16xi32>
        %reduce_min3A_299 = arith.xori %select_n3A_294, %reduce_min3A_298 : vector<16xi32>
        %reduce_min3A_300 = tpu.scan <min>, %reduce_min3A_299 masked %reduce_min3A_296 : vector<16xi32>, vector<16xi1> -> vector<16xi32>
        %reduce_min3A_301 = arith.xori %reduce_min3A_300, %reduce_min3A_298 : vector<16xi32>
        %reduce_min3A_302 = vector.extract %reduce_min3A_301[15] : i32 from vector<16xi32>
        %broadcast_in_dim3A_303 = vector.broadcast %reduce_min3A_302 : i32 to vector<16xi32>
        %min3A_304 = arith.constant 4 : i32
        %min3A_305 = vector.broadcast %min3A_304 : i32 to vector<16xi32>
        %min3A_306 = arith.minsi %iota3A, %min3A_305 : vector<16xi32>
        %gather3A_307 = tpu.vector_load_idx %arg7[%broadcast_in_dim3A_303, %min3A_306] : memref<16x128xf32, #tpu.memory_space<vmem>>[vector<16xi32>, vector<16xi32>], vector<16xf32>,
        %broadcast_in_dim3A_308 = arith.constant 0 : i32
        %broadcast_in_dim3A_309 = vector.broadcast %broadcast_in_dim3A_308 : i32 to vector<16xi32>
        %gather3A_310 = tpu.vector_load_idx %arg7[%broadcast_in_dim3A_303, %broadcast_in_dim3A_309] : memref<16x128xf32, #tpu.memory_space<vmem>>[vector<16xi32>, vector<16xi32>], vector<16xf32>,
        %broadcast_in_dim3A_311 = arith.constant 1 : i32
        %broadcast_in_dim3A_312 = vector.broadcast %broadcast_in_dim3A_311 : i32 to vector<16xi32>
        %gather3A_313 = tpu.vector_load_idx %arg7[%broadcast_in_dim3A_303, %broadcast_in_dim3A_312] : memref<16x128xf32, #tpu.memory_space<vmem>>[vector<16xi32>, vector<16xi32>], vector<16xf32>,
        %broadcast_in_dim3A_314 = arith.constant 2 : i32
        %broadcast_in_dim3A_315 = vector.broadcast %broadcast_in_dim3A_314 : i32 to vector<16xi32>
        %gather3A_316 = tpu.vector_load_idx %arg7[%broadcast_in_dim3A_303, %broadcast_in_dim3A_315] : memref<16x128xf32, #tpu.memory_space<vmem>>[vector<16xi32>, vector<16xi32>], vector<16xf32>,
        %broadcast_in_dim3A_317 = arith.constant 3 : i32
        %broadcast_in_dim3A_318 = vector.broadcast %broadcast_in_dim3A_317 : i32 to vector<16xi32>
        %gather3A_319 = tpu.vector_load_idx %arg7[%broadcast_in_dim3A_303, %broadcast_in_dim3A_318] : memref<16x128xf32, #tpu.memory_space<vmem>>[vector<16xi32>, vector<16xi32>], vector<16xf32>,
        %broadcast_in_dim3A_320 = arith.constant 4 : i32
        %broadcast_in_dim3A_321 = vector.broadcast %broadcast_in_dim3A_320 : i32 to vector<16xi32>
        %gather3A_322 = tpu.vector_load_idx %arg7[%broadcast_in_dim3A_303, %broadcast_in_dim3A_321] : memref<16x128xf32, #tpu.memory_space<vmem>>[vector<16xi32>, vector<16xi32>], vector<16xf32>,
        %jit3A_323 = arith.constant 1.000000e+00 : f32
        %jit3A_324 = arith.constant 0.000000e+00 : f32
        %select_n3A_325 = arith.select %gt3A_278, %jit3A_323, %jit3A_324 : f32
        %broadcast_in_dim3A_326 = vector.broadcast %select_n3A_325 : f32 to vector<16xf32>
        %gt3A_327 = arith.constant 5.000000e-01 : f32
        %gt3A_328 = vector.broadcast %gt3A_327 : f32 to vector<16xf32>
        %gt3A_329 = arith.cmpf ogt, %broadcast_in_dim3A_326, %gt3A_328 : vector<16xf32>
        %broadcast_in_dim3A_330 = arith.constant -1.000000e+30 : f32
        %broadcast_in_dim3A_331 = vector.broadcast %broadcast_in_dim3A_330 : f32 to vector<16xf32>
        %broadcast_in_dim3A_332 = arith.constant 0 : i32
        %broadcast_in_dim3A_333 = vector.broadcast %broadcast_in_dim3A_332 : i32 to vector<16xi32>
        %get3A_334 = arith.constant 0 : index
        %get3A_335 = tpu.vector_load %arg4[%get3A_334] {strides = array<i32>} : memref<1920xf32, #tpu.memory_space<vmem>>, vector<16xf32>,
        %max3A = arith.maximumf %gather3A_310, %get3A_335 : vector<16xf32>
        %get3A_336 = arith.constant 320 : index
        %get3A_337 = tpu.vector_load %arg4[%get3A_336] {strides = array<i32>} : memref<1920xf32, #tpu.memory_space<vmem>>, vector<16xf32>,
        %max3A_338 = arith.maximumf %gather3A_313, %get3A_337 : vector<16xf32>
        %get3A_339 = arith.constant 640 : index
        %get3A_340 = tpu.vector_load %arg4[%get3A_339] {strides = array<i32>} : memref<1920xf32, #tpu.memory_space<vmem>>, vector<16xf32>,
        %min3A_341 = arith.minimumf %gather3A_316, %get3A_340 : vector<16xf32>
        %get3A_342 = arith.constant 960 : index
        %get3A_343 = tpu.vector_load %arg4[%get3A_342] {strides = array<i32>} : memref<1920xf32, #tpu.memory_space<vmem>>, vector<16xf32>,
        %min3A_344 = arith.minimumf %gather3A_319, %get3A_343 : vector<16xf32>
        %get3A_345 = arith.constant 1280 : index
        %get3A_346 = tpu.vector_load %arg4[%get3A_345] {strides = array<i32>} : memref<1920xf32, #tpu.memory_space<vmem>>, vector<16xf32>,
        %sub3A = arith.subf %min3A_341, %max3A : vector<16xf32>
        %max3A_347 = arith.constant 0.000000e+00 : f32
        %max3A_348 = vector.broadcast %max3A_347 : f32 to vector<16xf32>
        %max3A_349 = arith.maximumf %sub3A, %max3A_348 : vector<16xf32>
        %sub3A_350 = arith.subf %min3A_344, %max3A_338 : vector<16xf32>
        %max3A_351 = arith.constant 0.000000e+00 : f32
        %max3A_352 = vector.broadcast %max3A_351 : f32 to vector<16xf32>
        %max3A_353 = arith.maximumf %sub3A_350, %max3A_352 : vector<16xf32>
        %mul3A_354 = arith.mulf %max3A_349, %max3A_353 : vector<16xf32>
        %add3A_355 = arith.addf %gather3A_322, %get3A_346 : vector<16xf32>
        %sub3A_356 = arith.subf %add3A_355, %mul3A_354 : vector<16xf32>
        %max3A_357 = arith.constant 9.99999971E-10 : f32
        %max3A_358 = vector.broadcast %max3A_357 : f32 to vector<16xf32>
        %max3A_359 = arith.maximumf %sub3A_356, %max3A_358 : vector<16xf32>
        %div3A = arith.divf %mul3A_354, %max3A_359 : vector<16xf32>
        %gt3A_360 = arith.constant 1.000000e-01 : f32
        %gt3A_361 = vector.broadcast %gt3A_360 : f32 to vector<16xf32>
        %gt3A_362 = arith.cmpf ogt, %div3A, %gt3A_361 : vector<16xf32>
        %and3A_363 = arith.andi %gt3A_362, %gt3A_329 : vector<16xi1>
        %jit3A_364 = arith.constant -1.000000e+30 : f32
        %broadcast_in_dim3A_365 = vector.broadcast %jit3A_364 : f32 to vector<16xf32>
        %select_n3A_366 = arith.select %and3A_363, %broadcast_in_dim3A_365, %scan3A_243 : vector<16xi1>, vector<16xf32>
        %gt3A_367 = arith.cmpf ogt, %select_n3A_366, %broadcast_in_dim3A_331 : vector<16xf32>
        %add3A_368 = arith.constant 0 : i32
        %add3A_369 = vector.broadcast %add3A_368 : i32 to vector<16xi32>
        %add3A_370 = arith.addi %iota3A, %add3A_369 : vector<16xi32>
        %select_n3A_371 = arith.select %gt3A_367, %add3A_370, %broadcast_in_dim3A_333 : vector<16xi1>, vector<16xi32>
        %select_n3A_372 = arith.select %gt3A_367, %select_n3A_366, %broadcast_in_dim3A_331 : vector<16xi1>, vector<16xf32>
        %get3A_373 = arith.constant 16 : index
        %get3A_374 = tpu.vector_load %arg4[%get3A_373] {strides = array<i32>} : memref<1920xf32, #tpu.memory_space<vmem>>, vector<16xf32>,
        %max3A_375 = arith.maximumf %gather3A_310, %get3A_374 : vector<16xf32>
        %get3A_376 = arith.constant 336 : index
        %get3A_377 = tpu.vector_load %arg4[%get3A_376] {strides = array<i32>} : memref<1920xf32, #tpu.memory_space<vmem>>, vector<16xf32>,
        %max3A_378 = arith.maximumf %gather3A_313, %get3A_377 : vector<16xf32>
        %get3A_379 = arith.constant 656 : index
        %get3A_380 = tpu.vector_load %arg4[%get3A_379] {strides = array<i32>} : memref<1920xf32, #tpu.memory_space<vmem>>, vector<16xf32>,
        %min3A_381 = arith.minimumf %gather3A_316, %get3A_380 : vector<16xf32>
        %get3A_382 = arith.constant 976 : index
        %get3A_383 = tpu.vector_load %arg4[%get3A_382] {strides = array<i32>} : memref<1920xf32, #tpu.memory_space<vmem>>, vector<16xf32>,
        %min3A_384 = arith.minimumf %gather3A_319, %get3A_383 : vector<16xf32>
        %get3A_385 = arith.constant 1296 : index
        %get3A_386 = tpu.vector_load %arg4[%get3A_385] {strides = array<i32>} : memref<1920xf32, #tpu.memory_space<vmem>>, vector<16xf32>,
        %sub3A_387 = arith.subf %min3A_381, %max3A_375 : vector<16xf32>
        %max3A_388 = arith.constant 0.000000e+00 : f32
        %max3A_389 = vector.broadcast %max3A_388 : f32 to vector<16xf32>
        %max3A_390 = arith.maximumf %sub3A_387, %max3A_389 : vector<16xf32>
        %sub3A_391 = arith.subf %min3A_384, %max3A_378 : vector<16xf32>
        %max3A_392 = arith.constant 0.000000e+00 : f32
        %max3A_393 = vector.broadcast %max3A_392 : f32 to vector<16xf32>
        %max3A_394 = arith.maximumf %sub3A_391, %max3A_393 : vector<16xf32>
        %mul3A_395 = arith.mulf %max3A_390, %max3A_394 : vector<16xf32>
        %add3A_396 = arith.addf %gather3A_322, %get3A_386 : vector<16xf32>
        %sub3A_397 = arith.subf %add3A_396, %mul3A_395 : vector<16xf32>
        %max3A_398 = arith.constant 9.99999971E-10 : f32
        %max3A_399 = vector.broadcast %max3A_398 : f32 to vector<16xf32>
        %max3A_400 = arith.maximumf %sub3A_397, %max3A_399 : vector<16xf32>
        %div3A_401 = arith.divf %mul3A_395, %max3A_400 : vector<16xf32>
        %gt3A_402 = arith.constant 1.000000e-01 : f32
        %gt3A_403 = vector.broadcast %gt3A_402 : f32 to vector<16xf32>
        %gt3A_404 = arith.cmpf ogt, %div3A_401, %gt3A_403 : vector<16xf32>
        %and3A_405 = arith.andi %gt3A_404, %gt3A_329 : vector<16xi1>
        %jit3A_406 = arith.constant -1.000000e+30 : f32
        %broadcast_in_dim3A_407 = vector.broadcast %jit3A_406 : f32 to vector<16xf32>
        %select_n3A_408 = arith.select %and3A_405, %broadcast_in_dim3A_407, %scan3A_244 : vector<16xi1>, vector<16xf32>
        %gt3A_409 = arith.cmpf ogt, %select_n3A_408, %select_n3A_372 : vector<16xf32>
        %add3A_410 = arith.constant 16 : i32
        %add3A_411 = vector.broadcast %add3A_410 : i32 to vector<16xi32>
        %add3A_412 = arith.addi %iota3A, %add3A_411 : vector<16xi32>
        %select_n3A_413 = arith.select %gt3A_409, %add3A_412, %select_n3A_371 : vector<16xi1>, vector<16xi32>
        %select_n3A_414 = arith.select %gt3A_409, %select_n3A_408, %select_n3A_372 : vector<16xi1>, vector<16xf32>
        %get3A_415 = arith.constant 32 : index
        %get3A_416 = tpu.vector_load %arg4[%get3A_415] {strides = array<i32>} : memref<1920xf32, #tpu.memory_space<vmem>>, vector<16xf32>,
        %max3A_417 = arith.maximumf %gather3A_310, %get3A_416 : vector<16xf32>
        %get3A_418 = arith.constant 352 : index
        %get3A_419 = tpu.vector_load %arg4[%get3A_418] {strides = array<i32>} : memref<1920xf32, #tpu.memory_space<vmem>>, vector<16xf32>,
        %max3A_420 = arith.maximumf %gather3A_313, %get3A_419 : vector<16xf32>
        %get3A_421 = arith.constant 672 : index
        %get3A_422 = tpu.vector_load %arg4[%get3A_421] {strides = array<i32>} : memref<1920xf32, #tpu.memory_space<vmem>>, vector<16xf32>,
        %min3A_423 = arith.minimumf %gather3A_316, %get3A_422 : vector<16xf32>
        %get3A_424 = arith.constant 992 : index
        %get3A_425 = tpu.vector_load %arg4[%get3A_424] {strides = array<i32>} : memref<1920xf32, #tpu.memory_space<vmem>>, vector<16xf32>,
        %min3A_426 = arith.minimumf %gather3A_319, %get3A_425 : vector<16xf32>
        %get3A_427 = arith.constant 1312 : index
        %get3A_428 = tpu.vector_load %arg4[%get3A_427] {strides = array<i32>} : memref<1920xf32, #tpu.memory_space<vmem>>, vector<16xf32>,
        %sub3A_429 = arith.subf %min3A_423, %max3A_417 : vector<16xf32>
        %max3A_430 = arith.constant 0.000000e+00 : f32
        %max3A_431 = vector.broadcast %max3A_430 : f32 to vector<16xf32>
        %max3A_432 = arith.maximumf %sub3A_429, %max3A_431 : vector<16xf32>
        %sub3A_433 = arith.subf %min3A_426, %max3A_420 : vector<16xf32>
        %max3A_434 = arith.constant 0.000000e+00 : f32
        %max3A_435 = vector.broadcast %max3A_434 : f32 to vector<16xf32>
        %max3A_436 = arith.maximumf %sub3A_433, %max3A_435 : vector<16xf32>
        %mul3A_437 = arith.mulf %max3A_432, %max3A_436 : vector<16xf32>
        %add3A_438 = arith.addf %gather3A_322, %get3A_428 : vector<16xf32>
        %sub3A_439 = arith.subf %add3A_438, %mul3A_437 : vector<16xf32>
        %max3A_440 = arith.constant 9.99999971E-10 : f32
        %max3A_441 = vector.broadcast %max3A_440 : f32 to vector<16xf32>
        %max3A_442 = arith.maximumf %sub3A_439, %max3A_441 : vector<16xf32>
        %div3A_443 = arith.divf %mul3A_437, %max3A_442 : vector<16xf32>
        %gt3A_444 = arith.constant 1.000000e-01 : f32
        %gt3A_445 = vector.broadcast %gt3A_444 : f32 to vector<16xf32>
        %gt3A_446 = arith.cmpf ogt, %div3A_443, %gt3A_445 : vector<16xf32>
        %and3A_447 = arith.andi %gt3A_446, %gt3A_329 : vector<16xi1>
        %jit3A_448 = arith.constant -1.000000e+30 : f32
        %broadcast_in_dim3A_449 = vector.broadcast %jit3A_448 : f32 to vector<16xf32>
        %select_n3A_450 = arith.select %and3A_447, %broadcast_in_dim3A_449, %scan3A_245 : vector<16xi1>, vector<16xf32>
        %gt3A_451 = arith.cmpf ogt, %select_n3A_450, %select_n3A_414 : vector<16xf32>
        %add3A_452 = arith.constant 32 : i32
        %add3A_453 = vector.broadcast %add3A_452 : i32 to vector<16xi32>
        %add3A_454 = arith.addi %iota3A, %add3A_453 : vector<16xi32>
        %select_n3A_455 = arith.select %gt3A_451, %add3A_454, %select_n3A_413 : vector<16xi1>, vector<16xi32>
        %select_n3A_456 = arith.select %gt3A_451, %select_n3A_450, %select_n3A_414 : vector<16xi1>, vector<16xf32>
        %get3A_457 = arith.constant 48 : index
        %get3A_458 = tpu.vector_load %arg4[%get3A_457] {strides = array<i32>} : memref<1920xf32, #tpu.memory_space<vmem>>, vector<16xf32>,
        %max3A_459 = arith.maximumf %gather3A_310, %get3A_458 : vector<16xf32>
        %get3A_460 = arith.constant 368 : index
        %get3A_461 = tpu.vector_load %arg4[%get3A_460] {strides = array<i32>} : memref<1920xf32, #tpu.memory_space<vmem>>, vector<16xf32>,
        %max3A_462 = arith.maximumf %gather3A_313, %get3A_461 : vector<16xf32>
        %get3A_463 = arith.constant 688 : index
        %get3A_464 = tpu.vector_load %arg4[%get3A_463] {strides = array<i32>} : memref<1920xf32, #tpu.memory_space<vmem>>, vector<16xf32>,
        %min3A_465 = arith.minimumf %gather3A_316, %get3A_464 : vector<16xf32>
        %get3A_466 = arith.constant 1008 : index
        %get3A_467 = tpu.vector_load %arg4[%get3A_466] {strides = array<i32>} : memref<1920xf32, #tpu.memory_space<vmem>>, vector<16xf32>,
        %min3A_468 = arith.minimumf %gather3A_319, %get3A_467 : vector<16xf32>
        %get3A_469 = arith.constant 1328 : index
        %get3A_470 = tpu.vector_load %arg4[%get3A_469] {strides = array<i32>} : memref<1920xf32, #tpu.memory_space<vmem>>, vector<16xf32>,
        %sub3A_471 = arith.subf %min3A_465, %max3A_459 : vector<16xf32>
        %max3A_472 = arith.constant 0.000000e+00 : f32
        %max3A_473 = vector.broadcast %max3A_472 : f32 to vector<16xf32>
        %max3A_474 = arith.maximumf %sub3A_471, %max3A_473 : vector<16xf32>
        %sub3A_475 = arith.subf %min3A_468, %max3A_462 : vector<16xf32>
        %max3A_476 = arith.constant 0.000000e+00 : f32
        %max3A_477 = vector.broadcast %max3A_476 : f32 to vector<16xf32>
        %max3A_478 = arith.maximumf %sub3A_475, %max3A_477 : vector<16xf32>
        %mul3A_479 = arith.mulf %max3A_474, %max3A_478 : vector<16xf32>
        %add3A_480 = arith.addf %gather3A_322, %get3A_470 : vector<16xf32>
        %sub3A_481 = arith.subf %add3A_480, %mul3A_479 : vector<16xf32>
        %max3A_482 = arith.constant 9.99999971E-10 : f32
        %max3A_483 = vector.broadcast %max3A_482 : f32 to vector<16xf32>
        %max3A_484 = arith.maximumf %sub3A_481, %max3A_483 : vector<16xf32>
        %div3A_485 = arith.divf %mul3A_479, %max3A_484 : vector<16xf32>
        %gt3A_486 = arith.constant 1.000000e-01 : f32
        %gt3A_487 = vector.broadcast %gt3A_486 : f32 to vector<16xf32>
        %gt3A_488 = arith.cmpf ogt, %div3A_485, %gt3A_487 : vector<16xf32>
        %and3A_489 = arith.andi %gt3A_488, %gt3A_329 : vector<16xi1>
        %jit3A_490 = arith.constant -1.000000e+30 : f32
        %broadcast_in_dim3A_491 = vector.broadcast %jit3A_490 : f32 to vector<16xf32>
        %select_n3A_492 = arith.select %and3A_489, %broadcast_in_dim3A_491, %scan3A_246 : vector<16xi1>, vector<16xf32>
        %gt3A_493 = arith.cmpf ogt, %select_n3A_492, %select_n3A_456 : vector<16xf32>
        %add3A_494 = arith.constant 48 : i32
        %add3A_495 = vector.broadcast %add3A_494 : i32 to vector<16xi32>
        %add3A_496 = arith.addi %iota3A, %add3A_495 : vector<16xi32>
        %select_n3A_497 = arith.select %gt3A_493, %add3A_496, %select_n3A_455 : vector<16xi1>, vector<16xi32>
        %select_n3A_498 = arith.select %gt3A_493, %select_n3A_492, %select_n3A_456 : vector<16xi1>, vector<16xf32>
        %get3A_499 = arith.constant 64 : index
        %get3A_500 = tpu.vector_load %arg4[%get3A_499] {strides = array<i32>} : memref<1920xf32, #tpu.memory_space<vmem>>, vector<16xf32>,
        %max3A_501 = arith.maximumf %gather3A_310, %get3A_500 : vector<16xf32>
        %get3A_502 = arith.constant 384 : index
        %get3A_503 = tpu.vector_load %arg4[%get3A_502] {strides = array<i32>} : memref<1920xf32, #tpu.memory_space<vmem>>, vector<16xf32>,
        %max3A_504 = arith.maximumf %gather3A_313, %get3A_503 : vector<16xf32>
        %get3A_505 = arith.constant 704 : index
        %get3A_506 = tpu.vector_load %arg4[%get3A_505] {strides = array<i32>} : memref<1920xf32, #tpu.memory_space<vmem>>, vector<16xf32>,
        %min3A_507 = arith.minimumf %gather3A_316, %get3A_506 : vector<16xf32>
        %get3A_508 = arith.constant 1024 : index
        %get3A_509 = tpu.vector_load %arg4[%get3A_508] {strides = array<i32>} : memref<1920xf32, #tpu.memory_space<vmem>>, vector<16xf32>,
        %min3A_510 = arith.minimumf %gather3A_319, %get3A_509 : vector<16xf32>
        %get3A_511 = arith.constant 1344 : index
        %get3A_512 = tpu.vector_load %arg4[%get3A_511] {strides = array<i32>} : memref<1920xf32, #tpu.memory_space<vmem>>, vector<16xf32>,
        %sub3A_513 = arith.subf %min3A_507, %max3A_501 : vector<16xf32>
        %max3A_514 = arith.constant 0.000000e+00 : f32
        %max3A_515 = vector.broadcast %max3A_514 : f32 to vector<16xf32>
        %max3A_516 = arith.maximumf %sub3A_513, %max3A_515 : vector<16xf32>
        %sub3A_517 = arith.subf %min3A_510, %max3A_504 : vector<16xf32>
        %max3A_518 = arith.constant 0.000000e+00 : f32
        %max3A_519 = vector.broadcast %max3A_518 : f32 to vector<16xf32>
        %max3A_520 = arith.maximumf %sub3A_517, %max3A_519 : vector<16xf32>
        %mul3A_521 = arith.mulf %max3A_516, %max3A_520 : vector<16xf32>
        %add3A_522 = arith.addf %gather3A_322, %get3A_512 : vector<16xf32>
        %sub3A_523 = arith.subf %add3A_522, %mul3A_521 : vector<16xf32>
        %max3A_524 = arith.constant 9.99999971E-10 : f32
        %max3A_525 = vector.broadcast %max3A_524 : f32 to vector<16xf32>
        %max3A_526 = arith.maximumf %sub3A_523, %max3A_525 : vector<16xf32>
        %div3A_527 = arith.divf %mul3A_521, %max3A_526 : vector<16xf32>
        %gt3A_528 = arith.constant 1.000000e-01 : f32
        %gt3A_529 = vector.broadcast %gt3A_528 : f32 to vector<16xf32>
        %gt3A_530 = arith.cmpf ogt, %div3A_527, %gt3A_529 : vector<16xf32>
        %and3A_531 = arith.andi %gt3A_530, %gt3A_329 : vector<16xi1>
        %jit3A_532 = arith.constant -1.000000e+30 : f32
        %broadcast_in_dim3A_533 = vector.broadcast %jit3A_532 : f32 to vector<16xf32>
        %select_n3A_534 = arith.select %and3A_531, %broadcast_in_dim3A_533, %scan3A_247 : vector<16xi1>, vector<16xf32>
        %gt3A_535 = arith.cmpf ogt, %select_n3A_534, %select_n3A_498 : vector<16xf32>
        %add3A_536 = arith.constant 64 : i32
        %add3A_537 = vector.broadcast %add3A_536 : i32 to vector<16xi32>
        %add3A_538 = arith.addi %iota3A, %add3A_537 : vector<16xi32>
        %select_n3A_539 = arith.select %gt3A_535, %add3A_538, %select_n3A_497 : vector<16xi1>, vector<16xi32>
        %select_n3A_540 = arith.select %gt3A_535, %select_n3A_534, %select_n3A_498 : vector<16xi1>, vector<16xf32>
        %get3A_541 = arith.constant 80 : index
        %get3A_542 = tpu.vector_load %arg4[%get3A_541] {strides = array<i32>} : memref<1920xf32, #tpu.memory_space<vmem>>, vector<16xf32>,
        %max3A_543 = arith.maximumf %gather3A_310, %get3A_542 : vector<16xf32>
        %get3A_544 = arith.constant 400 : index
        %get3A_545 = tpu.vector_load %arg4[%get3A_544] {strides = array<i32>} : memref<1920xf32, #tpu.memory_space<vmem>>, vector<16xf32>,
        %max3A_546 = arith.maximumf %gather3A_313, %get3A_545 : vector<16xf32>
        %get3A_547 = arith.constant 720 : index
        %get3A_548 = tpu.vector_load %arg4[%get3A_547] {strides = array<i32>} : memref<1920xf32, #tpu.memory_space<vmem>>, vector<16xf32>,
        %min3A_549 = arith.minimumf %gather3A_316, %get3A_548 : vector<16xf32>
        %get3A_550 = arith.constant 1040 : index
        %get3A_551 = tpu.vector_load %arg4[%get3A_550] {strides = array<i32>} : memref<1920xf32, #tpu.memory_space<vmem>>, vector<16xf32>,
        %min3A_552 = arith.minimumf %gather3A_319, %get3A_551 : vector<16xf32>
        %get3A_553 = arith.constant 1360 : index
        %get3A_554 = tpu.vector_load %arg4[%get3A_553] {strides = array<i32>} : memref<1920xf32, #tpu.memory_space<vmem>>, vector<16xf32>,
        %sub3A_555 = arith.subf %min3A_549, %max3A_543 : vector<16xf32>
        %max3A_556 = arith.constant 0.000000e+00 : f32
        %max3A_557 = vector.broadcast %max3A_556 : f32 to vector<16xf32>
        %max3A_558 = arith.maximumf %sub3A_555, %max3A_557 : vector<16xf32>
        %sub3A_559 = arith.subf %min3A_552, %max3A_546 : vector<16xf32>
        %max3A_560 = arith.constant 0.000000e+00 : f32
        %max3A_561 = vector.broadcast %max3A_560 : f32 to vector<16xf32>
        %max3A_562 = arith.maximumf %sub3A_559, %max3A_561 : vector<16xf32>
        %mul3A_563 = arith.mulf %max3A_558, %max3A_562 : vector<16xf32>
        %add3A_564 = arith.addf %gather3A_322, %get3A_554 : vector<16xf32>
        %sub3A_565 = arith.subf %add3A_564, %mul3A_563 : vector<16xf32>
        %max3A_566 = arith.constant 9.99999971E-10 : f32
        %max3A_567 = vector.broadcast %max3A_566 : f32 to vector<16xf32>
        %max3A_568 = arith.maximumf %sub3A_565, %max3A_567 : vector<16xf32>
        %div3A_569 = arith.divf %mul3A_563, %max3A_568 : vector<16xf32>
        %gt3A_570 = arith.constant 1.000000e-01 : f32
        %gt3A_571 = vector.broadcast %gt3A_570 : f32 to vector<16xf32>
        %gt3A_572 = arith.cmpf ogt, %div3A_569, %gt3A_571 : vector<16xf32>
        %and3A_573 = arith.andi %gt3A_572, %gt3A_329 : vector<16xi1>
        %jit3A_574 = arith.constant -1.000000e+30 : f32
        %broadcast_in_dim3A_575 = vector.broadcast %jit3A_574 : f32 to vector<16xf32>
        %select_n3A_576 = arith.select %and3A_573, %broadcast_in_dim3A_575, %scan3A_248 : vector<16xi1>, vector<16xf32>
        %gt3A_577 = arith.cmpf ogt, %select_n3A_576, %select_n3A_540 : vector<16xf32>
        %add3A_578 = arith.constant 80 : i32
        %add3A_579 = vector.broadcast %add3A_578 : i32 to vector<16xi32>
        %add3A_580 = arith.addi %iota3A, %add3A_579 : vector<16xi32>
        %select_n3A_581 = arith.select %gt3A_577, %add3A_580, %select_n3A_539 : vector<16xi1>, vector<16xi32>
        %select_n3A_582 = arith.select %gt3A_577, %select_n3A_576, %select_n3A_540 : vector<16xi1>, vector<16xf32>
        %get3A_583 = arith.constant 96 : index
        %get3A_584 = tpu.vector_load %arg4[%get3A_583] {strides = array<i32>} : memref<1920xf32, #tpu.memory_space<vmem>>, vector<16xf32>,
        %max3A_585 = arith.maximumf %gather3A_310, %get3A_584 : vector<16xf32>
        %get3A_586 = arith.constant 416 : index
        %get3A_587 = tpu.vector_load %arg4[%get3A_586] {strides = array<i32>} : memref<1920xf32, #tpu.memory_space<vmem>>, vector<16xf32>,
        %max3A_588 = arith.maximumf %gather3A_313, %get3A_587 : vector<16xf32>
        %get3A_589 = arith.constant 736 : index
        %get3A_590 = tpu.vector_load %arg4[%get3A_589] {strides = array<i32>} : memref<1920xf32, #tpu.memory_space<vmem>>, vector<16xf32>,
        %min3A_591 = arith.minimumf %gather3A_316, %get3A_590 : vector<16xf32>
        %get3A_592 = arith.constant 1056 : index
        %get3A_593 = tpu.vector_load %arg4[%get3A_592] {strides = array<i32>} : memref<1920xf32, #tpu.memory_space<vmem>>, vector<16xf32>,
        %min3A_594 = arith.minimumf %gather3A_319, %get3A_593 : vector<16xf32>
        %get3A_595 = arith.constant 1376 : index
        %get3A_596 = tpu.vector_load %arg4[%get3A_595] {strides = array<i32>} : memref<1920xf32, #tpu.memory_space<vmem>>, vector<16xf32>,
        %sub3A_597 = arith.subf %min3A_591, %max3A_585 : vector<16xf32>
        %max3A_598 = arith.constant 0.000000e+00 : f32
        %max3A_599 = vector.broadcast %max3A_598 : f32 to vector<16xf32>
        %max3A_600 = arith.maximumf %sub3A_597, %max3A_599 : vector<16xf32>
        %sub3A_601 = arith.subf %min3A_594, %max3A_588 : vector<16xf32>
        %max3A_602 = arith.constant 0.000000e+00 : f32
        %max3A_603 = vector.broadcast %max3A_602 : f32 to vector<16xf32>
        %max3A_604 = arith.maximumf %sub3A_601, %max3A_603 : vector<16xf32>
        %mul3A_605 = arith.mulf %max3A_600, %max3A_604 : vector<16xf32>
        %add3A_606 = arith.addf %gather3A_322, %get3A_596 : vector<16xf32>
        %sub3A_607 = arith.subf %add3A_606, %mul3A_605 : vector<16xf32>
        %max3A_608 = arith.constant 9.99999971E-10 : f32
        %max3A_609 = vector.broadcast %max3A_608 : f32 to vector<16xf32>
        %max3A_610 = arith.maximumf %sub3A_607, %max3A_609 : vector<16xf32>
        %div3A_611 = arith.divf %mul3A_605, %max3A_610 : vector<16xf32>
        %gt3A_612 = arith.constant 1.000000e-01 : f32
        %gt3A_613 = vector.broadcast %gt3A_612 : f32 to vector<16xf32>
        %gt3A_614 = arith.cmpf ogt, %div3A_611, %gt3A_613 : vector<16xf32>
        %and3A_615 = arith.andi %gt3A_614, %gt3A_329 : vector<16xi1>
        %jit3A_616 = arith.constant -1.000000e+30 : f32
        %broadcast_in_dim3A_617 = vector.broadcast %jit3A_616 : f32 to vector<16xf32>
        %select_n3A_618 = arith.select %and3A_615, %broadcast_in_dim3A_617, %scan3A_249 : vector<16xi1>, vector<16xf32>
        %gt3A_619 = arith.cmpf ogt, %select_n3A_618, %select_n3A_582 : vector<16xf32>
        %add3A_620 = arith.constant 96 : i32
        %add3A_621 = vector.broadcast %add3A_620 : i32 to vector<16xi32>
        %add3A_622 = arith.addi %iota3A, %add3A_621 : vector<16xi32>
        %select_n3A_623 = arith.select %gt3A_619, %add3A_622, %select_n3A_581 : vector<16xi1>, vector<16xi32>
        %select_n3A_624 = arith.select %gt3A_619, %select_n3A_618, %select_n3A_582 : vector<16xi1>, vector<16xf32>
        %get3A_625 = arith.constant 112 : index
        %get3A_626 = tpu.vector_load %arg4[%get3A_625] {strides = array<i32>} : memref<1920xf32, #tpu.memory_space<vmem>>, vector<16xf32>,
        %max3A_627 = arith.maximumf %gather3A_310, %get3A_626 : vector<16xf32>
        %get3A_628 = arith.constant 432 : index
        %get3A_629 = tpu.vector_load %arg4[%get3A_628] {strides = array<i32>} : memref<1920xf32, #tpu.memory_space<vmem>>, vector<16xf32>,
        %max3A_630 = arith.maximumf %gather3A_313, %get3A_629 : vector<16xf32>
        %get3A_631 = arith.constant 752 : index
        %get3A_632 = tpu.vector_load %arg4[%get3A_631] {strides = array<i32>} : memref<1920xf32, #tpu.memory_space<vmem>>, vector<16xf32>,
        %min3A_633 = arith.minimumf %gather3A_316, %get3A_632 : vector<16xf32>
        %get3A_634 = arith.constant 1072 : index
        %get3A_635 = tpu.vector_load %arg4[%get3A_634] {strides = array<i32>} : memref<1920xf32, #tpu.memory_space<vmem>>, vector<16xf32>,
        %min3A_636 = arith.minimumf %gather3A_319, %get3A_635 : vector<16xf32>
        %get3A_637 = arith.constant 1392 : index
        %get3A_638 = tpu.vector_load %arg4[%get3A_637] {strides = array<i32>} : memref<1920xf32, #tpu.memory_space<vmem>>, vector<16xf32>,
        %sub3A_639 = arith.subf %min3A_633, %max3A_627 : vector<16xf32>
        %max3A_640 = arith.constant 0.000000e+00 : f32
        %max3A_641 = vector.broadcast %max3A_640 : f32 to vector<16xf32>
        %max3A_642 = arith.maximumf %sub3A_639, %max3A_641 : vector<16xf32>
        %sub3A_643 = arith.subf %min3A_636, %max3A_630 : vector<16xf32>
        %max3A_644 = arith.constant 0.000000e+00 : f32
        %max3A_645 = vector.broadcast %max3A_644 : f32 to vector<16xf32>
        %max3A_646 = arith.maximumf %sub3A_643, %max3A_645 : vector<16xf32>
        %mul3A_647 = arith.mulf %max3A_642, %max3A_646 : vector<16xf32>
        %add3A_648 = arith.addf %gather3A_322, %get3A_638 : vector<16xf32>
        %sub3A_649 = arith.subf %add3A_648, %mul3A_647 : vector<16xf32>
        %max3A_650 = arith.constant 9.99999971E-10 : f32
        %max3A_651 = vector.broadcast %max3A_650 : f32 to vector<16xf32>
        %max3A_652 = arith.maximumf %sub3A_649, %max3A_651 : vector<16xf32>
        %div3A_653 = arith.divf %mul3A_647, %max3A_652 : vector<16xf32>
        %gt3A_654 = arith.constant 1.000000e-01 : f32
        %gt3A_655 = vector.broadcast %gt3A_654 : f32 to vector<16xf32>
        %gt3A_656 = arith.cmpf ogt, %div3A_653, %gt3A_655 : vector<16xf32>
        %and3A_657 = arith.andi %gt3A_656, %gt3A_329 : vector<16xi1>
        %jit3A_658 = arith.constant -1.000000e+30 : f32
        %broadcast_in_dim3A_659 = vector.broadcast %jit3A_658 : f32 to vector<16xf32>
        %select_n3A_660 = arith.select %and3A_657, %broadcast_in_dim3A_659, %scan3A_250 : vector<16xi1>, vector<16xf32>
        %gt3A_661 = arith.cmpf ogt, %select_n3A_660, %select_n3A_624 : vector<16xf32>
        %add3A_662 = arith.constant 112 : i32
        %add3A_663 = vector.broadcast %add3A_662 : i32 to vector<16xi32>
        %add3A_664 = arith.addi %iota3A, %add3A_663 : vector<16xi32>
        %select_n3A_665 = arith.select %gt3A_661, %add3A_664, %select_n3A_623 : vector<16xi1>, vector<16xi32>
        %select_n3A_666 = arith.select %gt3A_661, %select_n3A_660, %select_n3A_624 : vector<16xi1>, vector<16xf32>
        %get3A_667 = arith.constant 128 : index
        %get3A_668 = tpu.vector_load %arg4[%get3A_667] {strides = array<i32>} : memref<1920xf32, #tpu.memory_space<vmem>>, vector<16xf32>,
        %max3A_669 = arith.maximumf %gather3A_310, %get3A_668 : vector<16xf32>
        %get3A_670 = arith.constant 448 : index
        %get3A_671 = tpu.vector_load %arg4[%get3A_670] {strides = array<i32>} : memref<1920xf32, #tpu.memory_space<vmem>>, vector<16xf32>,
        %max3A_672 = arith.maximumf %gather3A_313, %get3A_671 : vector<16xf32>
        %get3A_673 = arith.constant 768 : index
        %get3A_674 = tpu.vector_load %arg4[%get3A_673] {strides = array<i32>} : memref<1920xf32, #tpu.memory_space<vmem>>, vector<16xf32>,
        %min3A_675 = arith.minimumf %gather3A_316, %get3A_674 : vector<16xf32>
        %get3A_676 = arith.constant 1088 : index
        %get3A_677 = tpu.vector_load %arg4[%get3A_676] {strides = array<i32>} : memref<1920xf32, #tpu.memory_space<vmem>>, vector<16xf32>,
        %min3A_678 = arith.minimumf %gather3A_319, %get3A_677 : vector<16xf32>
        %get3A_679 = arith.constant 1408 : index
        %get3A_680 = tpu.vector_load %arg4[%get3A_679] {strides = array<i32>} : memref<1920xf32, #tpu.memory_space<vmem>>, vector<16xf32>,
        %sub3A_681 = arith.subf %min3A_675, %max3A_669 : vector<16xf32>
        %max3A_682 = arith.constant 0.000000e+00 : f32
        %max3A_683 = vector.broadcast %max3A_682 : f32 to vector<16xf32>
        %max3A_684 = arith.maximumf %sub3A_681, %max3A_683 : vector<16xf32>
        %sub3A_685 = arith.subf %min3A_678, %max3A_672 : vector<16xf32>
        %max3A_686 = arith.constant 0.000000e+00 : f32
        %max3A_687 = vector.broadcast %max3A_686 : f32 to vector<16xf32>
        %max3A_688 = arith.maximumf %sub3A_685, %max3A_687 : vector<16xf32>
        %mul3A_689 = arith.mulf %max3A_684, %max3A_688 : vector<16xf32>
        %add3A_690 = arith.addf %gather3A_322, %get3A_680 : vector<16xf32>
        %sub3A_691 = arith.subf %add3A_690, %mul3A_689 : vector<16xf32>
        %max3A_692 = arith.constant 9.99999971E-10 : f32
        %max3A_693 = vector.broadcast %max3A_692 : f32 to vector<16xf32>
        %max3A_694 = arith.maximumf %sub3A_691, %max3A_693 : vector<16xf32>
        %div3A_695 = arith.divf %mul3A_689, %max3A_694 : vector<16xf32>
        %gt3A_696 = arith.constant 1.000000e-01 : f32
        %gt3A_697 = vector.broadcast %gt3A_696 : f32 to vector<16xf32>
        %gt3A_698 = arith.cmpf ogt, %div3A_695, %gt3A_697 : vector<16xf32>
        %and3A_699 = arith.andi %gt3A_698, %gt3A_329 : vector<16xi1>
        %jit3A_700 = arith.constant -1.000000e+30 : f32
        %broadcast_in_dim3A_701 = vector.broadcast %jit3A_700 : f32 to vector<16xf32>
        %select_n3A_702 = arith.select %and3A_699, %broadcast_in_dim3A_701, %scan3A_251 : vector<16xi1>, vector<16xf32>
        %gt3A_703 = arith.cmpf ogt, %select_n3A_702, %select_n3A_666 : vector<16xf32>
        %add3A_704 = arith.constant 128 : i32
        %add3A_705 = vector.broadcast %add3A_704 : i32 to vector<16xi32>
        %add3A_706 = arith.addi %iota3A, %add3A_705 : vector<16xi32>
        %select_n3A_707 = arith.select %gt3A_703, %add3A_706, %select_n3A_665 : vector<16xi1>, vector<16xi32>
        %select_n3A_708 = arith.select %gt3A_703, %select_n3A_702, %select_n3A_666 : vector<16xi1>, vector<16xf32>
        %get3A_709 = arith.constant 144 : index
        %get3A_710 = tpu.vector_load %arg4[%get3A_709] {strides = array<i32>} : memref<1920xf32, #tpu.memory_space<vmem>>, vector<16xf32>,
        %max3A_711 = arith.maximumf %gather3A_310, %get3A_710 : vector<16xf32>
        %get3A_712 = arith.constant 464 : index
        %get3A_713 = tpu.vector_load %arg4[%get3A_712] {strides = array<i32>} : memref<1920xf32, #tpu.memory_space<vmem>>, vector<16xf32>,
        %max3A_714 = arith.maximumf %gather3A_313, %get3A_713 : vector<16xf32>
        %get3A_715 = arith.constant 784 : index
        %get3A_716 = tpu.vector_load %arg4[%get3A_715] {strides = array<i32>} : memref<1920xf32, #tpu.memory_space<vmem>>, vector<16xf32>,
        %min3A_717 = arith.minimumf %gather3A_316, %get3A_716 : vector<16xf32>
        %get3A_718 = arith.constant 1104 : index
        %get3A_719 = tpu.vector_load %arg4[%get3A_718] {strides = array<i32>} : memref<1920xf32, #tpu.memory_space<vmem>>, vector<16xf32>,
        %min3A_720 = arith.minimumf %gather3A_319, %get3A_719 : vector<16xf32>
        %get3A_721 = arith.constant 1424 : index
        %get3A_722 = tpu.vector_load %arg4[%get3A_721] {strides = array<i32>} : memref<1920xf32, #tpu.memory_space<vmem>>, vector<16xf32>,
        %sub3A_723 = arith.subf %min3A_717, %max3A_711 : vector<16xf32>
        %max3A_724 = arith.constant 0.000000e+00 : f32
        %max3A_725 = vector.broadcast %max3A_724 : f32 to vector<16xf32>
        %max3A_726 = arith.maximumf %sub3A_723, %max3A_725 : vector<16xf32>
        %sub3A_727 = arith.subf %min3A_720, %max3A_714 : vector<16xf32>
        %max3A_728 = arith.constant 0.000000e+00 : f32
        %max3A_729 = vector.broadcast %max3A_728 : f32 to vector<16xf32>
        %max3A_730 = arith.maximumf %sub3A_727, %max3A_729 : vector<16xf32>
        %mul3A_731 = arith.mulf %max3A_726, %max3A_730 : vector<16xf32>
        %add3A_732 = arith.addf %gather3A_322, %get3A_722 : vector<16xf32>
        %sub3A_733 = arith.subf %add3A_732, %mul3A_731 : vector<16xf32>
        %max3A_734 = arith.constant 9.99999971E-10 : f32
        %max3A_735 = vector.broadcast %max3A_734 : f32 to vector<16xf32>
        %max3A_736 = arith.maximumf %sub3A_733, %max3A_735 : vector<16xf32>
        %div3A_737 = arith.divf %mul3A_731, %max3A_736 : vector<16xf32>
        %gt3A_738 = arith.constant 1.000000e-01 : f32
        %gt3A_739 = vector.broadcast %gt3A_738 : f32 to vector<16xf32>
        %gt3A_740 = arith.cmpf ogt, %div3A_737, %gt3A_739 : vector<16xf32>
        %and3A_741 = arith.andi %gt3A_740, %gt3A_329 : vector<16xi1>
        %jit3A_742 = arith.constant -1.000000e+30 : f32
        %broadcast_in_dim3A_743 = vector.broadcast %jit3A_742 : f32 to vector<16xf32>
        %select_n3A_744 = arith.select %and3A_741, %broadcast_in_dim3A_743, %scan3A_252 : vector<16xi1>, vector<16xf32>
        %gt3A_745 = arith.cmpf ogt, %select_n3A_744, %select_n3A_708 : vector<16xf32>
        %add3A_746 = arith.constant 144 : i32
        %add3A_747 = vector.broadcast %add3A_746 : i32 to vector<16xi32>
        %add3A_748 = arith.addi %iota3A, %add3A_747 : vector<16xi32>
        %select_n3A_749 = arith.select %gt3A_745, %add3A_748, %select_n3A_707 : vector<16xi1>, vector<16xi32>
        %select_n3A_750 = arith.select %gt3A_745, %select_n3A_744, %select_n3A_708 : vector<16xi1>, vector<16xf32>
        %get3A_751 = arith.constant 160 : index
        %get3A_752 = tpu.vector_load %arg4[%get3A_751] {strides = array<i32>} : memref<1920xf32, #tpu.memory_space<vmem>>, vector<16xf32>,
        %max3A_753 = arith.maximumf %gather3A_310, %get3A_752 : vector<16xf32>
        %get3A_754 = arith.constant 480 : index
        %get3A_755 = tpu.vector_load %arg4[%get3A_754] {strides = array<i32>} : memref<1920xf32, #tpu.memory_space<vmem>>, vector<16xf32>,
        %max3A_756 = arith.maximumf %gather3A_313, %get3A_755 : vector<16xf32>
        %get3A_757 = arith.constant 800 : index
        %get3A_758 = tpu.vector_load %arg4[%get3A_757] {strides = array<i32>} : memref<1920xf32, #tpu.memory_space<vmem>>, vector<16xf32>,
        %min3A_759 = arith.minimumf %gather3A_316, %get3A_758 : vector<16xf32>
        %get3A_760 = arith.constant 1120 : index
        %get3A_761 = tpu.vector_load %arg4[%get3A_760] {strides = array<i32>} : memref<1920xf32, #tpu.memory_space<vmem>>, vector<16xf32>,
        %min3A_762 = arith.minimumf %gather3A_319, %get3A_761 : vector<16xf32>
        %get3A_763 = arith.constant 1440 : index
        %get3A_764 = tpu.vector_load %arg4[%get3A_763] {strides = array<i32>} : memref<1920xf32, #tpu.memory_space<vmem>>, vector<16xf32>,
        %sub3A_765 = arith.subf %min3A_759, %max3A_753 : vector<16xf32>
        %max3A_766 = arith.constant 0.000000e+00 : f32
        %max3A_767 = vector.broadcast %max3A_766 : f32 to vector<16xf32>
        %max3A_768 = arith.maximumf %sub3A_765, %max3A_767 : vector<16xf32>
        %sub3A_769 = arith.subf %min3A_762, %max3A_756 : vector<16xf32>
        %max3A_770 = arith.constant 0.000000e+00 : f32
        %max3A_771 = vector.broadcast %max3A_770 : f32 to vector<16xf32>
        %max3A_772 = arith.maximumf %sub3A_769, %max3A_771 : vector<16xf32>
        %mul3A_773 = arith.mulf %max3A_768, %max3A_772 : vector<16xf32>
        %add3A_774 = arith.addf %gather3A_322, %get3A_764 : vector<16xf32>
        %sub3A_775 = arith.subf %add3A_774, %mul3A_773 : vector<16xf32>
        %max3A_776 = arith.constant 9.99999971E-10 : f32
        %max3A_777 = vector.broadcast %max3A_776 : f32 to vector<16xf32>
        %max3A_778 = arith.maximumf %sub3A_775, %max3A_777 : vector<16xf32>
        %div3A_779 = arith.divf %mul3A_773, %max3A_778 : vector<16xf32>
        %gt3A_780 = arith.constant 1.000000e-01 : f32
        %gt3A_781 = vector.broadcast %gt3A_780 : f32 to vector<16xf32>
        %gt3A_782 = arith.cmpf ogt, %div3A_779, %gt3A_781 : vector<16xf32>
        %and3A_783 = arith.andi %gt3A_782, %gt3A_329 : vector<16xi1>
        %jit3A_784 = arith.constant -1.000000e+30 : f32
        %broadcast_in_dim3A_785 = vector.broadcast %jit3A_784 : f32 to vector<16xf32>
        %select_n3A_786 = arith.select %and3A_783, %broadcast_in_dim3A_785, %scan3A_253 : vector<16xi1>, vector<16xf32>
        %gt3A_787 = arith.cmpf ogt, %select_n3A_786, %select_n3A_750 : vector<16xf32>
        %add3A_788 = arith.constant 160 : i32
        %add3A_789 = vector.broadcast %add3A_788 : i32 to vector<16xi32>
        %add3A_790 = arith.addi %iota3A, %add3A_789 : vector<16xi32>
        %select_n3A_791 = arith.select %gt3A_787, %add3A_790, %select_n3A_749 : vector<16xi1>, vector<16xi32>
        %select_n3A_792 = arith.select %gt3A_787, %select_n3A_786, %select_n3A_750 : vector<16xi1>, vector<16xf32>
        %get3A_793 = arith.constant 176 : index
        %get3A_794 = tpu.vector_load %arg4[%get3A_793] {strides = array<i32>} : memref<1920xf32, #tpu.memory_space<vmem>>, vector<16xf32>,
        %max3A_795 = arith.maximumf %gather3A_310, %get3A_794 : vector<16xf32>
        %get3A_796 = arith.constant 496 : index
        %get3A_797 = tpu.vector_load %arg4[%get3A_796] {strides = array<i32>} : memref<1920xf32, #tpu.memory_space<vmem>>, vector<16xf32>,
        %max3A_798 = arith.maximumf %gather3A_313, %get3A_797 : vector<16xf32>
        %get3A_799 = arith.constant 816 : index
        %get3A_800 = tpu.vector_load %arg4[%get3A_799] {strides = array<i32>} : memref<1920xf32, #tpu.memory_space<vmem>>, vector<16xf32>,
        %min3A_801 = arith.minimumf %gather3A_316, %get3A_800 : vector<16xf32>
        %get3A_802 = arith.constant 1136 : index
        %get3A_803 = tpu.vector_load %arg4[%get3A_802] {strides = array<i32>} : memref<1920xf32, #tpu.memory_space<vmem>>, vector<16xf32>,
        %min3A_804 = arith.minimumf %gather3A_319, %get3A_803 : vector<16xf32>
        %get3A_805 = arith.constant 1456 : index
        %get3A_806 = tpu.vector_load %arg4[%get3A_805] {strides = array<i32>} : memref<1920xf32, #tpu.memory_space<vmem>>, vector<16xf32>,
        %sub3A_807 = arith.subf %min3A_801, %max3A_795 : vector<16xf32>
        %max3A_808 = arith.constant 0.000000e+00 : f32
        %max3A_809 = vector.broadcast %max3A_808 : f32 to vector<16xf32>
        %max3A_810 = arith.maximumf %sub3A_807, %max3A_809 : vector<16xf32>
        %sub3A_811 = arith.subf %min3A_804, %max3A_798 : vector<16xf32>
        %max3A_812 = arith.constant 0.000000e+00 : f32
        %max3A_813 = vector.broadcast %max3A_812 : f32 to vector<16xf32>
        %max3A_814 = arith.maximumf %sub3A_811, %max3A_813 : vector<16xf32>
        %mul3A_815 = arith.mulf %max3A_810, %max3A_814 : vector<16xf32>
        %add3A_816 = arith.addf %gather3A_322, %get3A_806 : vector<16xf32>
        %sub3A_817 = arith.subf %add3A_816, %mul3A_815 : vector<16xf32>
        %max3A_818 = arith.constant 9.99999971E-10 : f32
        %max3A_819 = vector.broadcast %max3A_818 : f32 to vector<16xf32>
        %max3A_820 = arith.maximumf %sub3A_817, %max3A_819 : vector<16xf32>
        %div3A_821 = arith.divf %mul3A_815, %max3A_820 : vector<16xf32>
        %gt3A_822 = arith.constant 1.000000e-01 : f32
        %gt3A_823 = vector.broadcast %gt3A_822 : f32 to vector<16xf32>
        %gt3A_824 = arith.cmpf ogt, %div3A_821, %gt3A_823 : vector<16xf32>
        %and3A_825 = arith.andi %gt3A_824, %gt3A_329 : vector<16xi1>
        %jit3A_826 = arith.constant -1.000000e+30 : f32
        %broadcast_in_dim3A_827 = vector.broadcast %jit3A_826 : f32 to vector<16xf32>
        %select_n3A_828 = arith.select %and3A_825, %broadcast_in_dim3A_827, %scan3A_254 : vector<16xi1>, vector<16xf32>
        %gt3A_829 = arith.cmpf ogt, %select_n3A_828, %select_n3A_792 : vector<16xf32>
        %add3A_830 = arith.constant 176 : i32
        %add3A_831 = vector.broadcast %add3A_830 : i32 to vector<16xi32>
        %add3A_832 = arith.addi %iota3A, %add3A_831 : vector<16xi32>
        %select_n3A_833 = arith.select %gt3A_829, %add3A_832, %select_n3A_791 : vector<16xi1>, vector<16xi32>
        %select_n3A_834 = arith.select %gt3A_829, %select_n3A_828, %select_n3A_792 : vector<16xi1>, vector<16xf32>
        %get3A_835 = arith.constant 192 : index
        %get3A_836 = tpu.vector_load %arg4[%get3A_835] {strides = array<i32>} : memref<1920xf32, #tpu.memory_space<vmem>>, vector<16xf32>,
        %max3A_837 = arith.maximumf %gather3A_310, %get3A_836 : vector<16xf32>
        %get3A_838 = arith.constant 512 : index
        %get3A_839 = tpu.vector_load %arg4[%get3A_838] {strides = array<i32>} : memref<1920xf32, #tpu.memory_space<vmem>>, vector<16xf32>,
        %max3A_840 = arith.maximumf %gather3A_313, %get3A_839 : vector<16xf32>
        %get3A_841 = arith.constant 832 : index
        %get3A_842 = tpu.vector_load %arg4[%get3A_841] {strides = array<i32>} : memref<1920xf32, #tpu.memory_space<vmem>>, vector<16xf32>,
        %min3A_843 = arith.minimumf %gather3A_316, %get3A_842 : vector<16xf32>
        %get3A_844 = arith.constant 1152 : index
        %get3A_845 = tpu.vector_load %arg4[%get3A_844] {strides = array<i32>} : memref<1920xf32, #tpu.memory_space<vmem>>, vector<16xf32>,
        %min3A_846 = arith.minimumf %gather3A_319, %get3A_845 : vector<16xf32>
        %get3A_847 = arith.constant 1472 : index
        %get3A_848 = tpu.vector_load %arg4[%get3A_847] {strides = array<i32>} : memref<1920xf32, #tpu.memory_space<vmem>>, vector<16xf32>,
        %sub3A_849 = arith.subf %min3A_843, %max3A_837 : vector<16xf32>
        %max3A_850 = arith.constant 0.000000e+00 : f32
        %max3A_851 = vector.broadcast %max3A_850 : f32 to vector<16xf32>
        %max3A_852 = arith.maximumf %sub3A_849, %max3A_851 : vector<16xf32>
        %sub3A_853 = arith.subf %min3A_846, %max3A_840 : vector<16xf32>
        %max3A_854 = arith.constant 0.000000e+00 : f32
        %max3A_855 = vector.broadcast %max3A_854 : f32 to vector<16xf32>
        %max3A_856 = arith.maximumf %sub3A_853, %max3A_855 : vector<16xf32>
        %mul3A_857 = arith.mulf %max3A_852, %max3A_856 : vector<16xf32>
        %add3A_858 = arith.addf %gather3A_322, %get3A_848 : vector<16xf32>
        %sub3A_859 = arith.subf %add3A_858, %mul3A_857 : vector<16xf32>
        %max3A_860 = arith.constant 9.99999971E-10 : f32
        %max3A_861 = vector.broadcast %max3A_860 : f32 to vector<16xf32>
        %max3A_862 = arith.maximumf %sub3A_859, %max3A_861 : vector<16xf32>
        %div3A_863 = arith.divf %mul3A_857, %max3A_862 : vector<16xf32>
        %gt3A_864 = arith.constant 1.000000e-01 : f32
        %gt3A_865 = vector.broadcast %gt3A_864 : f32 to vector<16xf32>
        %gt3A_866 = arith.cmpf ogt, %div3A_863, %gt3A_865 : vector<16xf32>
        %and3A_867 = arith.andi %gt3A_866, %gt3A_329 : vector<16xi1>
        %jit3A_868 = arith.constant -1.000000e+30 : f32
        %broadcast_in_dim3A_869 = vector.broadcast %jit3A_868 : f32 to vector<16xf32>
        %select_n3A_870 = arith.select %and3A_867, %broadcast_in_dim3A_869, %scan3A_255 : vector<16xi1>, vector<16xf32>
        %gt3A_871 = arith.cmpf ogt, %select_n3A_870, %select_n3A_834 : vector<16xf32>
        %add3A_872 = arith.constant 192 : i32
        %add3A_873 = vector.broadcast %add3A_872 : i32 to vector<16xi32>
        %add3A_874 = arith.addi %iota3A, %add3A_873 : vector<16xi32>
        %select_n3A_875 = arith.select %gt3A_871, %add3A_874, %select_n3A_833 : vector<16xi1>, vector<16xi32>
        %select_n3A_876 = arith.select %gt3A_871, %select_n3A_870, %select_n3A_834 : vector<16xi1>, vector<16xf32>
        %get3A_877 = arith.constant 208 : index
        %get3A_878 = tpu.vector_load %arg4[%get3A_877] {strides = array<i32>} : memref<1920xf32, #tpu.memory_space<vmem>>, vector<16xf32>,
        %max3A_879 = arith.maximumf %gather3A_310, %get3A_878 : vector<16xf32>
        %get3A_880 = arith.constant 528 : index
        %get3A_881 = tpu.vector_load %arg4[%get3A_880] {strides = array<i32>} : memref<1920xf32, #tpu.memory_space<vmem>>, vector<16xf32>,
        %max3A_882 = arith.maximumf %gather3A_313, %get3A_881 : vector<16xf32>
        %get3A_883 = arith.constant 848 : index
        %get3A_884 = tpu.vector_load %arg4[%get3A_883] {strides = array<i32>} : memref<1920xf32, #tpu.memory_space<vmem>>, vector<16xf32>,
        %min3A_885 = arith.minimumf %gather3A_316, %get3A_884 : vector<16xf32>
        %get3A_886 = arith.constant 1168 : index
        %get3A_887 = tpu.vector_load %arg4[%get3A_886] {strides = array<i32>} : memref<1920xf32, #tpu.memory_space<vmem>>, vector<16xf32>,
        %min3A_888 = arith.minimumf %gather3A_319, %get3A_887 : vector<16xf32>
        %get3A_889 = arith.constant 1488 : index
        %get3A_890 = tpu.vector_load %arg4[%get3A_889] {strides = array<i32>} : memref<1920xf32, #tpu.memory_space<vmem>>, vector<16xf32>,
        %sub3A_891 = arith.subf %min3A_885, %max3A_879 : vector<16xf32>
        %max3A_892 = arith.constant 0.000000e+00 : f32
        %max3A_893 = vector.broadcast %max3A_892 : f32 to vector<16xf32>
        %max3A_894 = arith.maximumf %sub3A_891, %max3A_893 : vector<16xf32>
        %sub3A_895 = arith.subf %min3A_888, %max3A_882 : vector<16xf32>
        %max3A_896 = arith.constant 0.000000e+00 : f32
        %max3A_897 = vector.broadcast %max3A_896 : f32 to vector<16xf32>
        %max3A_898 = arith.maximumf %sub3A_895, %max3A_897 : vector<16xf32>
        %mul3A_899 = arith.mulf %max3A_894, %max3A_898 : vector<16xf32>
        %add3A_900 = arith.addf %gather3A_322, %get3A_890 : vector<16xf32>
        %sub3A_901 = arith.subf %add3A_900, %mul3A_899 : vector<16xf32>
        %max3A_902 = arith.constant 9.99999971E-10 : f32
        %max3A_903 = vector.broadcast %max3A_902 : f32 to vector<16xf32>
        %max3A_904 = arith.maximumf %sub3A_901, %max3A_903 : vector<16xf32>
        %div3A_905 = arith.divf %mul3A_899, %max3A_904 : vector<16xf32>
        %gt3A_906 = arith.constant 1.000000e-01 : f32
        %gt3A_907 = vector.broadcast %gt3A_906 : f32 to vector<16xf32>
        %gt3A_908 = arith.cmpf ogt, %div3A_905, %gt3A_907 : vector<16xf32>
        %and3A_909 = arith.andi %gt3A_908, %gt3A_329 : vector<16xi1>
        %jit3A_910 = arith.constant -1.000000e+30 : f32
        %broadcast_in_dim3A_911 = vector.broadcast %jit3A_910 : f32 to vector<16xf32>
        %select_n3A_912 = arith.select %and3A_909, %broadcast_in_dim3A_911, %scan3A_256 : vector<16xi1>, vector<16xf32>
        %gt3A_913 = arith.cmpf ogt, %select_n3A_912, %select_n3A_876 : vector<16xf32>
        %add3A_914 = arith.constant 208 : i32
        %add3A_915 = vector.broadcast %add3A_914 : i32 to vector<16xi32>
        %add3A_916 = arith.addi %iota3A, %add3A_915 : vector<16xi32>
        %select_n3A_917 = arith.select %gt3A_913, %add3A_916, %select_n3A_875 : vector<16xi1>, vector<16xi32>
        %select_n3A_918 = arith.select %gt3A_913, %select_n3A_912, %select_n3A_876 : vector<16xi1>, vector<16xf32>
        %get3A_919 = arith.constant 224 : index
        %get3A_920 = tpu.vector_load %arg4[%get3A_919] {strides = array<i32>} : memref<1920xf32, #tpu.memory_space<vmem>>, vector<16xf32>,
        %max3A_921 = arith.maximumf %gather3A_310, %get3A_920 : vector<16xf32>
        %get3A_922 = arith.constant 544 : index
        %get3A_923 = tpu.vector_load %arg4[%get3A_922] {strides = array<i32>} : memref<1920xf32, #tpu.memory_space<vmem>>, vector<16xf32>,
        %max3A_924 = arith.maximumf %gather3A_313, %get3A_923 : vector<16xf32>
        %get3A_925 = arith.constant 864 : index
        %get3A_926 = tpu.vector_load %arg4[%get3A_925] {strides = array<i32>} : memref<1920xf32, #tpu.memory_space<vmem>>, vector<16xf32>,
        %min3A_927 = arith.minimumf %gather3A_316, %get3A_926 : vector<16xf32>
        %get3A_928 = arith.constant 1184 : index
        %get3A_929 = tpu.vector_load %arg4[%get3A_928] {strides = array<i32>} : memref<1920xf32, #tpu.memory_space<vmem>>, vector<16xf32>,
        %min3A_930 = arith.minimumf %gather3A_319, %get3A_929 : vector<16xf32>
        %get3A_931 = arith.constant 1504 : index
        %get3A_932 = tpu.vector_load %arg4[%get3A_931] {strides = array<i32>} : memref<1920xf32, #tpu.memory_space<vmem>>, vector<16xf32>,
        %sub3A_933 = arith.subf %min3A_927, %max3A_921 : vector<16xf32>
        %max3A_934 = arith.constant 0.000000e+00 : f32
        %max3A_935 = vector.broadcast %max3A_934 : f32 to vector<16xf32>
        %max3A_936 = arith.maximumf %sub3A_933, %max3A_935 : vector<16xf32>
        %sub3A_937 = arith.subf %min3A_930, %max3A_924 : vector<16xf32>
        %max3A_938 = arith.constant 0.000000e+00 : f32
        %max3A_939 = vector.broadcast %max3A_938 : f32 to vector<16xf32>
        %max3A_940 = arith.maximumf %sub3A_937, %max3A_939 : vector<16xf32>
        %mul3A_941 = arith.mulf %max3A_936, %max3A_940 : vector<16xf32>
        %add3A_942 = arith.addf %gather3A_322, %get3A_932 : vector<16xf32>
        %sub3A_943 = arith.subf %add3A_942, %mul3A_941 : vector<16xf32>
        %max3A_944 = arith.constant 9.99999971E-10 : f32
        %max3A_945 = vector.broadcast %max3A_944 : f32 to vector<16xf32>
        %max3A_946 = arith.maximumf %sub3A_943, %max3A_945 : vector<16xf32>
        %div3A_947 = arith.divf %mul3A_941, %max3A_946 : vector<16xf32>
        %gt3A_948 = arith.constant 1.000000e-01 : f32
        %gt3A_949 = vector.broadcast %gt3A_948 : f32 to vector<16xf32>
        %gt3A_950 = arith.cmpf ogt, %div3A_947, %gt3A_949 : vector<16xf32>
        %and3A_951 = arith.andi %gt3A_950, %gt3A_329 : vector<16xi1>
        %jit3A_952 = arith.constant -1.000000e+30 : f32
        %broadcast_in_dim3A_953 = vector.broadcast %jit3A_952 : f32 to vector<16xf32>
        %select_n3A_954 = arith.select %and3A_951, %broadcast_in_dim3A_953, %scan3A_257 : vector<16xi1>, vector<16xf32>
        %gt3A_955 = arith.cmpf ogt, %select_n3A_954, %select_n3A_918 : vector<16xf32>
        %add3A_956 = arith.constant 224 : i32
        %add3A_957 = vector.broadcast %add3A_956 : i32 to vector<16xi32>
        %add3A_958 = arith.addi %iota3A, %add3A_957 : vector<16xi32>
        %select_n3A_959 = arith.select %gt3A_955, %add3A_958, %select_n3A_917 : vector<16xi1>, vector<16xi32>
        %select_n3A_960 = arith.select %gt3A_955, %select_n3A_954, %select_n3A_918 : vector<16xi1>, vector<16xf32>
        %get3A_961 = arith.constant 240 : index
        %get3A_962 = tpu.vector_load %arg4[%get3A_961] {strides = array<i32>} : memref<1920xf32, #tpu.memory_space<vmem>>, vector<16xf32>,
        %max3A_963 = arith.maximumf %gather3A_310, %get3A_962 : vector<16xf32>
        %get3A_964 = arith.constant 560 : index
        %get3A_965 = tpu.vector_load %arg4[%get3A_964] {strides = array<i32>} : memref<1920xf32, #tpu.memory_space<vmem>>, vector<16xf32>,
        %max3A_966 = arith.maximumf %gather3A_313, %get3A_965 : vector<16xf32>
        %get3A_967 = arith.constant 880 : index
        %get3A_968 = tpu.vector_load %arg4[%get3A_967] {strides = array<i32>} : memref<1920xf32, #tpu.memory_space<vmem>>, vector<16xf32>,
        %min3A_969 = arith.minimumf %gather3A_316, %get3A_968 : vector<16xf32>
        %get3A_970 = arith.constant 1200 : index
        %get3A_971 = tpu.vector_load %arg4[%get3A_970] {strides = array<i32>} : memref<1920xf32, #tpu.memory_space<vmem>>, vector<16xf32>,
        %min3A_972 = arith.minimumf %gather3A_319, %get3A_971 : vector<16xf32>
        %get3A_973 = arith.constant 1520 : index
        %get3A_974 = tpu.vector_load %arg4[%get3A_973] {strides = array<i32>} : memref<1920xf32, #tpu.memory_space<vmem>>, vector<16xf32>,
        %sub3A_975 = arith.subf %min3A_969, %max3A_963 : vector<16xf32>
        %max3A_976 = arith.constant 0.000000e+00 : f32
        %max3A_977 = vector.broadcast %max3A_976 : f32 to vector<16xf32>
        %max3A_978 = arith.maximumf %sub3A_975, %max3A_977 : vector<16xf32>
        %sub3A_979 = arith.subf %min3A_972, %max3A_966 : vector<16xf32>
        %max3A_980 = arith.constant 0.000000e+00 : f32
        %max3A_981 = vector.broadcast %max3A_980 : f32 to vector<16xf32>
        %max3A_982 = arith.maximumf %sub3A_979, %max3A_981 : vector<16xf32>
        %mul3A_983 = arith.mulf %max3A_978, %max3A_982 : vector<16xf32>
        %add3A_984 = arith.addf %gather3A_322, %get3A_974 : vector<16xf32>
        %sub3A_985 = arith.subf %add3A_984, %mul3A_983 : vector<16xf32>
        %max3A_986 = arith.constant 9.99999971E-10 : f32
        %max3A_987 = vector.broadcast %max3A_986 : f32 to vector<16xf32>
        %max3A_988 = arith.maximumf %sub3A_985, %max3A_987 : vector<16xf32>
        %div3A_989 = arith.divf %mul3A_983, %max3A_988 : vector<16xf32>
        %gt3A_990 = arith.constant 1.000000e-01 : f32
        %gt3A_991 = vector.broadcast %gt3A_990 : f32 to vector<16xf32>
        %gt3A_992 = arith.cmpf ogt, %div3A_989, %gt3A_991 : vector<16xf32>
        %and3A_993 = arith.andi %gt3A_992, %gt3A_329 : vector<16xi1>
        %jit3A_994 = arith.constant -1.000000e+30 : f32
        %broadcast_in_dim3A_995 = vector.broadcast %jit3A_994 : f32 to vector<16xf32>
        %select_n3A_996 = arith.select %and3A_993, %broadcast_in_dim3A_995, %scan3A_258 : vector<16xi1>, vector<16xf32>
        %gt3A_997 = arith.cmpf ogt, %select_n3A_996, %select_n3A_960 : vector<16xf32>
        %add3A_998 = arith.constant 240 : i32
        %add3A_999 = vector.broadcast %add3A_998 : i32 to vector<16xi32>
        %add3A_1000 = arith.addi %iota3A, %add3A_999 : vector<16xi32>
        %select_n3A_1001 = arith.select %gt3A_997, %add3A_1000, %select_n3A_959 : vector<16xi1>, vector<16xi32>
        %select_n3A_1002 = arith.select %gt3A_997, %select_n3A_996, %select_n3A_960 : vector<16xi1>, vector<16xf32>
        %get3A_1003 = arith.constant 256 : index
        %get3A_1004 = tpu.vector_load %arg4[%get3A_1003] {strides = array<i32>} : memref<1920xf32, #tpu.memory_space<vmem>>, vector<16xf32>,
        %max3A_1005 = arith.maximumf %gather3A_310, %get3A_1004 : vector<16xf32>
        %get3A_1006 = arith.constant 576 : index
        %get3A_1007 = tpu.vector_load %arg4[%get3A_1006] {strides = array<i32>} : memref<1920xf32, #tpu.memory_space<vmem>>, vector<16xf32>,
        %max3A_1008 = arith.maximumf %gather3A_313, %get3A_1007 : vector<16xf32>
        %get3A_1009 = arith.constant 896 : index
        %get3A_1010 = tpu.vector_load %arg4[%get3A_1009] {strides = array<i32>} : memref<1920xf32, #tpu.memory_space<vmem>>, vector<16xf32>,
        %min3A_1011 = arith.minimumf %gather3A_316, %get3A_1010 : vector<16xf32>
        %get3A_1012 = arith.constant 1216 : index
        %get3A_1013 = tpu.vector_load %arg4[%get3A_1012] {strides = array<i32>} : memref<1920xf32, #tpu.memory_space<vmem>>, vector<16xf32>,
        %min3A_1014 = arith.minimumf %gather3A_319, %get3A_1013 : vector<16xf32>
        %get3A_1015 = arith.constant 1536 : index
        %get3A_1016 = tpu.vector_load %arg4[%get3A_1015] {strides = array<i32>} : memref<1920xf32, #tpu.memory_space<vmem>>, vector<16xf32>,
        %sub3A_1017 = arith.subf %min3A_1011, %max3A_1005 : vector<16xf32>
        %max3A_1018 = arith.constant 0.000000e+00 : f32
        %max3A_1019 = vector.broadcast %max3A_1018 : f32 to vector<16xf32>
        %max3A_1020 = arith.maximumf %sub3A_1017, %max3A_1019 : vector<16xf32>
        %sub3A_1021 = arith.subf %min3A_1014, %max3A_1008 : vector<16xf32>
        %max3A_1022 = arith.constant 0.000000e+00 : f32
        %max3A_1023 = vector.broadcast %max3A_1022 : f32 to vector<16xf32>
        %max3A_1024 = arith.maximumf %sub3A_1021, %max3A_1023 : vector<16xf32>
        %mul3A_1025 = arith.mulf %max3A_1020, %max3A_1024 : vector<16xf32>
        %add3A_1026 = arith.addf %gather3A_322, %get3A_1016 : vector<16xf32>
        %sub3A_1027 = arith.subf %add3A_1026, %mul3A_1025 : vector<16xf32>
        %max3A_1028 = arith.constant 9.99999971E-10 : f32
        %max3A_1029 = vector.broadcast %max3A_1028 : f32 to vector<16xf32>
        %max3A_1030 = arith.maximumf %sub3A_1027, %max3A_1029 : vector<16xf32>
        %div3A_1031 = arith.divf %mul3A_1025, %max3A_1030 : vector<16xf32>
        %gt3A_1032 = arith.constant 1.000000e-01 : f32
        %gt3A_1033 = vector.broadcast %gt3A_1032 : f32 to vector<16xf32>
        %gt3A_1034 = arith.cmpf ogt, %div3A_1031, %gt3A_1033 : vector<16xf32>
        %and3A_1035 = arith.andi %gt3A_1034, %gt3A_329 : vector<16xi1>
        %jit3A_1036 = arith.constant -1.000000e+30 : f32
        %broadcast_in_dim3A_1037 = vector.broadcast %jit3A_1036 : f32 to vector<16xf32>
        %select_n3A_1038 = arith.select %and3A_1035, %broadcast_in_dim3A_1037, %scan3A_259 : vector<16xi1>, vector<16xf32>
        %gt3A_1039 = arith.cmpf ogt, %select_n3A_1038, %select_n3A_1002 : vector<16xf32>
        %add3A_1040 = arith.constant 256 : i32
        %add3A_1041 = vector.broadcast %add3A_1040 : i32 to vector<16xi32>
        %add3A_1042 = arith.addi %iota3A, %add3A_1041 : vector<16xi32>
        %select_n3A_1043 = arith.select %gt3A_1039, %add3A_1042, %select_n3A_1001 : vector<16xi1>, vector<16xi32>
        %select_n3A_1044 = arith.select %gt3A_1039, %select_n3A_1038, %select_n3A_1002 : vector<16xi1>, vector<16xf32>
        %get3A_1045 = arith.constant 272 : index
        %get3A_1046 = tpu.vector_load %arg4[%get3A_1045] {strides = array<i32>} : memref<1920xf32, #tpu.memory_space<vmem>>, vector<16xf32>,
        %max3A_1047 = arith.maximumf %gather3A_310, %get3A_1046 : vector<16xf32>
        %get3A_1048 = arith.constant 592 : index
        %get3A_1049 = tpu.vector_load %arg4[%get3A_1048] {strides = array<i32>} : memref<1920xf32, #tpu.memory_space<vmem>>, vector<16xf32>,
        %max3A_1050 = arith.maximumf %gather3A_313, %get3A_1049 : vector<16xf32>
        %get3A_1051 = arith.constant 912 : index
        %get3A_1052 = tpu.vector_load %arg4[%get3A_1051] {strides = array<i32>} : memref<1920xf32, #tpu.memory_space<vmem>>, vector<16xf32>,
        %min3A_1053 = arith.minimumf %gather3A_316, %get3A_1052 : vector<16xf32>
        %get3A_1054 = arith.constant 1232 : index
        %get3A_1055 = tpu.vector_load %arg4[%get3A_1054] {strides = array<i32>} : memref<1920xf32, #tpu.memory_space<vmem>>, vector<16xf32>,
        %min3A_1056 = arith.minimumf %gather3A_319, %get3A_1055 : vector<16xf32>
        %get3A_1057 = arith.constant 1552 : index
        %get3A_1058 = tpu.vector_load %arg4[%get3A_1057] {strides = array<i32>} : memref<1920xf32, #tpu.memory_space<vmem>>, vector<16xf32>,
        %sub3A_1059 = arith.subf %min3A_1053, %max3A_1047 : vector<16xf32>
        %max3A_1060 = arith.constant 0.000000e+00 : f32
        %max3A_1061 = vector.broadcast %max3A_1060 : f32 to vector<16xf32>
        %max3A_1062 = arith.maximumf %sub3A_1059, %max3A_1061 : vector<16xf32>
        %sub3A_1063 = arith.subf %min3A_1056, %max3A_1050 : vector<16xf32>
        %max3A_1064 = arith.constant 0.000000e+00 : f32
        %max3A_1065 = vector.broadcast %max3A_1064 : f32 to vector<16xf32>
        %max3A_1066 = arith.maximumf %sub3A_1063, %max3A_1065 : vector<16xf32>
        %mul3A_1067 = arith.mulf %max3A_1062, %max3A_1066 : vector<16xf32>
        %add3A_1068 = arith.addf %gather3A_322, %get3A_1058 : vector<16xf32>
        %sub3A_1069 = arith.subf %add3A_1068, %mul3A_1067 : vector<16xf32>
        %max3A_1070 = arith.constant 9.99999971E-10 : f32
        %max3A_1071 = vector.broadcast %max3A_1070 : f32 to vector<16xf32>
        %max3A_1072 = arith.maximumf %sub3A_1069, %max3A_1071 : vector<16xf32>
        %div3A_1073 = arith.divf %mul3A_1067, %max3A_1072 : vector<16xf32>
        %gt3A_1074 = arith.constant 1.000000e-01 : f32
        %gt3A_1075 = vector.broadcast %gt3A_1074 : f32 to vector<16xf32>
        %gt3A_1076 = arith.cmpf ogt, %div3A_1073, %gt3A_1075 : vector<16xf32>
        %and3A_1077 = arith.andi %gt3A_1076, %gt3A_329 : vector<16xi1>
        %jit3A_1078 = arith.constant -1.000000e+30 : f32
        %broadcast_in_dim3A_1079 = vector.broadcast %jit3A_1078 : f32 to vector<16xf32>
        %select_n3A_1080 = arith.select %and3A_1077, %broadcast_in_dim3A_1079, %scan3A_260 : vector<16xi1>, vector<16xf32>
        %gt3A_1081 = arith.cmpf ogt, %select_n3A_1080, %select_n3A_1044 : vector<16xf32>
        %add3A_1082 = arith.constant 272 : i32
        %add3A_1083 = vector.broadcast %add3A_1082 : i32 to vector<16xi32>
        %add3A_1084 = arith.addi %iota3A, %add3A_1083 : vector<16xi32>
        %select_n3A_1085 = arith.select %gt3A_1081, %add3A_1084, %select_n3A_1043 : vector<16xi1>, vector<16xi32>
        %select_n3A_1086 = arith.select %gt3A_1081, %select_n3A_1080, %select_n3A_1044 : vector<16xi1>, vector<16xf32>
        %get3A_1087 = arith.constant 288 : index
        %get3A_1088 = tpu.vector_load %arg4[%get3A_1087] {strides = array<i32>} : memref<1920xf32, #tpu.memory_space<vmem>>, vector<16xf32>,
        %max3A_1089 = arith.maximumf %gather3A_310, %get3A_1088 : vector<16xf32>
        %get3A_1090 = arith.constant 608 : index
        %get3A_1091 = tpu.vector_load %arg4[%get3A_1090] {strides = array<i32>} : memref<1920xf32, #tpu.memory_space<vmem>>, vector<16xf32>,
        %max3A_1092 = arith.maximumf %gather3A_313, %get3A_1091 : vector<16xf32>
        %get3A_1093 = arith.constant 928 : index
        %get3A_1094 = tpu.vector_load %arg4[%get3A_1093] {strides = array<i32>} : memref<1920xf32, #tpu.memory_space<vmem>>, vector<16xf32>,
        %min3A_1095 = arith.minimumf %gather3A_316, %get3A_1094 : vector<16xf32>
        %get3A_1096 = arith.constant 1248 : index
        %get3A_1097 = tpu.vector_load %arg4[%get3A_1096] {strides = array<i32>} : memref<1920xf32, #tpu.memory_space<vmem>>, vector<16xf32>,
        %min3A_1098 = arith.minimumf %gather3A_319, %get3A_1097 : vector<16xf32>
        %get3A_1099 = arith.constant 1568 : index
        %get3A_1100 = tpu.vector_load %arg4[%get3A_1099] {strides = array<i32>} : memref<1920xf32, #tpu.memory_space<vmem>>, vector<16xf32>,
        %sub3A_1101 = arith.subf %min3A_1095, %max3A_1089 : vector<16xf32>
        %max3A_1102 = arith.constant 0.000000e+00 : f32
        %max3A_1103 = vector.broadcast %max3A_1102 : f32 to vector<16xf32>
        %max3A_1104 = arith.maximumf %sub3A_1101, %max3A_1103 : vector<16xf32>
        %sub3A_1105 = arith.subf %min3A_1098, %max3A_1092 : vector<16xf32>
        %max3A_1106 = arith.constant 0.000000e+00 : f32
        %max3A_1107 = vector.broadcast %max3A_1106 : f32 to vector<16xf32>
        %max3A_1108 = arith.maximumf %sub3A_1105, %max3A_1107 : vector<16xf32>
        %mul3A_1109 = arith.mulf %max3A_1104, %max3A_1108 : vector<16xf32>
        %add3A_1110 = arith.addf %gather3A_322, %get3A_1100 : vector<16xf32>
        %sub3A_1111 = arith.subf %add3A_1110, %mul3A_1109 : vector<16xf32>
        %max3A_1112 = arith.constant 9.99999971E-10 : f32
        %max3A_1113 = vector.broadcast %max3A_1112 : f32 to vector<16xf32>
        %max3A_1114 = arith.maximumf %sub3A_1111, %max3A_1113 : vector<16xf32>
        %div3A_1115 = arith.divf %mul3A_1109, %max3A_1114 : vector<16xf32>
        %gt3A_1116 = arith.constant 1.000000e-01 : f32
        %gt3A_1117 = vector.broadcast %gt3A_1116 : f32 to vector<16xf32>
        %gt3A_1118 = arith.cmpf ogt, %div3A_1115, %gt3A_1117 : vector<16xf32>
        %and3A_1119 = arith.andi %gt3A_1118, %gt3A_329 : vector<16xi1>
        %jit3A_1120 = arith.constant -1.000000e+30 : f32
        %broadcast_in_dim3A_1121 = vector.broadcast %jit3A_1120 : f32 to vector<16xf32>
        %select_n3A_1122 = arith.select %and3A_1119, %broadcast_in_dim3A_1121, %scan3A_261 : vector<16xi1>, vector<16xf32>
        %gt3A_1123 = arith.cmpf ogt, %select_n3A_1122, %select_n3A_1086 : vector<16xf32>
        %add3A_1124 = arith.constant 288 : i32
        %add3A_1125 = vector.broadcast %add3A_1124 : i32 to vector<16xi32>
        %add3A_1126 = arith.addi %iota3A, %add3A_1125 : vector<16xi32>
        %select_n3A_1127 = arith.select %gt3A_1123, %add3A_1126, %select_n3A_1085 : vector<16xi1>, vector<16xi32>
        %select_n3A_1128 = arith.select %gt3A_1123, %select_n3A_1122, %select_n3A_1086 : vector<16xi1>, vector<16xf32>
        %get3A_1129 = arith.constant 304 : index
        %get3A_1130 = tpu.vector_load %arg4[%get3A_1129] {strides = array<i32>} : memref<1920xf32, #tpu.memory_space<vmem>>, vector<16xf32>,
        %max3A_1131 = arith.maximumf %gather3A_310, %get3A_1130 : vector<16xf32>
        %get3A_1132 = arith.constant 624 : index
        %get3A_1133 = tpu.vector_load %arg4[%get3A_1132] {strides = array<i32>} : memref<1920xf32, #tpu.memory_space<vmem>>, vector<16xf32>,
        %max3A_1134 = arith.maximumf %gather3A_313, %get3A_1133 : vector<16xf32>
        %get3A_1135 = arith.constant 944 : index
        %get3A_1136 = tpu.vector_load %arg4[%get3A_1135] {strides = array<i32>} : memref<1920xf32, #tpu.memory_space<vmem>>, vector<16xf32>,
        %min3A_1137 = arith.minimumf %gather3A_316, %get3A_1136 : vector<16xf32>
        %get3A_1138 = arith.constant 1264 : index
        %get3A_1139 = tpu.vector_load %arg4[%get3A_1138] {strides = array<i32>} : memref<1920xf32, #tpu.memory_space<vmem>>, vector<16xf32>,
        %min3A_1140 = arith.minimumf %gather3A_319, %get3A_1139 : vector<16xf32>
        %get3A_1141 = arith.constant 1584 : index
        %get3A_1142 = tpu.vector_load %arg4[%get3A_1141] {strides = array<i32>} : memref<1920xf32, #tpu.memory_space<vmem>>, vector<16xf32>,
        %sub3A_1143 = arith.subf %min3A_1137, %max3A_1131 : vector<16xf32>
        %max3A_1144 = arith.constant 0.000000e+00 : f32
        %max3A_1145 = vector.broadcast %max3A_1144 : f32 to vector<16xf32>
        %max3A_1146 = arith.maximumf %sub3A_1143, %max3A_1145 : vector<16xf32>
        %sub3A_1147 = arith.subf %min3A_1140, %max3A_1134 : vector<16xf32>
        %max3A_1148 = arith.constant 0.000000e+00 : f32
        %max3A_1149 = vector.broadcast %max3A_1148 : f32 to vector<16xf32>
        %max3A_1150 = arith.maximumf %sub3A_1147, %max3A_1149 : vector<16xf32>
        %mul3A_1151 = arith.mulf %max3A_1146, %max3A_1150 : vector<16xf32>
        %add3A_1152 = arith.addf %gather3A_322, %get3A_1142 : vector<16xf32>
        %sub3A_1153 = arith.subf %add3A_1152, %mul3A_1151 : vector<16xf32>
        %max3A_1154 = arith.constant 9.99999971E-10 : f32
        %max3A_1155 = vector.broadcast %max3A_1154 : f32 to vector<16xf32>
        %max3A_1156 = arith.maximumf %sub3A_1153, %max3A_1155 : vector<16xf32>
        %div3A_1157 = arith.divf %mul3A_1151, %max3A_1156 : vector<16xf32>
        %gt3A_1158 = arith.constant 1.000000e-01 : f32
        %gt3A_1159 = vector.broadcast %gt3A_1158 : f32 to vector<16xf32>
        %gt3A_1160 = arith.cmpf ogt, %div3A_1157, %gt3A_1159 : vector<16xf32>
        %and3A_1161 = arith.andi %gt3A_1160, %gt3A_329 : vector<16xi1>
        %jit3A_1162 = arith.constant -1.000000e+30 : f32
        %broadcast_in_dim3A_1163 = vector.broadcast %jit3A_1162 : f32 to vector<16xf32>
        %select_n3A_1164 = arith.select %and3A_1161, %broadcast_in_dim3A_1163, %scan3A_262 : vector<16xi1>, vector<16xf32>
        %gt3A_1165 = arith.cmpf ogt, %select_n3A_1164, %select_n3A_1128 : vector<16xf32>
        %add3A_1166 = arith.constant 304 : i32
        %add3A_1167 = vector.broadcast %add3A_1166 : i32 to vector<16xi32>
        %add3A_1168 = arith.addi %iota3A, %add3A_1167 : vector<16xi32>
        %select_n3A_1169 = arith.select %gt3A_1165, %add3A_1168, %select_n3A_1127 : vector<16xi1>, vector<16xi32>
        %select_n3A_1170 = arith.select %gt3A_1165, %select_n3A_1164, %select_n3A_1128 : vector<16xi1>, vector<16xf32>
        %reduce_max3A_1171 = arith.constant true
        %reduce_max3A_1172 = vector.broadcast %reduce_max3A_1171 : i1 to vector<16xi1>
        %reduce_max3A_1173 = tpu.scan <max>, %select_n3A_1170 masked %reduce_max3A_1172 : vector<16xf32>, vector<16xi1> -> vector<16xf32>
        %reduce_max3A_1174 = vector.extract %reduce_max3A_1173[15] : f32 from vector<16xf32>
        %eq3A_1175 = vector.broadcast %reduce_max3A_1174 : f32 to vector<16xf32>
        %eq3A_1176 = arith.cmpf oeq, %select_n3A_1170, %eq3A_1175 : vector<16xf32>
        %jit3A_1177 = arith.constant 1073741824 : i32
        %broadcast_in_dim3A_1178 = vector.broadcast %jit3A_1177 : i32 to vector<16xi32>
        %select_n3A_1179 = arith.select %eq3A_1176, %select_n3A_1169, %broadcast_in_dim3A_1178 : vector<16xi1>, vector<16xi32>
        %reduce_min3A_1180 = arith.constant true
        %reduce_min3A_1181 = vector.broadcast %reduce_min3A_1180 : i1 to vector<16xi1>
        %reduce_min3A_1182 = arith.constant -2147483648 : i32
        %reduce_min3A_1183 = vector.broadcast %reduce_min3A_1182 : i32 to vector<16xi32>
        %reduce_min3A_1184 = arith.xori %select_n3A_1179, %reduce_min3A_1183 : vector<16xi32>
        %reduce_min3A_1185 = tpu.scan <min>, %reduce_min3A_1184 masked %reduce_min3A_1181 : vector<16xi32>, vector<16xi1> -> vector<16xi32>
        %reduce_min3A_1186 = arith.xori %reduce_min3A_1185, %reduce_min3A_1183 : vector<16xi32>
        %reduce_min3A_1187 = vector.extract %reduce_min3A_1186[15] : i32 from vector<16xi32>
        %min3A_1188 = arith.constant 4 : i32
        %min3A_1189 = vector.broadcast %min3A_1188 : i32 to vector<16xi32>
        %min3A_1190 = arith.minsi %iota3A, %min3A_1189 : vector<16xi32>
        %mul3A_1191 = arith.constant 320 : i32
        %mul3A_1192 = vector.broadcast %mul3A_1191 : i32 to vector<16xi32>
        %mul3A_1193 = arith.muli %min3A_1190, %mul3A_1192 : vector<16xi32>
        %add3A_1194 = vector.broadcast %reduce_min3A_1187 : i32 to vector<16xi32>
        %add3A_1195 = arith.addi %mul3A_1193, %add3A_1194 : vector<16xi32>
        %gather3A_1196 = tpu.vector_load_idx %arg4[%add3A_1195] : memref<1920xf32, #tpu.memory_space<vmem>>[vector<16xi32>], vector<16xf32>,
        %add3A_1197 = arith.addi %mul3A_2, %reduce_min3A_1187 : i32
        %convert_element_type3A_1198 = arith.sitofp %add3A_1197 : i32 to f32
        %eq3A_1199 = arith.constant 5 : i32
        %eq3A_1200 = vector.broadcast %eq3A_1199 : i32 to vector<16xi32>
        %eq3A_1201 = arith.cmpi eq, %iota3A, %eq3A_1200 : vector<16xi32>
        %broadcast_in_dim3A_1202 = vector.broadcast %reduce_max3A_1174 : f32 to vector<16xf32>
        %eq3A_1203 = arith.constant 6 : i32
        %eq3A_1204 = vector.broadcast %eq3A_1203 : i32 to vector<16xi32>
        %eq3A_1205 = arith.cmpi eq, %iota3A, %eq3A_1204 : vector<16xi32>
        %broadcast_in_dim3A_1206 = vector.broadcast %convert_element_type3A_1198 : f32 to vector<16xf32>
        %select_n3A_1207 = arith.select %eq3A_1205, %broadcast_in_dim3A_1206, %gather3A_1196 : vector<16xi1>, vector<16xf32>
        %select_n3A_1208 = arith.select %eq3A_1201, %broadcast_in_dim3A_1202, %select_n3A_1207 : vector<16xi1>, vector<16xf32>
        %eq3A_1209 = arith.constant 0 : i32
        %eq3A_1210 = arith.cmpi eq, %arg1, %eq3A_1209 : i32
        %and3A_1211 = arith.andi %eq3A_1210, %gt3A_278 : i1
        %convert_element_type3A_1212 = arith.extui %and3A_1211 : i1 to i32
        %cond3A_1213 = arith.constant 0 : i32
        %cond3A_1214 = arith.cmpi ne, %convert_element_type3A_1212, %cond3A_1213 : i32
        scf.if %cond3A_1214 {
          %lt3A = arith.constant 4 : i32
          %lt3A_1219 = vector.broadcast %lt3A : i32 to vector<16xi32>
          %lt3A_1220 = arith.cmpi slt, %iota3A, %lt3A_1219 : vector<16xi32>
          %eq3A_1221 = arith.constant 4 : i32
          %eq3A_1222 = vector.broadcast %eq3A_1221 : i32 to vector<16xi32>
          %eq3A_1223 = arith.cmpi eq, %iota3A, %eq3A_1222 : vector<16xi32>
          %broadcast_in_dim3A_1224 = vector.broadcast %reduce_max3A_276 : f32 to vector<16xf32>
          %broadcast_in_dim3A_1225 = arith.constant 0.000000e+00 : f32
          %broadcast_in_dim3A_1226 = vector.broadcast %broadcast_in_dim3A_1225 : f32 to vector<16xf32>
          %select_n3A_1227 = arith.select %eq3A_1223, %broadcast_in_dim3A_1224, %broadcast_in_dim3A_1226 : vector<16xi1>, vector<16xf32>
          %select_n3A_1228 = arith.select %lt3A_1220, %gather3A_307, %select_n3A_1227 : vector<16xi1>, vector<16xf32>
          %mul3A_1229 = arith.constant 16 : i32
          %mul3A_1230 = arith.muli %scan3A_241, %mul3A_1229 : i32
          %swap3A_1231 = arith.index_cast %mul3A_1230 : i32 to index
          %swap3A_1232 = tpu.vector_load %arg8[%swap3A_1231] {strides = array<i32>} : memref<1600xf32, #tpu.memory_space<vmem>>, vector<16xf32>,
          tpu.vector_store %arg8[%swap3A_1231], %select_n3A_1228 {strides = array<i32>} : memref<1600xf32, #tpu.memory_space<vmem>>, vector<16xf32>,
        } else {
        }
        %jit3A_1215 = arith.constant 1 : i32
        %jit3A_1216 = arith.constant 0 : i32
        %select_n3A_1217 = arith.select %gt3A_278, %jit3A_1215, %jit3A_1216 : i32
        %add3A_1218 = arith.addi %scan3A_241, %select_n3A_1217 : i32
        scf.yield %add3A_1218, %select_n3A_1208, %select_n3A_366, %select_n3A_408, %select_n3A_450, %select_n3A_492, %select_n3A_534, %select_n3A_576, %select_n3A_618, %select_n3A_660, %select_n3A_702, %select_n3A_744, %select_n3A_786, %select_n3A_828, %select_n3A_870, %select_n3A_912, %select_n3A_954, %select_n3A_996, %select_n3A_1038, %select_n3A_1080, %select_n3A_1122, %select_n3A_1164 : i32, vector<16xf32>, vector<16xf32>, vector<16xf32>, vector<16xf32>, vector<16xf32>, vector<16xf32>, vector<16xf32>, vector<16xf32>, vector<16xf32>, vector<16xf32>, vector<16xf32>, vector<16xf32>, vector<16xf32>, vector<16xf32>, vector<16xf32>, vector<16xf32>, vector<16xf32>, vector<16xf32>, vector<16xf32>, vector<16xf32>, vector<16xf32>
      }
      %scan3A_234 = arith.constant 100 : i32
      %eq3A_235 = arith.constant 0 : i32
      %eq3A_236 = arith.cmpi eq, %arg1, %eq3A_235 : i32
      %convert_element_type3A_237 = arith.extui %eq3A_236 : i1 to i32
      %cond3A_238 = arith.constant 0 : i32
      %cond3A_239 = arith.cmpi ne, %convert_element_type3A_237, %cond3A_238 : i32
      scf.if %cond3A_239 {
        "tpu.region"() ({
          %run_scoped3A = tpu.sem_alloc : memref<!tpu.dma_semaphore, #tpu.memory_space<semaphore_mem>>
          tpu.enqueue_dma source(%arg8 : memref<1600xf32, #tpu.memory_space<vmem>>) target(%arg3 : memref<1600xf32, #tpu.memory_space<hbm>>) target_semaphore(%run_scoped3A : memref<!tpu.dma_semaphore, #tpu.memory_space<semaphore_mem>>)
          tpu.wait_dma2 semaphore(%run_scoped3A : memref<!tpu.dma_semaphore, #tpu.memory_space<semaphore_mem>>) src(%arg8 : memref<1600xf32, #tpu.memory_space<vmem>>) dst(%arg3 : memref<1600xf32, #tpu.memory_space<hbm>>)
          tpu.yield
        }) : () -> ()
      } else {
      }
    } else {
    }
    return
  }
}

module attributes {stable_mosaic.version = 14 : i64} {
  func.func @_decode_body(%arg0: memref<40x128xf32, #tpu.memory_space<vmem>>, %arg1: memref<40x128xf32, #tpu.memory_space<vmem>>, %arg2: memref<40x128xf32, #tpu.memory_space<vmem>>, %arg3: memref<40x128xf32, #tpu.memory_space<vmem>>, %arg4: memref<40x128xf32, #tpu.memory_space<vmem>>, %arg5: memref<40x128xf32, #tpu.memory_space<vmem>>, %arg6: memref<40x128xf32, #tpu.memory_space<vmem>>, %arg7: memref<40x128xf32, #tpu.memory_space<vmem>>, %arg8: memref<40x128xf32, #tpu.memory_space<vmem>>, %arg9: memref<240x128xf32, #tpu.memory_space<vmem>>) attributes {dimension_semantics = [], scalar_prefetch = 0 : i64, scratch_operands = 0 : i64, tpu.core_type = #tpu.core_type<tc>} {
    %get3A = arith.constant 0 : index
    %get3A_0 = arith.constant 0 : index
    %get3A_1 = vector.load %arg0[%get3A, %get3A_0] : memref<40x128xf32, #tpu.memory_space<vmem>>, vector<40x128xf32>
    %get3A_2 = arith.constant 0 : index
    %get3A_3 = arith.constant 0 : index
    %get3A_4 = vector.load %arg1[%get3A_2, %get3A_3] : memref<40x128xf32, #tpu.memory_space<vmem>>, vector<40x128xf32>
    %get3A_5 = arith.constant 0 : index
    %get3A_6 = arith.constant 0 : index
    %get3A_7 = vector.load %arg2[%get3A_5, %get3A_6] : memref<40x128xf32, #tpu.memory_space<vmem>>, vector<40x128xf32>
    %get3A_8 = arith.constant 0 : index
    %get3A_9 = arith.constant 0 : index
    %get3A_10 = vector.load %arg3[%get3A_8, %get3A_9] : memref<40x128xf32, #tpu.memory_space<vmem>>, vector<40x128xf32>
    %sub3A = arith.subf %get3A_7, %get3A_1 : vector<40x128xf32>
    %sub3A_11 = arith.subf %get3A_10, %get3A_4 : vector<40x128xf32>
    %mul3A = arith.constant 5.000000e-01 : f32
    %mul3A_12 = vector.broadcast %mul3A : f32 to vector<40x128xf32>
    %mul3A_13 = arith.mulf %mul3A_12, %sub3A : vector<40x128xf32>
    %add3A = arith.addf %get3A_1, %mul3A_13 : vector<40x128xf32>
    %mul3A_14 = arith.constant 5.000000e-01 : f32
    %mul3A_15 = vector.broadcast %mul3A_14 : f32 to vector<40x128xf32>
    %mul3A_16 = arith.mulf %mul3A_15, %sub3A_11 : vector<40x128xf32>
    %add3A_17 = arith.addf %get3A_4, %mul3A_16 : vector<40x128xf32>
    %get3A_18 = arith.constant 0 : index
    %get3A_19 = arith.constant 0 : index
    %get3A_20 = vector.load %arg4[%get3A_18, %get3A_19] : memref<40x128xf32, #tpu.memory_space<vmem>>, vector<40x128xf32>
    %mul3A_21 = arith.constant 1.000000e-01 : f32
    %mul3A_22 = vector.broadcast %mul3A_21 : f32 to vector<40x128xf32>
    %mul3A_23 = arith.mulf %get3A_20, %mul3A_22 : vector<40x128xf32>
    %get3A_24 = arith.constant 0 : index
    %get3A_25 = arith.constant 0 : index
    %get3A_26 = vector.load %arg5[%get3A_24, %get3A_25] : memref<40x128xf32, #tpu.memory_space<vmem>>, vector<40x128xf32>
    %mul3A_27 = arith.constant 1.000000e-01 : f32
    %mul3A_28 = vector.broadcast %mul3A_27 : f32 to vector<40x128xf32>
    %mul3A_29 = arith.mulf %get3A_26, %mul3A_28 : vector<40x128xf32>
    %get3A_30 = arith.constant 0 : index
    %get3A_31 = arith.constant 0 : index
    %get3A_32 = vector.load %arg6[%get3A_30, %get3A_31] : memref<40x128xf32, #tpu.memory_space<vmem>>, vector<40x128xf32>
    %mul3A_33 = arith.constant 2.000000e-01 : f32
    %mul3A_34 = vector.broadcast %mul3A_33 : f32 to vector<40x128xf32>
    %mul3A_35 = arith.mulf %get3A_32, %mul3A_34 : vector<40x128xf32>
    %get3A_36 = arith.constant 0 : index
    %get3A_37 = arith.constant 0 : index
    %get3A_38 = vector.load %arg7[%get3A_36, %get3A_37] : memref<40x128xf32, #tpu.memory_space<vmem>>, vector<40x128xf32>
    %mul3A_39 = arith.constant 2.000000e-01 : f32
    %mul3A_40 = vector.broadcast %mul3A_39 : f32 to vector<40x128xf32>
    %mul3A_41 = arith.mulf %get3A_38, %mul3A_40 : vector<40x128xf32>
    %mul3A_42 = arith.mulf %mul3A_23, %sub3A : vector<40x128xf32>
    %add3A_43 = arith.addf %add3A, %mul3A_42 : vector<40x128xf32>
    %mul3A_44 = arith.mulf %mul3A_29, %sub3A_11 : vector<40x128xf32>
    %add3A_45 = arith.addf %add3A_17, %mul3A_44 : vector<40x128xf32>
    %exp3A = math.exp %mul3A_35 : vector<40x128xf32>
    %mul3A_46 = arith.mulf %exp3A, %sub3A : vector<40x128xf32>
    %exp3A_47 = math.exp %mul3A_41 : vector<40x128xf32>
    %mul3A_48 = arith.mulf %exp3A_47, %sub3A_11 : vector<40x128xf32>
    %mul3A_49 = arith.constant 5.000000e-01 : f32
    %mul3A_50 = vector.broadcast %mul3A_49 : f32 to vector<40x128xf32>
    %mul3A_51 = arith.mulf %mul3A_50, %mul3A_46 : vector<40x128xf32>
    %sub3A_52 = arith.subf %add3A_43, %mul3A_51 : vector<40x128xf32>
    %jit3A = arith.constant 0.000000e+00 : f32
    %jit3A_53 = arith.constant 1.024000e+03 : f32
    %max3A = vector.broadcast %jit3A : f32 to vector<40x128xf32>
    %max3A_54 = arith.maximumf %max3A, %sub3A_52 : vector<40x128xf32>
    %min3A = vector.broadcast %jit3A_53 : f32 to vector<40x128xf32>
    %min3A_55 = arith.minimumf %min3A, %max3A_54 : vector<40x128xf32>
    %mul3A_56 = arith.constant 5.000000e-01 : f32
    %mul3A_57 = vector.broadcast %mul3A_56 : f32 to vector<40x128xf32>
    %mul3A_58 = arith.mulf %mul3A_57, %mul3A_48 : vector<40x128xf32>
    %sub3A_59 = arith.subf %add3A_45, %mul3A_58 : vector<40x128xf32>
    %jit3A_60 = arith.constant 0.000000e+00 : f32
    %jit3A_61 = arith.constant 1.024000e+03 : f32
    %max3A_62 = vector.broadcast %jit3A_60 : f32 to vector<40x128xf32>
    %max3A_63 = arith.maximumf %max3A_62, %sub3A_59 : vector<40x128xf32>
    %min3A_64 = vector.broadcast %jit3A_61 : f32 to vector<40x128xf32>
    %min3A_65 = arith.minimumf %min3A_64, %max3A_63 : vector<40x128xf32>
    %mul3A_66 = arith.constant 5.000000e-01 : f32
    %mul3A_67 = vector.broadcast %mul3A_66 : f32 to vector<40x128xf32>
    %mul3A_68 = arith.mulf %mul3A_67, %mul3A_46 : vector<40x128xf32>
    %add3A_69 = arith.addf %add3A_43, %mul3A_68 : vector<40x128xf32>
    %jit3A_70 = arith.constant 0.000000e+00 : f32
    %jit3A_71 = arith.constant 1.024000e+03 : f32
    %max3A_72 = vector.broadcast %jit3A_70 : f32 to vector<40x128xf32>
    %max3A_73 = arith.maximumf %max3A_72, %add3A_69 : vector<40x128xf32>
    %min3A_74 = vector.broadcast %jit3A_71 : f32 to vector<40x128xf32>
    %min3A_75 = arith.minimumf %min3A_74, %max3A_73 : vector<40x128xf32>
    %mul3A_76 = arith.constant 5.000000e-01 : f32
    %mul3A_77 = vector.broadcast %mul3A_76 : f32 to vector<40x128xf32>
    %mul3A_78 = arith.mulf %mul3A_77, %mul3A_48 : vector<40x128xf32>
    %add3A_79 = arith.addf %add3A_45, %mul3A_78 : vector<40x128xf32>
    %jit3A_80 = arith.constant 0.000000e+00 : f32
    %jit3A_81 = arith.constant 1.024000e+03 : f32
    %max3A_82 = vector.broadcast %jit3A_80 : f32 to vector<40x128xf32>
    %max3A_83 = arith.maximumf %max3A_82, %add3A_79 : vector<40x128xf32>
    %min3A_84 = vector.broadcast %jit3A_81 : f32 to vector<40x128xf32>
    %min3A_85 = arith.minimumf %min3A_84, %max3A_83 : vector<40x128xf32>
    %sub3A_86 = arith.subf %min3A_75, %min3A_55 : vector<40x128xf32>
    %max3A_87 = arith.constant 0.000000e+00 : f32
    %max3A_88 = vector.broadcast %max3A_87 : f32 to vector<40x128xf32>
    %max3A_89 = arith.maximumf %sub3A_86, %max3A_88 : vector<40x128xf32>
    %sub3A_90 = arith.subf %min3A_85, %min3A_65 : vector<40x128xf32>
    %max3A_91 = arith.constant 0.000000e+00 : f32
    %max3A_92 = vector.broadcast %max3A_91 : f32 to vector<40x128xf32>
    %max3A_93 = arith.maximumf %sub3A_90, %max3A_92 : vector<40x128xf32>
    %mul3A_94 = arith.mulf %max3A_89, %max3A_93 : vector<40x128xf32>
    %get3A_95 = arith.constant 0 : index
    %get3A_96 = arith.constant 0 : index
    %get3A_97 = vector.load %arg8[%get3A_95, %get3A_96] : memref<40x128xf32, #tpu.memory_space<vmem>>, vector<40x128xf32>
    %gt3A = arith.constant 5.000000e-01 : f32
    %gt3A_98 = vector.broadcast %gt3A : f32 to vector<40x128xf32>
    %gt3A_99 = arith.cmpf ogt, %get3A_97, %gt3A_98 : vector<40x128xf32>
    %jit3A_100 = arith.constant -1.000000e+30 : f32
    %broadcast_in_dim3A = vector.broadcast %jit3A_100 : f32 to vector<40x128xf32>
    %select_n3A = arith.select %gt3A_99, %get3A_97, %broadcast_in_dim3A : vector<40x128xi1>, vector<40x128xf32>
    %swap3A = arith.constant 0 : index
    %swap3A_101 = arith.constant 0 : index
    %swap3A_102 = vector.load %arg9[%swap3A, %swap3A_101] : memref<240x128xf32, #tpu.memory_space<vmem>>, vector<40x128xf32>
    tpu.vector_store %arg9[%swap3A, %swap3A_101], %min3A_55 {strides = array<i32>} : memref<240x128xf32, #tpu.memory_space<vmem>>, vector<40x128xf32>,
    %swap3A_103 = arith.constant 40 : index
    %swap3A_104 = arith.constant 0 : index
    %swap3A_105 = vector.load %arg9[%swap3A_103, %swap3A_104] : memref<240x128xf32, #tpu.memory_space<vmem>>, vector<40x128xf32>
    tpu.vector_store %arg9[%swap3A_103, %swap3A_104], %min3A_65 {strides = array<i32>} : memref<240x128xf32, #tpu.memory_space<vmem>>, vector<40x128xf32>,
    %swap3A_106 = arith.constant 80 : index
    %swap3A_107 = arith.constant 0 : index
    %swap3A_108 = vector.load %arg9[%swap3A_106, %swap3A_107] : memref<240x128xf32, #tpu.memory_space<vmem>>, vector<40x128xf32>
    tpu.vector_store %arg9[%swap3A_106, %swap3A_107], %min3A_75 {strides = array<i32>} : memref<240x128xf32, #tpu.memory_space<vmem>>, vector<40x128xf32>,
    %swap3A_109 = arith.constant 120 : index
    %swap3A_110 = arith.constant 0 : index
    %swap3A_111 = vector.load %arg9[%swap3A_109, %swap3A_110] : memref<240x128xf32, #tpu.memory_space<vmem>>, vector<40x128xf32>
    tpu.vector_store %arg9[%swap3A_109, %swap3A_110], %min3A_85 {strides = array<i32>} : memref<240x128xf32, #tpu.memory_space<vmem>>, vector<40x128xf32>,
    %swap3A_112 = arith.constant 160 : index
    %swap3A_113 = arith.constant 0 : index
    %swap3A_114 = vector.load %arg9[%swap3A_112, %swap3A_113] : memref<240x128xf32, #tpu.memory_space<vmem>>, vector<40x128xf32>
    tpu.vector_store %arg9[%swap3A_112, %swap3A_113], %mul3A_94 {strides = array<i32>} : memref<240x128xf32, #tpu.memory_space<vmem>>, vector<40x128xf32>,
    %swap3A_115 = arith.constant 200 : index
    %swap3A_116 = arith.constant 0 : index
    %swap3A_117 = vector.load %arg9[%swap3A_115, %swap3A_116] : memref<240x128xf32, #tpu.memory_space<vmem>>, vector<40x128xf32>
    tpu.vector_store %arg9[%swap3A_115, %swap3A_116], %select_n3A {strides = array<i32>} : memref<240x128xf32, #tpu.memory_space<vmem>>, vector<40x128xf32>,
    return
  }
}

</mosaic_0001>

<sc_bundles>
// kernel: kernel.4.cloned.1.call-start
scs
__scs_entry_jumppad:
0x0: {  	(pc) =	sbr.rel $0x88, $3  }
0x1: {  	(tag) =	ssettag $0x0;
	lr =	simm.s32 $0x1  }
0x2: {  	[smem:$0x3F9E] =	sst lr;
	_ =	strace $0xD0000000  }
0x3: {  	_ = 	snop  }
0x4: {  	_ = 	snop  }
0x5: {  	_ = 	snop  }
0x6: {  	_ = 	snop  }
0x7: {  	_ = 	snop  }
__scs_overlays_trampoline_lowered:
0x8: {  	[smem:$0x3FAD] =	sst s0  }
0x9: {  	[smem:$0x3FAE] =	sst s1  }
0xa: {  	[smem:$0x3FAF] =	sst s2  }
0xb: {  	[smem:$0x3FB0] =	sst s3  }
0xc: {  	[smem:$0x3FB1] =	sst s4  }
0xd: {  	[smem:$0x3FB2] =	sst s5  }
0xe: {  	[smem:$0x3FB3] =	sst s6  }
0xf: {  	[smem:$0x3FB4] =	sst s7  }
0x10: {  	[smem:$0x3FB5] =	sst s8  }
0x11: {  	[smem:$0x3FB6] =	sst s9;
	s0 =	simm.s32 @!p0 $0x0  }
0x12: {  	s1 =	sld [smem:$0x3F9C];
	s0 =	simm.s32 @p0 $0x1  }
0x13: {  	[smem:$0x3FB7] =	sst s0;
	s0 =	simm.s32 @!p1 $0x0  }
0x14: {  	s2 =	sld [smem:$0x3F9B];
	s0 =	simm.s32 @p1 $0x1  }
0x15: {  	[smem:$0x3FB8] =	sst s0;
	s0 =	simm.s32 @!p2 $0x0  }
0x16: {  	s3 =	sld [smem:$0x3FDB];
	s0 =	simm.s32 @p2 $0x1  }
0x17: {  	s4 =	simm.s32 $0x1BF5;
	[smem:$0x3FBA] =	sst s0  }
0x18: {  	s0 =	sld [smem:$0x3F9D];
	_ =	swait.ge [sflag:s4], $0x0  }
0x19: {  	s7 =	sld [smem:$0x3F9E]  }
0x1a: {  	s8 =	sadd.s32 $0xFFFFE003, lr  }
0x1b: {  	s9 =	sadd.s32 $0xFFFFFEF7, lr;
	s5 =	simm.s32 $0xFFFFFFFF;
	p2 =	slt.u32 s8, $0xFFFFF086  }
0x1c: {  	p1 =	slt.u32 s9, $0xF7A;
	s5 =	simm.s32 @!p2 $0x0  }
0x1d: {  	s5 =	simm.s32 @p1 $0x1;
	p0 =	seq.s32 s7, s2  }
0x1e: {  	s7 =	smul.u32 @!p0 $0xF7A, s2;
	p2 =	seq.s32 @!p0 s5, $0x0  }
0x1f: {  	s9 =	smul.u32 $0xF7A, s1;
	s8 =	simm.s32 @!p0 $0x1BF5;
	p2 =	por !p2, p0  }
0x20: {  	[sflag:s8] =	ssyncset.s32 @!p0 $0xFFFFF086;
	s6 =	sadd.s32 @!p0 s3, s7;
	s7 =	simm.s32 @!p0 $0x108  }
0x21: {  	s3 =	sadd.s32 s3, s9;
	s6 =	sadd.s32 @!p0 $0x88, s6;
	s7 =	simm.s32 @p2 $0x1082  }
0x22: {  	[simem:s7], [sflag:s8] =	dma.local @!p0 [hbm:s6], $0xF7A  }
0x23: {  	s9 =	sor.u32 $0xD0000000, s2;
	s6 =	simm.s32 $0x108;
	_ =	swait.ge @!p0 [sflag:s8], $0x0  }
0x24: {  	s3 =	sadd.s32 $0x88, s3;
	s6 =	simm.s32 @!p1 $0x1082;
	[sflag:s4] =	ssyncset.s32 $0xFFFFF086  }
0x25: {  	[simem:s6], [sflag:s4] =	dma.local [hbm:s3], $0xF7A  }
0x26: {  	[smem:$0x3F9E] =	sst s1;
	(tag) =	ssettag s2;
	_ =	strace s9  }
0x27: {  	s1 =	sld [smem:$0x3FAE]  }
0x28: {  	s2 =	sld [smem:$0x3FAF]  }
0x29: {  	s4 =	sld [smem:$0x3FB1]  }
0x2a: {  	p0 =	seq.s32 s5, $0x0;
	s5 =	sld [smem:$0x3FB2]  }
0x2b: {  	s6 =	sld [smem:$0x3FB3]  }
0x2c: {  	s7 =	sld [smem:$0x3FB4]  }
0x2d: {  	s3 =	simm.s32 $0x108;
	s8 =	sld [smem:$0x3FB5]  }
0x2e: {  	s3 =	simm.s32 @!p0 $0x1082;
	s9 =	sld [smem:$0x3FB6]  }
0x2f: {  	lr =	sadd.s32 s0, s3;
	s0 =	sld [smem:$0x3FAD]  }
0x30: {  	s3 =	sld [smem:$0x3FB0]  }
0x31: {  	[smem:$0x3FB9] =	sst s10  }
0x32: {  	s10 =	sld [smem:$0x3FB7];
	_ =	sdelay $0x3  }
0x33: {  	p0 =	seq.s32 s10, $0x1;
	s10 =	sld [smem:$0x3FB9];
	_ =	sdelay $0x3  }
0x34: {  	[smem:$0x3FB9] =	sst s10  }
0x35: {  	s10 =	sld [smem:$0x3FB8];
	_ =	sdelay $0x3  }
0x36: {  	p1 =	seq.s32 s10, $0x1;
	s10 =	sld [smem:$0x3FB9];
	_ =	sdelay $0x3  }
0x37: {  	[smem:$0x3FB9] =	sst s10  }
0x38: {  	s10 =	sld [smem:$0x3FBA]  }
0x39: {  	_ = 	snop;
	(pc) =	sbr.ind lr, $3  }
0x3a: {  	_ = 	snop  }
0x3b: {  	_ = 	snop  }
0x3c: {  	p2 =	seq.s32 s10, $0x1;
	s10 =	sld [smem:$0x3FB9]  }
0x3d: {  	_ =	shalt  }
0x3e: {  	_ =	shalt  }
0x3f: {  	_ =	shalt  }
0x40: {  	_ =	shalt  }
0x41: {  	_ =	shalt  }
0x42: {  	_ =	shalt  }
0x43: {  	_ =	shalt  }
0x44: {  	_ =	shalt  }
0x45: {  	_ =	shalt  }
0x46: {  	_ =	shalt  }
0x47: {  	_ =	shalt  }
0x48: {  	_ =	shalt  }
0x49: {  	_ =	shalt  }
0x4a: {  	_ =	shalt  }
0x4b: {  	_ =	shalt  }
0x4c: {  	_ =	shalt  }
0x4d: {  	_ =	shalt  }
0x4e: {  	_ =	shalt  }
0x4f: {  	_ =	shalt  }
0x50: {  	_ =	shalt  }
0x51: {  	_ =	shalt  }
0x52: {  	_ =	shalt  }
0x53: {  	_ =	shalt  }
0x54: {  	_ =	shalt  }
0x55: {  	_ =	shalt  }
0x56: {  	_ =	shalt  }
0x57: {  	_ =	shalt  }
0x58: {  	_ =	shalt  }
0x59: {  	_ =	shalt  }
0x5a: {  	_ =	shalt  }
0x5b: {  	_ =	shalt  }
0x5c: {  	_ =	shalt  }
0x5d: {  	_ =	shalt  }
0x5e: {  	_ =	shalt  }
0x5f: {  	_ =	shalt  }
0x60: {  	_ =	shalt  }
0x61: {  	_ =	shalt  }
0x62: {  	_ =	shalt  }
0x63: {  	_ =	shalt  }
0x64: {  	_ =	shalt  }
0x65: {  	_ =	shalt  }
0x66: {  	_ =	shalt  }
0x67: {  	_ =	shalt  }
0x68: {  	_ =	shalt  }
0x69: {  	_ =	shalt  }
0x6a: {  	_ =	shalt  }
0x6b: {  	_ =	shalt  }
0x6c: {  	_ =	shalt  }
0x6d: {  	_ =	shalt  }
0x6e: {  	_ =	shalt  }
0x6f: {  	_ =	shalt  }
0x70: {  	_ =	shalt  }
0x71: {  	_ =	shalt  }
0x72: {  	_ =	shalt  }
0x73: {  	_ =	shalt  }
0x74: {  	_ =	shalt  }
0x75: {  	_ =	shalt  }
0x76: {  	_ =	shalt  }
0x77: {  	_ =	shalt  }
0x78: {  	_ =	shalt  }
0x79: {  	_ =	shalt  }
0x7a: {  	_ =	shalt  }
0x7b: {  	_ =	shalt  }
0x7c: {  	_ =	shalt  }
0x7d: {  	_ =	shalt  }
0x7e: {  	_ =	shalt  }
0x7f: {  	_ =	shalt  }
0x80: {  	_ =	shalt  }
0x81: {  	_ =	shalt  }
0x82: {  	_ =	shalt  }
0x83: {  	_ =	shalt  }
0x84: {  	_ =	shalt  }
0x85: {  	_ =	shalt  }
0x86: {  	_ =	shalt  }
0x87: {  	_ =	shalt  }
.Lfunc_end0:
.L_simem_size_0:
called_computation_lowered:
.L_overlay_start_0:
0x88: {  	s2 =	sld [smem:$0x3FD9]  }
0x89: {  	s3 =	sld [smem:$0x3FFE];
	_ =	sdelay $0x1  }
0x8a: {  	s1 =	srdreg.scid  }
0x8b: {  	s0 =	sand.u32 $0x1, s1  }
0x8c: {  	s16 =	sshll.u32 s0, $0xA;
	s2 =	sadd.s32 s3, s2  }
0x8d: {  	s2 =	sadd.s32 s2, s16  }
0x8e: {  	[smem:$0x3FC5] =	sst s2  }
0x8f: {  	_ = 	snop  }
0x90: {  	(tm) =	ssettm $0x1  }
0x91: {  	s17 =	sld [smem:$0x3FFB];
	_ =	sdelay $0x3  }
0x92: {  	_ =	strace s17  }
0x93: {  	s2 =	sld [smem:$0x3FFC];
	_ =	sdelay $0x3  }
0x94: {  	_ =	strace s2  }
0x95: {  	s2 =	sld [smem:$0x3FFD];
	_ =	sdelay $0x3  }
0x96: {  	_ =	strace s2  }
0x97: {  	_ =	strace $0x8FFFFFFF  }
0x98: {  	s18 =	sld [smem:$0x3FDB];
	_ =	sdelay $0x1  }
0x99: {  	s19 =	simm.s32 $_scs_section_size  }
0x9a: {  	s4 =	simm.s32 $_size__tile_overlayer_lowered;
	s5 =	simm.s32 $_tile_overlayer_lowered  }
0x9b: {  	s22 =	simm.s32 $0x1BFF;
	s21 =	sshll.u32 s5, $0x1;
	s2 =	sadd.s32 s19, s18  }
0x9c: {  	s6 =	simm.s32 $0x0;
	s20 =	sshll.u32 s4, $0x1;
	s4 =	sadd.s32 s21, s2  }
0x9d: {  	[timem:s6], [sflag:s22] =	dma.local [hbm:s4], s20  }
0x9e: {  	_ =	swait.ge [sflag:s22], s20  }
0x9f: {  	s3 =	ssub.s32 $0x0, s20;
	[sflag:s22] =	ssyncset.done $0x0  }
0xa0: {  	[sflag:s22] =	ssyncadd.s32 s3;
	_ =	sdelay $0x1  }
0xa1: {  	s23 =	simm.s32 $0x1B8B  }
0xa2: {  	_ =	swait.ge [sflag:s23], $0x1  }
0xa3: {  	[sflag:s23] =	ssyncset.done $0x0  }
0xa4: {  	s25 =	simm.s32 $0x1B8E;
	s24 =	sld [smem:$0x3FFE];
	[sflag:s23] =	ssyncadd.s32 $0xFFFFFFFF  }
0xa5: {  	s26 =	simm.s32 $execute0_lowered;
	[smem:$0x3FD2] =	sst s25  }
0xa6: {  	s4 =	sshll.u32 s26, $0x1;
	_ =	strace $0x80000046;
	[dreg:$0x1] =	wrdreg $0xFFFFFFFF  }
0xa7: {  	s28 =	simm.s32 $_size_execute0_lowered;
	s2 =	sadd.s32 s2, s4;
	[dreg:$0x0] =	wrdreg $0x0  }
0xa8: {  	s4 =	sshll.u32 s28, $0x1;
	[dreg:$0x2] =	wrdreg s2  }
0xa9: {  	[dreg:$0x3] =	wrdreg s4  }
0xaa: {  	[dreg:$0x4] =	wrdreg $0xC0  }
0xab: {  	_ =	task [dreg:s6], $0x5FFFF  }
0xac: {  	[dreg:$0x1] =	wrdreg $0xFFFFFFFF  }
0xad: {  	[dreg:$0x0] =	wrdreg $0x60  }
0xae: {  	[dreg:$0x2] =	wrdreg s24  }
0xaf: {  	[dreg:$0x3] =	wrdreg $0x8000  }
0xb0: {  	[dreg:$0x4] =	wrdreg $0x9  }
0xb1: {  	_ =	task.clear_ibuf [dreg:s6], $0x5FFFF;
	_ =	strace $0x90000046  }
0xb2: {  	s29 =	simm.s32 $0x9;
	_ =	strace $0x80000048  }
0xb3: {  	_ =	swait.ge [sflag:s29], $0x1  }
0xb4: {  	[sflag:s29] =	ssyncadd.s32 $0xFFFFFFFF  }
0xb5: {  	_ =	strace $0x90000048  }
0xb6: {  	_ =	sfence  }
0xb7: {  	s30 =	sld [smem:$0x0];
	_ =	sdelay $0x2  }
0xb8: {  	s31 =	sshll.u32 s1, $0xD;
	s1 =	sshrl.u32 s1, $0x2  }
0xb9: {  	s3 =	sand.u32 $0x4000, s31;
	s1 =	sadd.s32 s1, s30  }
0xba: {  	s0 =	sor.u32 s3, s0;
	s1 =	sshll.u32 s1, $0x11  }
0xbb: {  	s0 =	sor.u32 s1, s0  }
0xbc: {  	s0 =	sadd.s32 $0x8F2B, s0  }
0xbd: {  	[sflag:s0] =	ssyncadd.remote.s32 $0x1  }
0xbe: {  	_ =	sfence.sel $0xFFFF  }
0xbf: {  	[dreg:$0x0] =	wrdreg $0xFFFFFFFF;
	(pc) =	sbr.abs _section_cstart, $3  }
0xc0: {  	[dreg:$0x1] =	wrdreg $0xFFFFFFFF  }
0xc1: {  	_ =	task.clear_ibuf [dreg:s6], $0x2FFFF;
	_ =	strace $0x9FFFFFFF  }
0xc2: {  	(tm) =	ssettm $0x7FFFFFFF  }
0xc3: {  	_ =	shalt  }
tec
execute0_lowered:
.L_overlay_start_1:
0x0: {  	(tag) =	ssettag $0x1  }
0x1: {  	s1 =	srdreg.scid  }
0x2: {  	s1 =	sand.u32 $0x1, s1  }
0x3: {  	p1 =	seq.s32 s1, $0x1  }
.Ltmp0:
0x4: {  	s4 =	rddreg [dreg:$0x0];
	(pc) =	sbr.rel @p1 .LBB2_6-.Ltmp0, $4  }
0x5: {  	s0 =	rddreg [dreg:$0x1]  }
0x6: {  	s5 =	simm.s32 $0x0;
	[dreg:$0x3] =	wrdreg s0  }
0x7: {  	s3 =	stileid.u32;
	[smem:$0x7FF] =	sst s5  }
0x8: {  	s0 =	rddreg [dreg:$0x2];
	p0 =	sne.s32 s3, $0x0;
	_ =	strace $0x80000047  }
0x9: {  	s1 =	smul.u32 $0x140, s3;
	_ =	sdelay $0x1  }
0xa: {  	s2 =	sadd.s32 $0x1400, s4;
	s6 =	sshrl.u32 s1, $0x3  }
0xb: {  	s6 =	sadd.s32 s2, s6;
	s2 =	simm.s32 $0x1  }
0xc: {  	[tilespmem:s5], [sflag:$0x1] =	stream.linear.gather [hbm4b:s6+s5], $0x140, $0x38;
	[tilespmem:$0x1780] =	vst v63  }
0xd: {  	_ =	swait.ge [sflag:s2], $0x140  }
0xe: {  	[sflag:s2] =	ssyncset.done $0x0  }
0xf: {  	s8 =	simm.s32 $0x140;
	s7 =	sadd.s32 $0x280, s6;
	[sflag:s2] =	ssyncadd.s32 $0xFFFFFEC0  }
0x10: {  	[tilespmem:s8], [sflag:$0x1] =	stream.linear.gather [hbm4b:s7+s5], $0x140, $0x38;
	[tilespmem:$0x1780] =	vst v63  }
0x11: {  	_ =	swait.ge [sflag:s2], $0x140  }
0x12: {  	[sflag:s2] =	ssyncset.done $0x0  }
0x13: {  	s25 =	simm.s32 $0x280;
	s24 =	sadd.s32 $0x500, s6;
	[sflag:s2] =	ssyncadd.s32 $0xFFFFFEC0  }
0x14: {  	[tilespmem:s25], [sflag:$0x1] =	stream.linear.gather [hbm4b:s24+s5], $0x140, $0x38;
	[tilespmem:$0x1780] =	vst v63  }
0x15: {  	_ =	swait.ge [sflag:s2], $0x140  }
0x16: {  	[sflag:s2] =	ssyncset.done $0x0  }
0x17: {  	s28 =	simm.s32 $0x3C0;
	s26 =	sadd.s32 $0x780, s6;
	[sflag:s2] =	ssyncadd.s32 $0xFFFFFEC0  }
0x18: {  	[tilespmem:s28], [sflag:$0x1] =	stream.linear.gather [hbm4b:s26+s5], $0x140, $0x38;
	[tilespmem:$0x1780] =	vst v63  }
0x19: {  	_ =	swait.ge [sflag:s2], $0x140  }
0x1a: {  	[sflag:s2] =	ssyncset.done $0x0  }
0x1b: {  	s30 =	simm.s32 $0x500;
	s29 =	sadd.s32 $0xA00, s6;
	[sflag:s2] =	ssyncadd.s32 $0xFFFFFEC0  }
0x1c: {  	[tilespmem:s30], [sflag:$0x1] =	stream.linear.gather [hbm4b:s29+s5], $0x140, $0x38;
	[tilespmem:$0x1780] =	vst v63  }
0x1d: {  	_ =	swait.ge [sflag:s2], $0x140  }
0x1e: {  	[sflag:s2] =	ssyncset.done $0x0  }
0x1f: {  	s31 =	simm.s32 $0x640;
	s6 =	sadd.s32 $0xC80, s6;
	[sflag:s2] =	ssyncadd.s32 $0xFFFFFEC0  }
0x20: {  	[tilespmem:s31], [sflag:$0x1] =	stream.linear.gather [hbm4b:s6+s5], $0x140, $0x38;
	[tilespmem:$0x1780] =	vst v63  }
0x21: {  	_ =	swait.ge [sflag:s2], $0x140  }
0x22: {  	[sflag:s2] =	ssyncset.done $0x0  }
0x23: {  	v0 =	vimm.f32 $0.0e+00;
	[sflag:s2] =	ssyncadd.s32 $0xFFFFFEC0  }
0x24: {  	[tilespmem:$0x780] =	vst v0  }
0x25: {  	[tilespmem:$0x790] =	vst v0  }
0x26: {  	[tilespmem:$0x7A0] =	vst v0  }
.Ltmp1:
0x27: {  	[tilespmem:$0x7B0] =	vst v0;
	(pc) =	sbr.rel @p0 .LBB2_3-.Ltmp1, $4  }
0x28: {  	[tilespmem:$0x7C0] =	vst v0  }
0x29: {  	[tilespmem:$0x7D0] =	vst v0  }
0x2a: {  	[tilespmem:$0x7E0] =	vst v0  }
0x2b: {  	s5 =	sshll.u32 s3, $0x9;
	[tilespmem:$0x7F0] =	vst v0  }
0x2c: {  	[tilespmem:$0x1100] =	vst v0  }
0x2d: {  	[tilespmem:$0x1110] =	vst v0  }
0x2e: {  	[tilespmem:$0x1120] =	vst v0  }
0x2f: {  	[tilespmem:$0x1130] =	vst v0  }
0x30: {  	[tilespmem:$0x1140] =	vst v0  }
0x31: {  	[tilespmem:$0x1150] =	vst v0  }
0x32: {  	[tilespmem:$0x1160] =	vst v0  }
0x33: {  	[tilespmem:$0x1170] =	vst v0  }
0x34: {  	[tilespmem:$0x1180] =	vst v0  }
0x35: {  	[tilespmem:$0x1190] =	vst v0  }
0x36: {  	[tilespmem:$0x11A0] =	vst v0  }
0x37: {  	[tilespmem:$0x11B0] =	vst v0  }
0x38: {  	[tilespmem:$0x11C0] =	vst v0  }
0x39: {  	[tilespmem:$0x11D0] =	vst v0  }
0x3a: {  	[tilespmem:$0x11E0] =	vst v0  }
0x3b: {  	[tilespmem:$0x11F0] =	vst v0  }
0x3c: {  	[tilespmem:$0x1200] =	vst v0  }
0x3d: {  	[tilespmem:$0x1210] =	vst v0  }
0x3e: {  	[tilespmem:$0x1220] =	vst v0  }
0x3f: {  	[tilespmem:$0x1230] =	vst v0  }
0x40: {  	[tilespmem:$0x1240] =	vst v0  }
0x41: {  	[tilespmem:$0x1250] =	vst v0  }
0x42: {  	[tilespmem:$0x1260] =	vst v0  }
0x43: {  	[tilespmem:$0x1270] =	vst v0  }
0x44: {  	[tilespmem:$0x1280] =	vst v0  }
0x45: {  	[tilespmem:$0x1290] =	vst v0  }
0x46: {  	[tilespmem:$0x12A0] =	vst v0  }
0x47: {  	[tilespmem:$0x12B0] =	vst v0  }
0x48: {  	[tilespmem:$0x12C0] =	vst v0  }
0x49: {  	[tilespmem:$0x12D0] =	vst v0  }
0x4a: {  	[tilespmem:$0x12E0] =	vst v0  }
0x4b: {  	[tilespmem:$0x12F0] =	vst v0  }
0x4c: {  	[tilespmem:$0x1300] =	vst v0  }
0x4d: {  	[tilespmem:$0x1310] =	vst v0  }
0x4e: {  	[tilespmem:$0x1320] =	vst v0  }
0x4f: {  	[tilespmem:$0x1330] =	vst v0  }
0x50: {  	[tilespmem:$0x1340] =	vst v0  }
0x51: {  	[tilespmem:$0x1350] =	vst v0  }
0x52: {  	[tilespmem:$0x1360] =	vst v0  }
0x53: {  	[tilespmem:$0x1370] =	vst v0  }
0x54: {  	[tilespmem:$0x1380] =	vst v0  }
0x55: {  	[tilespmem:$0x1390] =	vst v0  }
0x56: {  	[tilespmem:$0x13A0] =	vst v0  }
0x57: {  	[tilespmem:$0x13B0] =	vst v0  }
0x58: {  	[tilespmem:$0x13C0] =	vst v0  }
0x59: {  	[tilespmem:$0x13D0] =	vst v0  }
0x5a: {  	[tilespmem:$0x13E0] =	vst v0  }
0x5b: {  	[tilespmem:$0x13F0] =	vst v0  }
0x5c: {  	[tilespmem:$0x1400] =	vst v0  }
0x5d: {  	[tilespmem:$0x1410] =	vst v0  }
0x5e: {  	[tilespmem:$0x1420] =	vst v0  }
0x5f: {  	[tilespmem:$0x1430] =	vst v0  }
0x60: {  	[tilespmem:$0x1440] =	vst v0  }
0x61: {  	[tilespmem:$0x1450] =	vst v0  }
0x62: {  	[tilespmem:$0x1460] =	vst v0  }
0x63: {  	[tilespmem:$0x1470] =	vst v0  }
0x64: {  	[tilespmem:$0x1480] =	vst v0  }
0x65: {  	[tilespmem:$0x1490] =	vst v0  }
0x66: {  	[tilespmem:$0x14A0] =	vst v0  }
0x67: {  	[tilespmem:$0x14B0] =	vst v0  }
0x68: {  	[tilespmem:$0x14C0] =	vst v0  }
0x69: {  	[tilespmem:$0x14D0] =	vst v0  }
0x6a: {  	[tilespmem:$0x14E0] =	vst v0  }
0x6b: {  	[tilespmem:$0x14F0] =	vst v0  }
0x6c: {  	[tilespmem:$0x1500] =	vst v0  }
0x6d: {  	[tilespmem:$0x1510] =	vst v0  }
0x6e: {  	[tilespmem:$0x1520] =	vst v0  }
0x6f: {  	[tilespmem:$0x1530] =	vst v0  }
0x70: {  	[tilespmem:$0x1540] =	vst v0  }
0x71: {  	[tilespmem:$0x1550] =	vst v0  }
0x72: {  	[tilespmem:$0x1560] =	vst v0  }
0x73: {  	[tilespmem:$0x1570] =	vst v0  }
0x74: {  	[tilespmem:$0x1580] =	vst v0  }
0x75: {  	[tilespmem:$0x1590] =	vst v0  }
0x76: {  	[tilespmem:$0x15A0] =	vst v0  }
0x77: {  	[tilespmem:$0x15B0] =	vst v0  }
0x78: {  	[tilespmem:$0x15C0] =	vst v0  }
0x79: {  	[tilespmem:$0x15D0] =	vst v0  }
0x7a: {  	[tilespmem:$0x15E0] =	vst v0  }
0x7b: {  	[tilespmem:$0x15F0] =	vst v0  }
0x7c: {  	[tilespmem:$0x1600] =	vst v0  }
0x7d: {  	[tilespmem:$0x1610] =	vst v0  }
0x7e: {  	[tilespmem:$0x1620] =	vst v0  }
0x7f: {  	[tilespmem:$0x1630] =	vst v0  }
0x80: {  	[tilespmem:$0x1640] =	vst v0  }
0x81: {  	[tilespmem:$0x1650] =	vst v0  }
0x82: {  	[tilespmem:$0x1660] =	vst v0  }
0x83: {  	[tilespmem:$0x1670] =	vst v0  }
0x84: {  	[tilespmem:$0x1680] =	vst v0  }
0x85: {  	[tilespmem:$0x1690] =	vst v0  }
0x86: {  	[tilespmem:$0x16A0] =	vst v0  }
0x87: {  	[tilespmem:$0x16B0] =	vst v0  }
0x88: {  	[tilespmem:$0x16C0] =	vst v0  }
0x89: {  	[tilespmem:$0x16D0] =	vst v0  }
0x8a: {  	[tilespmem:$0x16E0] =	vst v0  }
0x8b: {  	[tilespmem:$0x16F0] =	vst v0  }
0x8c: {  	[tilespmem:$0x1700] =	vst v0  }
0x8d: {  	[tilespmem:$0x1710] =	vst v0  }
0x8e: {  	[tilespmem:$0x1720] =	vst v0  }
0x8f: {  	[tilespmem:$0x1730] =	vst v0  }
.LBB2_3:
0x90: {  	v0 =	vld [tilespmem:$0x640];
	_ =	sdelay $0x1  }
0x91: {  	v1 =	vld [tilespmem:$0x650];
	_ =	sdelay $0x1  }
0x92: {  	v2 =	vld [tilespmem:$0x660]  }
0x93: {  	vm11 =	vgt.f32 v0, $-1.000000020e+30  }
0x94: {  	v3 =	vld [tilespmem:$0x670];
	v4 =	vnsel vm11, $0xF149F2CA, v0  }
0x95: {  	vm12 =	vgt.f32 v1, v4  }
0x96: {  	v5 =	vsel vm12, v1, v4;
	v4 =	vld [tilespmem:$0x680]  }
0x97: {  	vm8 =	vgt.f32 v2, v5  }
0x98: {  	v6 =	vsel vm8, v2, v5;
	v5 =	vld [tilespmem:$0x690]  }
0x99: {  	vm9 =	vgt.f32 v3, v6  }
0x9a: {  	v7 =	vsel vm9, v3, v6;
	v6 =	vld [tilespmem:$0x6A0]  }
0x9b: {  	vm0 =	vgt.f32 v4, v7  }
0x9c: {  	v8 =	vsel vm0, v4, v7;
	v7 =	vld [tilespmem:$0x6B0]  }
0x9d: {  	vm1 =	vgt.f32 v5, v8  }
0x9e: {  	v9 =	vsel vm1, v5, v8;
	v8 =	vld [tilespmem:$0x6C0]  }
0x9f: {  	vm2 =	vgt.f32 v6, v9  }
0xa0: {  	v10 =	vsel vm2, v6, v9;
	v9 =	vld [tilespmem:$0x6D0]  }
0xa1: {  	vm3 =	vgt.f32 v7, v10  }
0xa2: {  	v11 =	vsel vm3, v7, v10;
	v10 =	vld [tilespmem:$0x6E0]  }
0xa3: {  	vm4 =	vgt.f32 v8, v11  }
0xa4: {  	v12 =	vsel vm4, v8, v11;
	v11 =	vld [tilespmem:$0x6F0]  }
0xa5: {  	vm5 =	vgt.f32 v9, v12  }
0xa6: {  	v13 =	vsel vm5, v9, v12;
	v12 =	vld [tilespmem:$0x700]  }
0xa7: {  	vm6 =	vgt.f32 v10, v13  }
0xa8: {  	v14 =	vsel vm6, v10, v13;
	v13 =	vld [tilespmem:$0x710]  }
0xa9: {  	vm7 =	vgt.f32 v11, v14  }
0xaa: {  	v15 =	vsel vm7, v11, v14;
	v14 =	vld [tilespmem:$0x720]  }
0xab: {  	vm10 =	vgt.f32 v12, v15  }
0xac: {  	v16 =	vsel vm10, v12, v15;
	v15 =	vld [tilespmem:$0x730]  }
0xad: {  	vm13 =	vgt.f32 v13, v16  }
0xae: {  	v17 =	vsel vm13, v13, v16;
	v16 =	vld [tilespmem:$0x740]  }
0xaf: {  	v41 =	vlaneseq.u32;
	vm14 =	vgt.f32 v14, v17  }
0xb0: {  	v18 =	vor.u32 $0x80000000, v41;
	v20 =	vsel vm14, v14, v17;
	v17 =	vld [tilespmem:$0x750]  }
0xb1: {  	v19 =	vor.u32 $0x80000010, v41;
	v21 =	vnsel vm11, $0x80000000, v18;
	vm11 =	vgt.f32 v15, v20  }
0xb2: {  	[tilespmem:$0x1FFD0] =	vst v19;
	v22 =	vsel vm12, v19, v21;
	v19 =	vor.u32 $0x80000020, v41;
	v23 =	vsel vm11, v15, v20;
	v20 =	vld [tilespmem:$0x760]  }
0xb3: {  	v24 =	vsel vm8, v19, v22;
	v22 =	vor.u32 $0x80000030, v41;
	vm8 =	vgt.f32 v16, v23  }
0xb4: {  	v25 =	vsel vm9, v22, v24;
	v24 =	vor.u32 $0x80000040, v41;
	v26 =	vsel vm8, v16, v23;
	v23 =	vld [tilespmem:$0x770]  }
0xb5: {  	v27 =	vsel vm0, v24, v25;
	v25 =	vor.u32 $0x80000050, v41;
	vm12 =	vgt.f32 v17, v26  }
0xb6: {  	v27 =	vsel vm1, v25, v27;
	v28 =	vsel vm12, v17, v26;
	v26 =	vor.u32 $0x80000060, v41  }
0xb7: {  	v29 =	vsel vm2, v26, v27;
	vm15 =	vgt.f32 v20, v28;
	v27 =	vor.u32 $0x80000070, v41  }
0xb8: {  	v29 =	vsel vm3, v27, v29;
	v30 =	vsel vm15, v20, v28;
	v28 =	vor.u32 $0x80000080, v41  }
0xb9: {  	v31 =	vsel vm4, v28, v29;
	vm4 =	vgt.f32 v23, v30;
	v29 =	vor.u32 $0x80000090, v41  }
0xba: {  	v31 =	vsel vm5, v29, v31;
	v40 =	vsel vm4, v23, v30;
	v30 =	vor.u32 $0x800000A0, v41  }
0xbb: {  	v32 =	vsel vm6, v30, v31;
	(xrf0) =	vmax.scan.msk.f32 $0xffff, v40;
	v31 =	vor.u32 $0x800000B0, v41  }
0xbc: {  	v33 =	vsel vm7, v31, v32;
	v32 =	vor.u32 $0x800000C0, v41  }
0xbd: {  	v34 =	vsel vm10, v32, v33;
	v33 =	vor.u32 $0x800000D0, v41  }
0xbe: {  	v35 =	vsel vm13, v33, v34;
	v34 =	vor.u32 $0x800000E0, v41  }
0xbf: {  	v36 =	vsel vm14, v34, v35;
	v35 =	vor.u32 $0x800000F0, v41  }
0xc0: {  	v37 =	vsel vm11, v35, v36;
	v36 =	vor.u32 $0x80000100, v41  }
0xc1: {  	v38 =	vsel vm8, v36, v37;
	v39, _, _ =	vpop (xrf0);
	v37 =	vor.u32 $0x80000110, v41  }
0xc2: {  	v42 =	vbroadcast v39, $0xF;
	v60 =	vsel vm12, v37, v38;
	v38 =	vor.u32 $0x80000120, v41  }
0xc3: {  	v39 =	vor.u32 $0x80000130, v41;
	v43 =	vsel vm15, v38, v60  }
0xc4: {  	vm7 =	veq.f32 v40, v42;
	v61 =	vsel vm4, v39, v43  }
0xc5: {  	v40 =	vnsel vm7, $0xC0000000, v61  }
0xc6: {  	(xrf0) =	vmin.scan.msk.u32 $0xffff, v40;
	_ =	sdelay $0x5  }
0xc7: {  	v40, _, _ =	vpop (xrf0)  }
0xc8: {  	(v2sf) =	vpush v40, $0xF;
	_ =	sdelay $0xb  }
0xc9: {  	v62 =	vimm.s32 $0x500;
	vm8 =	vcmask $0x300  }
0xca: {  	vm9 =	vcmask $0x704;
	v40 =	vsel vm8, $0x0, v62  }
0xcb: {  	vm10 =	vcmask $0xB08;
	v40 =	vsel vm9, $0x140, v40  }
0xcc: {  	vm11 =	vcmask $0xF0C;
	v40 =	vsel vm10, $0x280, v40;
	s3 =	spop (v2sf)  }
0xcd: {  	v40 =	vsel vm11, $0x3C0, v40;
	s6 =	sxor.u32 $0x80000000, s3  }
0xce: {  	v63 =	vadd.s32 s6, v40;
	_ =	sdelay $0x3  }
0xcf: {  	s3 =	simm.s32 $0x0  }
0xd0: {  	v43 =	vld.idx.msk [tilespmem:v63+s3+$0x0], $0xffff  }
0xd1: {  	v44 =	vimm.s32 $0x3020100  }
0xd2: {  	v44 =	vunpack.c.0.s8.s32 v44;
	s6 =	sadd.s32 s1, s6  }
0xd3: {  	s5 =	sshrl.u32 s5, $0x2;
	v46 =	vmul.u32 $0x80, v41;
	[tilespmem:$0x1FFE0] =	vst v19;
	v19 =	vimm.s32 $0x0;
	vm13 =	veq.s32 v41, $0x6;
	s6 =	scvt.s32.f32 s6  }
0xd4: {  	s4 =	sadd.s32 $0x2400, s4;
	s30 =	simm.s32 $0x780;
	[dreg:$0x4] =	wrdreg s5;
	v19 =	vsel vm13, $0xFFFFFFFF, v19;
	vm12 =	veq.s32 v41, $0x6;
	vm15 =	vcmask $0xF00  }
0xd5: {  	s31 =	simm.f32 $1.000000000e+00;
	s7 =	simm.s32 $0x0;
	[dreg:$0x5] =	wrdreg s30;
	vm14 =	vcmask $0x1714;
	v41 =	vnsel vm15, $0x4, v44;
	v43 =	vsel vm12, s6, v43  }
0xd6: {  	s5 =	simm.s32 $0x900;
	[dreg:$0x6] =	wrdreg s31;
	[tilespmem:$0x1FFF0] =	vst v19;
	s6 =	simm.s32 $0x0;
	v45 =	vsel vm14, v42, v43;
	v42 =	vor.u32 $0x5, v46;
	v43 =	vor.u32 $0x6, v46  }
.LBB2_4:
0xd7: {  	s8 =	rddreg [dreg:$0x3];
	s10 =	sand.u32 $0x800, s6  }
0xd8: {  	s9 =	rddreg [dreg:$0x4];
	s8 =	sadd.s32 s10, s8  }
0xd9: {  	s11 =	rddreg [dreg:$0x5];
	[tilespmem:$0x780] =	vst v45;
	s9 =	sadd.s32 s9, s8  }
0xda: {  	[spmem:s9] =	stream.linear.scatter [tilespmem:s11], [sflag:$0x1], $0x80, $0x38;
	[tilespmem:$0x1780] =	vst v63  }
0xdb: {  	_ =	swait.ge [sflag:s2], $0x80  }
0xdc: {  	[sflag:s2] =	ssyncset.done $0x0  }
0xdd: {  	[sflag:s2] =	ssyncadd.s32 $0xFFFFFF80  }
0xde: {  	[bflag:$0x0] =	sbarrier.arrive $0xFFFF  }
0xdf: {  	[tilespmem:s5], [sflag:$0x1] =	stream.linear.gather [spmem:s8], $0x800, $0x38;
	[tilespmem:$0x1780] =	vst v63  }
0xe0: {  	_ =	swait.ge [sflag:s2], $0x800  }
0xe1: {  	[sflag:s2] =	ssyncset.done $0x0  }
0xe2: {  	[sflag:s2] =	ssyncadd.s32 $0xFFFFF800  }
0xe3: {  	v46 =	vld.idx.msk [tilespmem:v42+s5+$0x0], $0xffff;
	_ =	sdelay $0x4  }
0xe4: {  	(xrf0) =	vmax.scan.msk.f32 $0xffff, v46;
	_ =	sdelay $0x4  }
0xe5: {  	v47 =	vld.idx.msk [tilespmem:v43+s5+$0x0], $0xffff  }
0xe6: {  	v48, _, _ =	vpop (xrf0)  }
0xe7: {  	v45 =	vbroadcast v48, $0xF;
	_ =	sdelay $0x1  }
0xe8: {  	vm0 =	veq.f32 v46, v45  }
0xe9: {  	v46 =	vnsel vm0, $0x4E6E6B28, v47  }
0xea: {  	(xrf0) =	vmin.scan.msk.f32 $0xffff, v46;
	_ =	sdelay $0x5  }
0xeb: {  	v46, _, _ =	vpop (xrf0)  }
0xec: {  	v46 =	vbroadcast v46, $0xF;
	_ =	sdelay $0x1  }
0xed: {  	vm1 =	veq.f32 v47, v46  }
0xee: {  	vm0 =	vmand vm0, vm1  }
0xef: {  	v58 =	vnsel vm0, $0x80000063, v18  }
0xf0: {  	(xrf0) =	vmin.scan.msk.u32 $0xffff, v58;
	_ =	sdelay $0x5  }
0xf1: {  	(v2sf) =	vpush v48, $0xF;
	v46, _, _ =	vpop (xrf0)  }
0xf2: {  	(v2sf) =	vpush v46, $0xF;
	_ =	sdelay $0xd  }
0xf3: {  	s8 =	spop (v2sf)  }
0xf4: {  	s28 =	spop (v2sf)  }
0xf5: {  	s9 =	sshll.u32 s28, $0x7  }
0xf6: {  	v59 =	vmov s9  }
0xf7: {  	v62 =	vld [tilespmem:$0x0];
	v60 =	vor.u32 $0x1, v59  }
0xf8: {  	v52 =	vld [tilespmem:$0x140];
	v61 =	vor.u32 $0x2, v59  }
0xf9: {  	v53 =	vld [tilespmem:$0x280];
	v51 =	vor.u32 $0x3, v59  }
0xfa: {  	v54 =	vld [tilespmem:$0x3C0]  }
0xfb: {  	v50 =	vld.idx.msk [tilespmem:v59+s5+$0x0], $0xffff  }
0xfc: {  	v49 =	vld.idx.msk [tilespmem:v60+s5+$0x0], $0xffff  }
0xfd: {  	v46 =	vor.u32 $0x4, v59;
	v47 =	vld.idx.msk [tilespmem:v61+s5+$0x0], $0xffff  }
0xfe: {  	v48 =	vld.idx.msk [tilespmem:v51+s5+$0x0], $0xffff  }
0xff: {  	v55 =	vld [tilespmem:$0x500]  }
0x100: {  	v56 =	vld [tilespmem:$0x10]  }
0x101: {  	v57 =	vld [tilespmem:$0x150]  }
0x102: {  	v46 =	vld.idx.msk [tilespmem:v46+s5+$0x0], $0xffff;
	v51 =	vmax.f32 v50, v62  }
0x103: {  	v44 =	vld [tilespmem:$0x20];
	v52 =	vmax.f32 v49, v52;
	v53 =	vmin.f32 v47, v53;
	v54 =	vmin.f32 v48, v54  }
0x104: {  	v51 =	vsub.f32 v53, v51;
	v52 =	vsub.f32 v54, v52;
	v53 =	vld [tilespmem:$0x290]  }
0x105: {  	v54 =	vld [tilespmem:$0x3D0]  }
0x106: {  	v58 =	vld [tilespmem:$0x510];
	v51 =	vmax.f32 v51, $0.0e+00;
	v52 =	vmax.f32 v52, $0.0e+00  }
0x107: {  	v60 =	vld [tilespmem:$0x2A0];
	v63 =	vadd.f32 v55, v46;
	v51 =	vmul.f32 v52, v51  }
0x108: {  	v59 =	vld [tilespmem:$0x160]  }
0x109: {  	v61 =	vld [tilespmem:$0x3E0];
	v56 =	vmax.f32 v50, v56;
	v52 =	vsub.f32 v63, v51;
	v53 =	vmin.f32 v47, v53  }
0x10a: {  	v57 =	vmax.f32 v49, v57;
	v54 =	vmin.f32 v48, v54;
	v53 =	vsub.f32 v53, v56  }
0x10b: {  	v54 =	vsub.f32 v54, v57;
	v52 =	vmax.f32 v52, $9.999999710e-10  }
0x10c: {  	v60 =	vmin.f32 v47, v60;
	(erf) = vrcp.f32 v52;
	v57 =	vmax.f32 v53, $0.0e+00  }
0x10d: {  	v63 =	vld [tilespmem:$0x520];
	v62 =	vmax.f32 v54, $0.0e+00;
	v53 =	vadd.f32 v58, v46;
	v54 =	vmax.f32 v50, v44  }
0x10e: {  	v44 =	vmax.f32 v49, v59;
	v52 =	vmul.f32 v62, v57;
	v62 =	vmin.f32 v48, v61  }
0x10f: {  	v54 =	vsub.f32 v60, v54;
	v56 =	vsub.f32 v62, v44  }
0x110: {  	v58 =	vld [tilespmem:$0x3F0];
	v53 =	vsub.f32 v53, v52  }
0x111: {  	p1 =	sgt.f32 s8, $-5.000000080e+29;
	v57 =	vld [tilespmem:$0x30];
	v54 =	vmax.f32 v54, $0.0e+00;
	v56 =	vmax.f32 v56, $0.0e+00  }
0x112: {  	s10 =	rddreg [dreg:$0x6];
	v55 =	vadd.f32 v63, v46;
	v53 =	vmax.f32 v53, $9.999999710e-10;
	v54 =	vmul.f32 v56, v54;
	v56 =	vld [tilespmem:$0x170]  }
0x113: {  	s10 =	simm.s32 @!p1 $0x0;
	(erf) = vrcp.f32 v53;
	v53 =	vld [tilespmem:$0x2B0]  }
0x114: {  	v63 =	vmov s10;
	v55 =	vsub.f32 v55, v54  }
0x115: {  	v19 =	vimm.s32 $0x0;
	vm7 =	vgt.f32 v63, $5.000000000e-01  }
0x116: {  	v59 =	vsel vm7, $0x1, v19;
	v58 =	vmin.f32 v48, v58;
	v55 =	vmax.f32 v55, $9.999999710e-10;
	v44 =	vpop (erf)  }
0x117: {  	v57 =	vmax.f32 v50, v57;
	(erf) = vrcp.f32 v55;
	v51 =	vmul.f32 v44, v51;
	v44 =	vld [tilespmem:$0x530]  }
0x118: {  	v55 =	vbroadcast v59, $0x0;
	v56 =	vmax.f32 v49, v56;
	v59 =	vld [tilespmem:$0x50];
	v53 =	vmin.f32 v47, v53  }
0x119: {  	v60 =	vld [tilespmem:$0x40];
	v56 =	vsub.f32 v58, v56;
	v53 =	vsub.f32 v53, v57  }
0x11a: {  	v58 =	vld [tilespmem:$0x400];
	v55 =	vand.u32 $0x1, v55;
	vm8 =	vgt.f32 v51, $1.000000010e-01  }
0x11b: {  	v57 =	vld [tilespmem:$0x180];
	vm2 =	veq.s32 v55, $0x1;
	v56 =	vmax.f32 v56, $0.0e+00;
	v53 =	vmax.f32 v53, $0.0e+00  }
0x11c: {  	v51 =	vld [tilespmem:$0x2C0];
	vm0 =	vmand vm2, vm8;
	v53 =	vmul.f32 v56, v53;
	v63 =	vadd.f32 v44, v46  }
0x11d: {  	v19 =	vimm.s32 $0x0;
	v55 =	vld [tilespmem:$0x190];
	v62 =	vpop (erf);
	v0 =	vsel vm0, $0xF149F2CA, v0;
	v59 =	vmax.f32 v50, v59  }
0x11e: {  	v56 =	vld [tilespmem:$0x540];
	v52 =	vmul.f32 v62, v52;
	vm9 =	vgt.f32 v0, $-1.000000020e+30;
	v44 =	vsub.f32 v63, v53  }
0x11f: {  	v58 =	vmin.f32 v48, v58;
	v19 =	vsel vm9, $0xFFFFFFFF, v19;
	v61 =	vnsel vm9, $0xF149F2CA, v0;
	v63 =	vld [tilespmem:$0x2D0]  }
0x120: {  	vm10 =	vgt.f32 v52, $1.000000010e-01;
	v62 =	vpop (erf);
	v52 =	vmax.f32 v44, $9.999999710e-10;
	v44 =	vmax.f32 v50, v60;
	v60 =	vld [tilespmem:$0x60]  }
0x121: {  	v51 =	vmin.f32 v47, v51;
	vm0 =	vmand vm2, vm10;
	v54 =	vmul.f32 v62, v54;
	v62 =	vld [tilespmem:$0x410]  }
0x122: {  	v57 =	vmax.f32 v49, v57;
	v1 =	vsel vm0, $0xF149F2CA, v1;
	(erf) = vrcp.f32 v52;
	v52 =	vld [tilespmem:$0x1A0]  }
0x123: {  	v51 =	vsub.f32 v51, v44;
	v44 =	vsub.f32 v58, v57;
	v57 =	vld [tilespmem:$0x2E0];
	vm1 =	vgt.f32 v1, v61  }
0x124: {  	[tilespmem:$0x1FFB0] =	vst v19;
	v19 =	vimm.s32 $0x0;
	vm11 =	vgt.f32 v54, $1.000000010e-01;
	v58 =	vsel vm1, v1, v61;
	v61 =	vld [tilespmem:$0x420]  }
0x125: {  	v51 =	vmax.f32 v51, $0.0e+00;
	v54 =	vmax.f32 v44, $0.0e+00;
	v63 =	vmin.f32 v47, v63;
	v44 =	vld [tilespmem:$0x550]  }
0x126: {  	v55 =	vmax.f32 v49, v55;
	v51 =	vmul.f32 v54, v51;
	v54 =	vsub.f32 v63, v59;
	v59 =	vld [tilespmem:$0x560]  }
0x127: {  	v56 =	vadd.f32 v56, v46;
	v19 =	vsel vm1, $0xFFFFFFFF, v19;
	v63 =	vld [tilespmem:$0x70];
	v62 =	vmin.f32 v48, v62  }
0x128: {  	[tilespmem:$0x1FFC0] =	vst v19;
	v19 =	vld [tilespmem:$0x2F0];
	v60 =	vmax.f32 v50, v60;
	v57 =	vmin.f32 v47, v57;
	v55 =	vsub.f32 v62, v55  }
0x129: {  	v52 =	vmax.f32 v49, v52;
	v62 =	vld [tilespmem:$0x1B0];
	v57 =	vsub.f32 v57, v60;
	v61 =	vmin.f32 v48, v61  }
0x12a: {  	v54 =	vmax.f32 v54, $0.0e+00;
	v60 =	vld [tilespmem:$0x430];
	v55 =	vmax.f32 v55, $0.0e+00;
	v52 =	vsub.f32 v61, v52  }
0x12b: {  	v44 =	vadd.f32 v44, v46;
	v61 =	vmax.f32 v57, $0.0e+00;
	v57 =	vld [tilespmem:$0x80];
	v21 =	vpop (erf);
	v54 =	vmul.f32 v55, v54  }
0x12c: {  	v55 =	vld [tilespmem:$0x570];
	v21 =	vmul.f32 v21, v53;
	v53 =	vsub.f32 v56, v51;
	v52 =	vmax.f32 v52, $0.0e+00  }
0x12d: {  	v19 =	vmin.f32 v47, v19;
	v52 =	vmul.f32 v52, v61;
	v61 =	vadd.f32 v59, v46;
	v59 =	vld [tilespmem:$0x1C0]  }
0x12e: {  	v44 =	vsub.f32 v44, v54;
	vm12 =	vgt.f32 v21, $1.000000010e-01;
	v21 =	vmax.f32 v53, $9.999999710e-10;
	v53 =	vld [tilespmem:$0x300]  }
0x12f: {  	v62 =	vmax.f32 v49, v62;
	v56 =	vsub.f32 v61, v52;
	v61 =	vmax.f32 v50, v63;
	v63 =	vld [tilespmem:$0x440]  }
0x130: {  	v60 =	vmin.f32 v48, v60;
	(erf) = vrcp.f32 v21;
	v21 =	vmax.f32 v44, $9.999999710e-10  }
0x131: {  	v44 =	vsub.f32 v60, v62;
	v60 =	vld [tilespmem:$0x90];
	v57 =	vmax.f32 v50, v57;
	v19 =	vsub.f32 v19, v61  }
0x132: {  	(erf) = vrcp.f32 v21;
	v55 =	vadd.f32 v55, v46;
	v21 =	vmax.f32 v56, $9.999999710e-10;
	v56 =	vld [tilespmem:$0x1D0]  }
0x133: {  	v61 =	vld [tilespmem:$0x310];
	v44 =	vmax.f32 v44, $0.0e+00;
	v19 =	vmax.f32 v19, $0.0e+00;
	v59 =	vmax.f32 v49, v59  }
0x134: {  	v53 =	vmin.f32 v47, v53;
	v19 =	vmul.f32 v44, v19;
	v62 =	vmin.f32 v48, v63;
	v63 =	vld [tilespmem:$0x450]  }
0x135: {  	(erf) = vrcp.f32 v21;
	v21 =	vld [tilespmem:$0xA0];
	v53 =	vsub.f32 v53, v57;
	v62 =	vsub.f32 v62, v59  }
0x136: {  	v44 =	vld [tilespmem:$0x580];
	v55 =	vsub.f32 v55, v19  }
0x137: {  	v59 =	vld [tilespmem:$0x1E0];
	v53 =	vmax.f32 v53, $0.0e+00;
	v56 =	vmax.f32 v49, v56;
	v57 =	vmax.f32 v62, $0.0e+00  }
0x138: {  	v53 =	vmul.f32 v57, v53;
	v57 =	vmax.f32 v50, v60;
	v60 =	vmin.f32 v47, v61;
	v61 =	vld [tilespmem:$0x320]  }
0x139: {  	v55 =	vmax.f32 v55, $9.999999710e-10;
	v62 =	vmin.f32 v48, v63;
	v57 =	vsub.f32 v60, v57;
	v60 =	vld [tilespmem:$0x460]  }
0x13a: {  	v63 =	vpop (erf);
	(erf) = vrcp.f32 v55;
	v55 =	vld [tilespmem:$0xB0];
	v56 =	vsub.f32 v62, v56  }
0x13b: {  	v21 =	vmax.f32 v50, v21;
	v44 =	vadd.f32 v44, v46;
	v62 =	vld [tilespmem:$0x590]  }
0x13c: {  	v51 =	vmul.f32 v63, v51;
	v63 =	vld [tilespmem:$0x1F0];
	v57 =	vmax.f32 v57, $0.0e+00;
	v56 =	vmax.f32 v56, $0.0e+00  }
0x13d: {  	v44 =	vsub.f32 v44, v53;
	v56 =	vmul.f32 v56, v57;
	v57 =	vmin.f32 v47, v61;
	v61 =	vld [tilespmem:$0x330]  }
0x13e: {  	v59 =	vmax.f32 v49, v59;
	v60 =	vmin.f32 v48, v60;
	v21 =	vsub.f32 v57, v21;
	v57 =	vld [tilespmem:$0x470]  }
0x13f: {  	v59 =	vsub.f32 v60, v59;
	v60 =	vld [tilespmem:$0x5A0]  }
0x140: {  	v44 =	vmax.f32 v44, $9.999999710e-10;
	v62 =	vadd.f32 v62, v46  }
0x141: {  	vm13 =	vgt.f32 v51, $1.000000010e-01;
	(erf) = vrcp.f32 v44;
	v51 =	vmax.f32 v50, v55  }
0x142: {  	v21 =	vmax.f32 v21, $0.0e+00;
	v44 =	vsub.f32 v62, v56;
	v62 =	vmax.f32 v59, $0.0e+00;
	v59 =	vld [tilespmem:$0x5B0]  }
0x143: {  	v21 =	vmul.f32 v62, v21;
	v55 =	vmin.f32 v47, v61;
	v61 =	vld [tilespmem:$0xC0];
	v62 =	vmax.f32 v49, v63  }
0x144: {  	v57 =	vmin.f32 v48, v57;
	v51 =	vsub.f32 v55, v51;
	v55 =	vld [tilespmem:$0x200];
	v60 =	vadd.f32 v60, v46  }
0x145: {  	v44 =	vmax.f32 v44, $9.999999710e-10;
	v57 =	vsub.f32 v57, v62;
	v62 =	vld [tilespmem:$0x340]  }
0x146: {  	(erf) = vrcp.f32 v44;
	v44 =	vld [tilespmem:$0x480];
	v60 =	vsub.f32 v60, v21  }
0x147: {  	v51 =	vmax.f32 v51, $0.0e+00;
	v57 =	vmax.f32 v57, $0.0e+00  }
0x148: {  	v63 =	vpop (erf);
	v59 =	vadd.f32 v59, v46;
	v51 =	vmul.f32 v57, v51;
	v60 =	vmax.f32 v60, $9.999999710e-10  }
0x149: {  	v54 =	vmul.f32 v63, v54;
	(erf) = vrcp.f32 v60  }
0x14a: {  	v57 =	vsub.f32 v59, v51;
	v59 =	vmax.f32 v50, v61;
	v60 =	vld [tilespmem:$0x5C0];
	v61 =	vmin.f32 v47, v62  }
0x14b: {  	vm0 =	vmand vm2, vm11;
	v55 =	vmax.f32 v49, v55;
	v44 =	vmin.f32 v48, v44  }
0x14c: {  	v62 =	vld [tilespmem:$0x350];
	v59 =	vsub.f32 v61, v59;
	v44 =	vsub.f32 v44, v55;
	v57 =	vmax.f32 v57, $9.999999710e-10  }
0x14d: {  	v2 =	vsel vm0, $0xF149F2CA, v2;
	v55 =	vld [tilespmem:$0xD0];
	v61 =	vpop (erf);
	(erf) = vrcp.f32 v57  }
0x14e: {  	vm14 =	vgt.f32 v54, $1.000000010e-01;
	v57 =	vld [tilespmem:$0x210];
	v59 =	vmax.f32 v59, $0.0e+00;
	v44 =	vmax.f32 v44, $0.0e+00;
	v54 =	vpop (erf)  }
0x14f: {  	v52 =	vmul.f32 v61, v52;
	v44 =	vmul.f32 v44, v59;
	v61 =	vpop (erf);
	v59 =	vadd.f32 v60, v46;
	v60 =	vld [tilespmem:$0x490]  }
0x150: {  	vm5 =	vgt.f32 v2, v58;
	v19 =	vmul.f32 v54, v19;
	v53 =	vmul.f32 v61, v53;
	v61 =	vld [tilespmem:$0x5D0]  }
0x151: {  	v58 =	vsel vm5, v2, v58;
	vm0 =	vmand vm2, vm12;
	v54 =	vpop (erf);
	v63 =	vsub.f32 v59, v44;
	v59 =	vld [tilespmem:$0xE0]  }
0x152: {  	v3 =	vsel vm0, $0xF149F2CA, v3;
	v54 =	vmul.f32 v54, v56;
	vm4 =	vgt.f32 v19, $1.000000010e-01;
	v19 =	vld [tilespmem:$0x220]  }
0x153: {  	vm15 =	vgt.f32 v52, $1.000000010e-01;
	v56 =	vmin.f32 v47, v62;
	v62 =	vld [tilespmem:$0x370];
	v52 =	vpop (erf);
	v63 =	vmax.f32 v63, $9.999999710e-10  }
0x154: {  	vm11 =	vgt.f32 v53, $1.000000010e-01;
	v53 =	vld [tilespmem:$0x4A0];
	vm10 =	vgt.f32 v54, $1.000000010e-01;
	v21 =	vmul.f32 v52, v21  }
0x155: {  	v54 =	vld [tilespmem:$0x360];
	v52 =	vmax.f32 v50, v55;
	v55 =	vmax.f32 v49, v57;
	v57 =	vmin.f32 v48, v60  }
0x156: {  	vm6 =	vgt.f32 v3, v58;
	(erf) = vrcp.f32 v63;
	v60 =	vld [tilespmem:$0xF0];
	v55 =	vsub.f32 v57, v55;
	v63 =	vpop (erf)  }
0x157: {  	vm0 =	vmand vm2, vm13;
	v52 =	vsub.f32 v56, v52;
	v57 =	vld [tilespmem:$0x230];
	v51 =	vmul.f32 v63, v51  }
0x158: {  	vm13 =	vgt.f32 v21, $1.000000010e-01;
	v19 =	vmax.f32 v49, v19;
	v63 =	vmax.f32 v55, $0.0e+00;
	v55 =	vld [tilespmem:$0x4B0]  }
0x159: {  	v21 =	vmax.f32 v52, $0.0e+00;
	v53 =	vmin.f32 v48, v53;
	vm12 =	vgt.f32 v51, $1.000000010e-01  }
0x15a: {  	v51 =	vmul.f32 v63, v21;
	v21 =	vadd.f32 v61, v46;
	v61 =	vmax.f32 v50, v59;
	v59 =	vld [tilespmem:$0x5E0]  }
0x15b: {  	v54 =	vmin.f32 v47, v54;
	v19 =	vsub.f32 v53, v19;
	v53 =	vmax.f32 v50, v60;
	v60 =	vld [tilespmem:$0x100]  }
0x15c: {  	v56 =	vmin.f32 v47, v62;
	v52 =	vsub.f32 v54, v61;
	v54 =	vld [tilespmem:$0x5F0];
	v57 =	vmax.f32 v49, v57  }
0x15d: {  	v53 =	vsub.f32 v56, v53;
	v56 =	vld [tilespmem:$0x240];
	v19 =	vmax.f32 v19, $0.0e+00;
	v55 =	vmin.f32 v48, v55  }
0x15e: {  	v21 =	vsub.f32 v21, v51;
	v52 =	vmax.f32 v52, $0.0e+00;
	v55 =	vsub.f32 v55, v57;
	v57 =	vld [tilespmem:$0x380]  }
0x15f: {  	v58 =	vsel vm6, v3, v58;
	v19 =	vmul.f32 v19, v52;
	v52 =	vld [tilespmem:$0x4C0]  }
0x160: {  	v4 =	vsel vm0, $0xF149F2CA, v4;
	v53 =	vmax.f32 v53, $0.0e+00;
	v61 =	vpop (erf);
	v21 =	vmax.f32 v21, $9.999999710e-10  }
0x161: {  	v44 =	vmul.f32 v61, v44;
	v59 =	vadd.f32 v59, v46;
	v55 =	vmax.f32 v55, $0.0e+00  }
0x162: {  	(erf) = vrcp.f32 v21;
	v54 =	vadd.f32 v54, v46;
	v53 =	vmul.f32 v55, v53  }
0x163: {  	v56 =	vmax.f32 v49, v56;
	v21 =	vsub.f32 v59, v19;
	v59 =	vmax.f32 v50, v60  }
0x164: {  	v54 =	vsub.f32 v54, v53;
	v57 =	vmin.f32 v47, v57;
	v52 =	vmin.f32 v48, v52  }
0x165: {  	v61 =	vld [tilespmem:$0x600];
	v21 =	vmax.f32 v21, $9.999999710e-10;
	v57 =	vsub.f32 v57, v59;
	v52 =	vsub.f32 v52, v56  }
0x166: {  	vm7 =	vgt.f32 v4, v58;
	v55 =	vld [tilespmem:$0x110];
	(erf) = vrcp.f32 v21;
	v21 =	vmax.f32 v54, $9.999999710e-10  }
0x167: {  	v54 =	vld [tilespmem:$0x260];
	(erf) = vrcp.f32 v21;
	v21 =	vmax.f32 v57, $0.0e+00;
	v52 =	vmax.f32 v52, $0.0e+00  }
0x168: {  	v58 =	vsel vm7, v4, v58;
	vm0 =	vmand vm2, vm14;
	v21 =	vmul.f32 v52, v21;
	v52 =	vld [tilespmem:$0x4E0]  }
0x169: {  	v5 =	vsel vm0, $0xF149F2CA, v5;
	vm0 =	vmand vm2, vm15;
	vm15 =	vgt.f32 v44, $1.000000010e-01;
	v44 =	vld [tilespmem:$0x250]  }
0x16a: {  	vm8 =	vgt.f32 v5, v58;
	v60 =	vld [tilespmem:$0x390]  }
0x16b: {  	v58 =	vsel vm8, v5, v58;
	v6 =	vsel vm0, $0xF149F2CA, v6;
	vm9 =	vmand vm2, vm4;
	v59 =	vld [tilespmem:$0x4D0]  }
0x16c: {  	v7 =	vsel vm9, $0xF149F2CA, v7;
	vm9 =	vgt.f32 v6, v58;
	v56 =	vld [tilespmem:$0x120]  }
0x16d: {  	vm4 =	vmand vm2, vm11;
	v57 =	vld [tilespmem:$0x3A0];
	v54 =	vmax.f32 v49, v54;
	v52 =	vmin.f32 v48, v52  }
0x16e: {  	v58 =	vsel vm9, v6, v58;
	vm10 =	vmand vm2, vm10;
	v52 =	vsub.f32 v52, v54;
	v54 =	vld [tilespmem:$0x270]  }
0x16f: {  	v8 =	vsel vm4, $0xF149F2CA, v8;
	vm11 =	vgt.f32 v7, v58;
	v9 =	vsel vm10, $0xF149F2CA, v9  }
0x170: {  	v61 =	vadd.f32 v61, v46;
	v55 =	vmax.f32 v50, v55;
	v60 =	vmin.f32 v47, v60  }
0x171: {  	v63 =	vld [tilespmem:$0x4F0];
	v44 =	vmax.f32 v49, v44;
	v55 =	vsub.f32 v60, v55;
	v59 =	vmin.f32 v48, v59  }
0x172: {  	v58 =	vsel vm11, v7, v58;
	v60 =	vsub.f32 v61, v21;
	v44 =	vsub.f32 v59, v44;
	v59 =	vld [tilespmem:$0x610]  }
0x173: {  	v56 =	vmax.f32 v50, v56;
	v57 =	vmin.f32 v47, v57;
	v49 =	vmax.f32 v49, v54;
	v54 =	vld [tilespmem:$0x620]  }
0x174: {  	vm14 =	vgt.f32 v8, v58;
	v60 =	vmax.f32 v60, $9.999999710e-10;
	v56 =	vsub.f32 v57, v56;
	v57 =	vld [tilespmem:$0x130]  }
0x175: {  	v55 =	vmax.f32 v55, $0.0e+00;
	v61 =	vsel vm14, v8, v58;
	(erf) = vrcp.f32 v60;
	v60 =	vld [tilespmem:$0x3B0]  }
0x176: {  	v44 =	vmax.f32 v44, $0.0e+00;
	v62 =	vmax.f32 v56, $0.0e+00;
	v52 =	vmax.f32 v52, $0.0e+00  }
0x177: {  	v44 =	vmul.f32 v44, v55;
	v52 =	vmul.f32 v52, v62;
	v62 =	vadd.f32 v59, v46  }
0x178: {  	vm10 =	vgt.f32 v9, v61;
	v54 =	vadd.f32 v54, v46  }
0x179: {  	v48 =	vmin.f32 v48, v63;
	v55 =	vsel vm10, v9, v61;
	v63 =	vsub.f32 v62, v44  }
0x17a: {  	v50 =	vmax.f32 v50, v57;
	v47 =	vmin.f32 v47, v60;
	v54 =	vsub.f32 v54, v52  }
0x17b: {  	v47 =	vsub.f32 v47, v50;
	v48 =	vsub.f32 v48, v49;
	v61 =	vmax.f32 v63, $9.999999710e-10  }
0x17c: {  	(erf) = vrcp.f32 v61  }
0x17d: {  	vm4 =	vmand vm2, vm13;
	v59 =	vld [tilespmem:$0x630];
	v47 =	vmax.f32 v47, $0.0e+00;
	v62 =	vpop (erf);
	v48 =	vmax.f32 v48, $0.0e+00  }
0x17e: {  	v10 =	vsel vm4, $0xF149F2CA, v10;
	v47 =	vmul.f32 v48, v47;
	v63 =	vmax.f32 v54, $9.999999710e-10;
	v54 =	vpop (erf)  }
0x17f: {  	vm12 =	vmand vm2, vm12;
	v48 =	vmul.f32 v62, v51;
	v19 =	vmul.f32 v54, v19  }
0x180: {  	v11 =	vsel vm12, $0xF149F2CA, v11;
	vm15 =	vmand vm2, vm15;
	vm13 =	vgt.f32 v10, v55  }
0x181: {  	v12 =	vsel vm15, $0xF149F2CA, v12;
	v60 =	vsel vm13, v10, v55;
	vm4 =	vgt.f32 v48, $1.000000010e-01;
	v55 =	vpop (erf)  }
0x182: {  	v46 =	vadd.f32 v59, v46;
	vm0 =	vmand vm2, vm4;
	v56 =	vmul.f32 v55, v53  }
0x183: {  	v13 =	vsel vm0, $0xF149F2CA, v13;
	(erf) = vrcp.f32 v63;
	vm4 =	vgt.f32 v19, $1.000000010e-01;
	v19 =	vpop (erf)  }
0x184: {  	vm0 =	vmand vm2, vm4;
	vm4 =	vgt.f32 v56, $1.000000010e-01;
	v19 =	vmul.f32 v19, v21  }
0x185: {  	vm12 =	vgt.f32 v11, v60;
	v46 =	vsub.f32 v46, v47;
	vm1 =	vmand vm2, vm4;
	v21 =	vpop (erf)  }
0x186: {  	v15 =	vsel vm1, $0xF149F2CA, v15;
	v21 =	vmul.f32 v21, v44;
	vm1 =	vgt.f32 v19, $1.000000010e-01;
	v19 =	vld [tilespmem:$0x1FFB0]  }
0x187: {  	v49 =	vsel vm12, v11, v60;
	v60 =	vld [tilespmem:$0x1FFC0];
	v46 =	vmax.f32 v46, $9.999999710e-10;
	vm1 =	vmand vm2, vm1  }
0x188: {  	(erf) = vrcp.f32 v46;
	v16 =	vsel vm1, $0xF149F2CA, v16;
	vm1 =	vgt.f32 v21, $1.000000010e-01;
	v21 =	vld [tilespmem:$0x1FFD0]  }
0x189: {  	vm15 =	vgt.f32 v12, v49  }
0x18a: {  	v49 =	vsel vm15, v12, v49  }
0x18b: {  	v61 =	vld [tilespmem:$0x1FFE0];
	vm4 =	vgt.f32 v13, v49;
	v14 =	vsel vm0, $0xF149F2CA, v14;
	vm3 =	vnez.u8 v19  }
0x18c: {  	v57 =	vsel vm4, v13, v49;
	v59 =	vpop (erf);
	v19 =	vnsel vm3, $0x80000000, v18;
	vm3 =	vnez.u8 v60  }
0x18d: {  	vm0 =	vgt.f32 v14, v57;
	v19 =	vsel vm3, v21, v19;
	v21 =	vmul.f32 v59, v52  }
0x18e: {  	v58 =	vsel vm0, v14, v57  }
0x18f: {  	vm1 =	vmand vm2, vm1;
	vm3 =	vgt.f32 v15, v58  }
0x190: {  	v17 =	vsel vm1, $0xF149F2CA, v17;
	v44 =	vsel vm3, v15, v58;
	v19 =	vsel vm5, v61, v19  }
0x191: {  	vm1 =	vgt.f32 v16, v44;
	v19 =	vsel vm6, v22, v19;
	vm5 =	vgt.f32 v21, $1.000000010e-01;
	v21 =	vpop (erf)  }
0x192: {  	v44 =	vsel vm1, v16, v44;
	vm5 =	vmand vm2, vm5;
	v21 =	vmul.f32 v21, v47  }
0x193: {  	v19 =	vsel vm7, v24, v19;
	v20 =	vsel vm5, $0xF149F2CA, v20;
	vm5 =	vgt.f32 v17, v44  }
0x194: {  	v19 =	vsel vm8, v25, v19;
	v44 =	vsel vm5, v17, v44;
	vm6 =	vgt.f32 v21, $1.000000010e-01  }
0x195: {  	v19 =	vsel vm9, v26, v19;
	vm9 =	vgt.f32 v20, v44;
	vm2 =	vmand vm2, vm6  }
0x196: {  	v19 =	vsel vm11, v27, v19;
	v21 =	vsel vm9, v20, v44;
	v23 =	vsel vm2, $0xF149F2CA, v23  }
0x197: {  	v19 =	vsel vm14, v28, v19;
	vm2 =	vgt.f32 v23, v21  }
0x198: {  	v19 =	vsel vm10, v29, v19;
	v21 =	vsel vm2, v23, v21  }
0x199: {  	v19 =	vsel vm13, v30, v19;
	(xrf0) =	vmax.scan.msk.f32 $0xffff, v21  }
0x19a: {  	v19 =	vsel vm12, v31, v19  }
0x19b: {  	v19 =	vsel vm15, v32, v19  }
0x19c: {  	v19 =	vsel vm4, v33, v19  }
0x19d: {  	v19 =	vsel vm0, v34, v19  }
0x19e: {  	v19 =	vsel vm3, v35, v19  }
0x19f: {  	v19 =	vsel vm1, v36, v19;
	v62, _, _ =	vpop (xrf0)  }
0x1a0: {  	v19 =	vsel vm5, v37, v19;
	v44 =	vbroadcast v62, $0xF  }
0x1a1: {  	v19 =	vsel vm9, v38, v19  }
0x1a2: {  	v19 =	vsel vm2, v39, v19;
	vm13 =	veq.f32 v21, v44  }
0x1a3: {  	v19 =	vnsel vm13, $0xC0000000, v19  }
0x1a4: {  	(xrf0) =	vmin.scan.msk.u32 $0xffff, v19;
	_ =	sdelay $0x5  }
0x1a5: {  	v19, _, _ =	vpop (xrf0)  }
0x1a6: {  	(v2sf) =	vpush v19, $0xF;
	_ =	sdelay $0xe  }
0x1a7: {  	s29 =	spop (v2sf)  }
0x1a8: {  	v19 =	vor.u32 s9, v41;
	s30 =	sxor.u32 $0x80000000, s29  }
0x1a9: {  	v21 =	vadd.s32 s30, v40;
	_ =	sdelay $0x2  }
0x1aa: {  	v63 =	vld [tilespmem:$0x1FFF0]  }
0x1ab: {  	v19 =	vld.idx.msk [tilespmem:v19+s5+$0x0], $0xffff  }
0x1ac: {  	s6 =	sadd.s32 $0x800, s6;
	p2 =	sgt.f32 @!p0 s8, $-5.000000080e+29;
	s10 =	simm.s32 $0x1;
	v21 =	vld.idx.msk [tilespmem:v21+s3+$0x0], $0xffff  }
0x1ad: {  	s10 =	simm.s32 @!p1 $0x0;
	p1 =	sne.s32 s6, $0x32000  }
.Ltmp2:
0x1ae: {  	p2 =	por !p2, p0;
	s31 =	sadd.s32 s1, s30;
	(pc) =	sbr.rel @p1 .LBB2_4-.Ltmp2, $4  }
0x1af: {  	vm0 =	vcmask @!p2 $0x3F14;
	s8 =	scvt.s32.f32 s31  }
0x1b0: {  	vm14 =	vnez.u8 v63;
	v45 =	vsel @!p2 vm0, $0x0, v45;
	vm0 =	vmmov @!p2 $0xf;
	s9 =	sshll.u32 @!p2 s7, $0x6  }
0x1b1: {  	vm15 =	vcmask $0x1714;
	v19 =	vsel @!p2 vm0, v19, v45;
	v21 =	vsel vm14, s8, v21;
	s8 =	sshra.s32 @!p2 s9, $0x2  }
0x1b2: {  	s7 =	sadd.s32 s10, s7;
	v45 =	vsel vm15, v44, v21;
	[tilespmem:s8+$0x1100] =	vst @!p2 v19  }
0x1b3: {  	s1 =	simm.s32 @!p0 $0x0;
	s2 =	simm.s32 @!p0 $0x1100  }
0x1b4: {  	[hbm4b:s4+s1] =	stream.linear.scatter @!p0 [tilespmem:s2], [sflag:$0x1], $0x680, $0x38;
	[tilespmem:$0x1780] =	vst v63  }
0x1b5: {  	s1 =	simm.s32 @!p0 $0x1  }
0x1b6: {  	_ =	swait.ge @!p0 [sflag:s1], $0x680  }
0x1b7: {  	[sflag:s1] =	ssyncset.done @!p0 $0x0  }
0x1b8: {  	[sflag:s1] =	ssyncadd.s32 @!p0 $0xFFFFF980  }
.LBB2_6:
0x1b9: {  	_ =	sfence.sel $0x180000  }
0x1ba: {  	[bflag:$0x0] =	sbarrier.arrive $0xFFFF  }
0x1bb: {  	_ =	strace $0x90000047  }
0x1bc: {  	s0 =	sadd.s32 @!p0 $0x100000, s0;
	[bflag:$0x2] =	sbarrier.arrive $0xFFFF  }
0x1bd: {  	[sflag:s0] =	ssyncadd.tile.s32 @!p0 $0x1;
	_ =	shalt  }
.Lfunc_end2:
_tile_overlayer_lowered:
.L_overlay_start_2:
0x1be: {  	(tag) =	ssettag $0x2  }
0x1bf: {  	s0 =	rddreg [dreg:$0x0];
	s2 =	stileid.u32  }
0x1c0: {  	s1 =	rddreg [dreg:$0x1];
	p0 =	sne.s32 s2, $0x0  }
0x1c1: {  	s3 =	rddreg [dreg:$0x2];
	[bflag:$0x3] =	sbarrier.arrive $0xFFFF;
	s2 =	simm.s32 @!p0 $0x1C01  }
0x1c2: {  	[timem:s3], [sflag:s2] =	dma.local @!p0 [hbm:s0], s1  }
0x1c3: {  	s0 =	simm.s32 @!p0 $0x1  }
0x1c4: {  	_ =	swait.ge @!p0 [sflag:s0], s1  }
0x1c5: {  	s1 =	ssub.s32 @!p0 $0x0, s1;
	[sflag:s0] =	ssyncset.done @!p0 $0x0  }
0x1c6: {  	[sflag:s0] =	ssyncadd.s32 @!p0 s1  }
0x1c7: {  	[bflag:$0x3] =	sbarrier.arrive $0xFFFF  }
0x1c8: {  	_ =	shalt  }

</sc_bundles>
